<compile_context>
chip_gen: v7x
topology: tpu7x:2x2x1
jax: 0.10.2.dev20260603
libtpu: 0.0.44.dev20260713+nightly
codegen_flags: <defaults>
</compile_context>

<pallas_src>
import functools

import jax
import jax.numpy as jnp
from jax import lax
from jax.experimental import pallas as pl
from jax.experimental.pallas import tpu as pltpu
from jax.experimental.pallas import tpu_sc as plsc

N_NODES = 10000
N_EDGES = 10000
NNZ = 320000
D = 128

NC = 2
NS = 16
NW = NC * NS
K = 96
NJ = 106
NNZ_PAD = NJ * NW * K
ACC_ROWS = 10112
ZROWS = ACC_ROWS // NS
OROWS = 624

def _common_scratch():
    return [
        pltpu.VMEM((K,), jnp.int32),
        pltpu.VMEM((K,), jnp.int32),
        pltpu.VMEM((K,), jnp.int32),
        pltpu.VMEM((K,), jnp.int32),
        pltpu.VMEM((K, D), jnp.float32),
        pltpu.VMEM((K, D), jnp.float32),
        pltpu.VMEM_SHARED((ACC_ROWS, D), jnp.float32),
        pltpu.SemaphoreType.DMA,
        pltpu.SemaphoreType.DMA,
    ]


def _pipeline(table_hbm, gidx_hbm, sidx_hbm, zeros_hbm, out_hbm,
              gi, si, rb, acc, sem, scale_fn):
    c = lax.axis_index("c")
    s = lax.axis_index("s")
    t = s * NC + c

    pltpu.sync_copy(zeros_hbm, acc.at[pl.ds(pl.multiple_of(s * ZROWS, 8),
                                            ZROWS)])
    plsc.subcore_barrier()

    def idx_copy(j, b):
        off = pl.multiple_of((j * NW + t) * K, 8)
        pltpu.sync_copy(gidx_hbm.at[pl.ds(off, K)], gi[b])
        pltpu.sync_copy(sidx_hbm.at[pl.ds(off, K)], si[b])

    def gather_start(b):
        pltpu.async_copy(table_hbm.at[gi[b]], rb[b], sem[b])

    def gather_wait(b):
        pltpu.make_async_copy(table_hbm.at[gi[b]], rb[b], sem[b]).wait()

    def scatter(b):
        pltpu.sync_copy(rb[b], acc.at[si[b]], add=True)

    idx_copy(0, 0)
    gather_start(0)
    idx_copy(1, 1)

    def pair(p, carry):
        for b in range(2):
            j = p * 2 + b
            gather_wait(b)
            gather_start(1 - b)
            scale_fn(b, gi, si, rb)
            scatter(b)
            idx_copy(j + 2, b)
        return carry

    lax.fori_loop(0, NJ // 2 - 1, pair, 0)

    gather_wait(0)
    gather_start(1)
    scale_fn(0, gi, si, rb)
    scatter(0)
    gather_wait(1)
    scale_fn(1, gi, si, rb)
    scatter(1)

    plsc.subcore_barrier()

    @pl.when(s < NS - 1)
    def _():
        pltpu.sync_copy(
            acc.at[pl.ds(pl.multiple_of(s * OROWS, 8), OROWS)],
            out_hbm.at[pl.ds(pl.multiple_of(c * N_EDGES + s * OROWS, 8),
                             OROWS)])

    last = (NS - 1) * OROWS
    last_n = N_EDGES - last

    @pl.when(s == NS - 1)
    def _():
        pltpu.sync_copy(
            acc.at[pl.ds(last, last_n)],
            out_hbm.at[pl.ds(pl.multiple_of(c * N_EDGES + last, 8), last_n)])


def _no_scale(b, gi, si, rb):
    del b, gi, si, rb


@functools.lru_cache(maxsize=None)
def _build_sc_kernels():
    mesh = plsc.VectorSubcoreMesh(core_axis_name="c", subcore_axis_name="s",
                                  num_cores=NC, num_subcores=NS)

    @functools.partial(
        pl.kernel,
        out_type=jax.ShapeDtypeStruct((NC * N_EDGES, D), jnp.float32),
        mesh=mesh,
        scratch_types=_common_scratch(),
        compiler_params=pltpu.CompilerParams(needs_layout_passes=False),
    )
    def segment_sum_sc(gidx_hbm, sidx_hbm, table_hbm, zeros_hbm, out_hbm,
                       gi0, gi1, si0, si1, rb0, rb1, acc, sem0, sem1):
        _pipeline(table_hbm, gidx_hbm, sidx_hbm, zeros_hbm, out_hbm,
                  (gi0, gi1), (si0, si1), (rb0, rb1), acc, (sem0, sem1),
                  _no_scale)

    @functools.partial(
        pl.kernel,
        out_type=jax.ShapeDtypeStruct((NC * N_NODES, D), jnp.float32),
        mesh=mesh,
        scratch_types=_common_scratch() + [
            pltpu.VMEM((N_EDGES,), jnp.float32),
            pltpu.VMEM((N_NODES,), jnp.float32),
            pltpu.VMEM((K,), jnp.float32),
        ],
        compiler_params=pltpu.CompilerParams(needs_layout_passes=False),
    )
    def att_segment_sum_sc(gidx_hbm, sidx_hbm, table_hbm, zeros_hbm,
                           se_hbm, sn_hbm, out_hbm,
                           gi0, gi1, si0, si1, rb0, rb1, acc, sem0, sem1,
                           se_v, sn_v, att_v):
        pltpu.sync_copy(se_hbm, se_v)
        pltpu.sync_copy(sn_hbm, sn_v)

        def scale(b, gi, si, rb):
            for v in range(K // 16):
                ee = gi[b][pl.ds(v * 16, 16)]
                nn = si[b][pl.ds(v * 16, 16)]
                z = plsc.load_gather(se_v, [ee]) + plsc.load_gather(sn_v, [nn])
                att_v[pl.ds(v * 16, 16)] = jnp.where(z > 0, z, jnp.exp(z) - 1.0)

            def rbody(r, carry):
                a = plsc.load_gather(att_v, [jnp.full((16,), r, jnp.int32)])
                for cb in range(D // 16):
                    rb[b][r, pl.ds(cb * 16, 16)] = (
                        rb[b][r, pl.ds(cb * 16, 16)] * a)
                return carry

            lax.fori_loop(0, K, rbody, 0, unroll=2)

        _pipeline(table_hbm, gidx_hbm, sidx_hbm, zeros_hbm, out_hbm,
                  (gi0, gi1), (si0, si1), (rb0, rb1), acc, (sem0, sem1),
                  scale)

    return segment_sum_sc, att_segment_sum_sc


def _tc1_body(mp_ref, x0_ref, w_ref, aw_ref, xm_ref, se_ref, sn_ref):
    m = mp_ref[0] + mp_ref[1]
    xm = jnp.dot(m, w_ref[...], preferred_element_type=jnp.float32)
    xm_ref[...] = xm
    se_ref[...] = jnp.sum(xm * aw_ref[0][None, :], axis=1, keepdims=True)
    sn_ref[...] = jnp.sum(x0_ref[...] * aw_ref[1][None, :], axis=1,
                          keepdims=True)


_tc1 = pl.pallas_call(
    _tc1_body,
    out_shape=(
        jax.ShapeDtypeStruct((N_EDGES, D), jnp.float32),
        jax.ShapeDtypeStruct((N_EDGES, 1), jnp.float32),
        jax.ShapeDtypeStruct((N_NODES, 1), jnp.float32),
    ),
)


def _tc2_body(p_ref, o_ref):
    o_ref[...] = p_ref[0] + p_ref[1]


_tc2 = pl.pallas_call(
    _tc2_body,
    out_shape=jax.ShapeDtypeStruct((N_NODES, D), jnp.float32),
)


def kernel(x_0, W, att_weight, incidence_indices):
    node_idx = incidence_indices[0]
    edge_idx = incidence_indices[1]
    pad = NNZ_PAD - NNZ
    zero_pad = jnp.zeros((pad,), jnp.int32)
    dummy_pad = jnp.full((pad,), N_EDGES, jnp.int32)
    zeros_rows = jnp.zeros((ZROWS, D), jnp.float32)
    _segment_sum_sc, _att_segment_sum_sc = _build_sc_kernels()

    gidx_a = jnp.concatenate([node_idx, zero_pad])
    sidx_a = jnp.concatenate([edge_idx, dummy_pad])
    m_part = _segment_sum_sc(gidx_a, sidx_a, x_0, zeros_rows)

    xm, se, sn = _tc1(m_part.reshape(NC, N_EDGES, D), x_0, W,
                      att_weight.reshape(2, D))

    gidx_b = jnp.concatenate([edge_idx, zero_pad])
    sidx_b = jnp.concatenate([node_idx, dummy_pad])
    out_part = _att_segment_sum_sc(gidx_b, sidx_b, xm, zeros_rows,
                                   se.reshape(-1), sn.reshape(-1))
    return _tc2(out_part.reshape(NC, N_NODES, D))

# --- scband reference (transcript-rebuilt; emitter-appended) ---
"""Pipeline reference for scband-uni-gatlayer-81905026334990 (READ-ONLY COPY).

The authoritative reference and input builder live on the scoring server;
editing this copy changes nothing except your own understanding.
"""

import jax, jax.numpy as jnp
import numpy as np

N_NODES = 10000
N_EDGES = 10000
NNZ = 320000
D = 128

def _xavier_uniform(key, shape, gain=1.414):
    fan_in = shape[0]
    fan_out = shape[1] if len(shape) > 1 else 1
    a = gain * np.sqrt(6.0 / (fan_in + fan_out))
    return jax.random.uniform(key, shape, minval=-a, maxval=a, dtype=jnp.float32)

def setup_inputs(seed: int = 0):
    key = jax.random.key(seed)
    k1, k2, k3, k4 = jax.random.split(key, 4)
    x_0 = jax.random.normal(k1, (N_NODES, D), dtype=jnp.float32)
    # incidence_1 is a sparse [n_nodes, n_edges] matrix with NNZ ones;
    # row 0 = node indices (rows), row 1 = hyperedge indices (cols)
    incidence_indices = jax.random.randint(k2, (2, NNZ), 0, N_NODES, dtype=jnp.int32)
    W = _xavier_uniform(k3, (D, D))
    att_weight = _xavier_uniform(k4, (2 * D, 1)).reshape(-1)
    return {"x_0": x_0, "W": W, "att_weight": att_weight, "incidence_indices": incidence_indices}

def reference(x_0, W, att_weight, incidence_indices):
    node_idx = incidence_indices[0]  # target_index_i (rows of B_1)
    edge_idx = incidence_indices[1]  # source_index_j (cols of B_1)
    # Step 1: m_0_1 = B_1^T @ x_0  (hyperedges sum their member nodes' features)
    m_0_1 = jax.ops.segment_sum(x_0[node_idx], edge_idx, num_segments=N_EDGES)
    # Conv with attention: x_message = m_0_1 @ W
    x_message = jnp.dot(m_0_1, W)
    # attention coefficients per nnz entry: elu(cat([x_message[j], x_0[i]]) @ a)
    x_src = x_message[edge_idx]
    x_tgt = x_0[node_idx]
    att_vals = jax.nn.elu(jnp.dot(jnp.concatenate([x_src, x_tgt], axis=1), att_weight))
    # x_message_on_target = (B_1 * att) @ x_message  (values of B_1 are ones)
    msgs = att_vals[:, None] * x_src
    out = jax.ops.segment_sum(msgs, node_idx, num_segments=N_NODES)
    return out

if __name__ == "__main__":
    import jax
    _d = setup_inputs()
    print(jax.jit(kernel)(*tuple(_d.values())))

</pallas_src>

<mosaic_0001>
#map = affine_map<(d0, d1) -> (0)>
#map1 = affine_map<(d0, d1) -> (0, 0)>
module attributes {stable_mosaic.version = 14 : i64} {
  func.func @att_segment_sum_sc(%arg0: i32, %arg1: i32, %arg2: memref<325632xi32, #tpu.memory_space<hbm>>, %arg3: memref<325632xi32, #tpu.memory_space<hbm>>, %arg4: memref<10000x128xf32, #tpu.memory_space<hbm>>, %arg5: memref<632x128xf32, #tpu.memory_space<hbm>>, %arg6: memref<10000xf32, #tpu.memory_space<hbm>>, %arg7: memref<10000xf32, #tpu.memory_space<hbm>>, %arg8: memref<20000x128xf32, #tpu.memory_space<hbm>>, %arg9: memref<96xi32, #tpu.memory_space<vmem>>, %arg10: memref<96xi32, #tpu.memory_space<vmem>>, %arg11: memref<96xi32, #tpu.memory_space<vmem>>, %arg12: memref<96xi32, #tpu.memory_space<vmem>>, %arg13: memref<96x128xf32, #tpu.memory_space<vmem>>, %arg14: memref<96x128xf32, #tpu.memory_space<vmem>>, %arg15: memref<10112x128xf32, #tpu.memory_space<vmem_shared>>, %arg16: memref<!tpu.dma_semaphore, #tpu.memory_space<semaphore_mem>>, %arg17: memref<!tpu.dma_semaphore, #tpu.memory_space<semaphore_mem>>, %arg18: memref<10000xf32, #tpu.memory_space<vmem>>, %arg19: memref<10000xf32, #tpu.memory_space<vmem>>, %arg20: memref<96xf32, #tpu.memory_space<vmem>>) attributes {dimension_semantics = [#tpu.dimension_semantics<core_parallel>, #tpu.dimension_semantics<subcore_parallel>], iteration_bounds = array<i64: 2, 16>, scalar_prefetch = 0 : i64, scratch_operands = 12 : i64, tpu.core_type = #tpu.core_type<sc_vector_subcore>, window_params = [{transform_indices = #map}, {transform_indices = #map}, {transform_indices = #map1}, {transform_indices = #map1}, {transform_indices = #map}, {transform_indices = #map}, {transform_indices = #map1}]} {
    "tpu.region"() ({
      %run_scoped3A = tpu.sem_alloc : memref<!tpu.dma_semaphore, #tpu.memory_space<semaphore_mem>>
      tpu.enqueue_dma source(%arg6 : memref<10000xf32, #tpu.memory_space<hbm>>) target(%arg18 : memref<10000xf32, #tpu.memory_space<vmem>>) target_semaphore(%run_scoped3A : memref<!tpu.dma_semaphore, #tpu.memory_space<semaphore_mem>>)
      tpu.wait_dma2 semaphore(%run_scoped3A : memref<!tpu.dma_semaphore, #tpu.memory_space<semaphore_mem>>) src(%arg6 : memref<10000xf32, #tpu.memory_space<hbm>>) dst(%arg18 : memref<10000xf32, #tpu.memory_space<vmem>>)
      tpu.yield
    }) : () -> ()
    "tpu.region"() ({
      %run_scoped3A = tpu.sem_alloc : memref<!tpu.dma_semaphore, #tpu.memory_space<semaphore_mem>>
      tpu.enqueue_dma source(%arg7 : memref<10000xf32, #tpu.memory_space<hbm>>) target(%arg19 : memref<10000xf32, #tpu.memory_space<vmem>>) target_semaphore(%run_scoped3A : memref<!tpu.dma_semaphore, #tpu.memory_space<semaphore_mem>>)
      tpu.wait_dma2 semaphore(%run_scoped3A : memref<!tpu.dma_semaphore, #tpu.memory_space<semaphore_mem>>) src(%arg7 : memref<10000xf32, #tpu.memory_space<hbm>>) dst(%arg19 : memref<10000xf32, #tpu.memory_space<vmem>>)
      tpu.yield
    }) : () -> ()
    %mul3A = arith.constant 2 : i32
    %mul3A_0 = arith.muli %arg1, %mul3A : i32
    %add3A = arith.addi %mul3A_0, %arg0 : i32
    %mul3A_1 = arith.constant 632 : i32
    %mul3A_2 = arith.muli %arg1, %mul3A_1 : i32
    %multiple_of3A = tpu.assume_multiple %mul3A_2, 8 : i32
    "tpu.region"() ({
      %run_scoped3A = tpu.sem_alloc : memref<!tpu.dma_semaphore, #tpu.memory_space<semaphore_mem>>
      %dma_start3A_244 = arith.constant 0 : i32
      %dma_start3A_245 = tpu.memref_slice %arg15[%multiple_of3A, %dma_start3A_244] : memref<10112x128xf32, #tpu.memory_space<vmem_shared>> -> memref<632x128xf32, #tpu.memory_space<vmem_shared>>
      tpu.enqueue_dma source(%arg5 : memref<632x128xf32, #tpu.memory_space<hbm>>) target(%dma_start3A_245 : memref<632x128xf32, #tpu.memory_space<vmem_shared>>) target_semaphore(%run_scoped3A : memref<!tpu.dma_semaphore, #tpu.memory_space<semaphore_mem>>)
      %dma_wait3A_246 = arith.constant 0 : i32
      %dma_wait3A_247 = tpu.memref_slice %arg15[%multiple_of3A, %dma_wait3A_246] : memref<10112x128xf32, #tpu.memory_space<vmem_shared>> -> memref<632x128xf32, #tpu.memory_space<vmem_shared>>
      tpu.wait_dma2 semaphore(%run_scoped3A : memref<!tpu.dma_semaphore, #tpu.memory_space<semaphore_mem>>) src(%arg5 : memref<632x128xf32, #tpu.memory_space<hbm>>) dst(%dma_wait3A_247 : memref<632x128xf32, #tpu.memory_space<vmem_shared>>)
      tpu.yield
    }) : () -> ()
    %barrier3A = arith.constant 0 : index
    tpu.barrier barrier_id(%barrier3A)
    %add3A_3 = arith.constant 0 : i32
    %add3A_4 = arith.addi %add3A_3, %add3A : i32
    %mul3A_5 = arith.constant 96 : i32
    %mul3A_6 = arith.muli %add3A_4, %mul3A_5 : i32
    %multiple_of3A_7 = tpu.assume_multiple %mul3A_6, 8 : i32
    "tpu.region"() ({
      %run_scoped3A = tpu.sem_alloc : memref<!tpu.dma_semaphore, #tpu.memory_space<semaphore_mem>>
      %dma_start3A_244 = tpu.memref_slice %arg2[%multiple_of3A_7] : memref<325632xi32, #tpu.memory_space<hbm>> -> memref<96xi32, #tpu.memory_space<hbm>>
      %dma_start3A_245 = tpu.memref_slice %arg2[%multiple_of3A_7] : memref<325632xi32, #tpu.memory_space<hbm>> -> memref<96xi32, #tpu.memory_space<hbm>>
      tpu.enqueue_dma source(%dma_start3A_245 : memref<96xi32, #tpu.memory_space<hbm>>) target(%arg9 : memref<96xi32, #tpu.memory_space<vmem>>) target_semaphore(%run_scoped3A : memref<!tpu.dma_semaphore, #tpu.memory_space<semaphore_mem>>)
      %dma_wait3A_246 = tpu.memref_slice %arg2[%multiple_of3A_7] : memref<325632xi32, #tpu.memory_space<hbm>> -> memref<96xi32, #tpu.memory_space<hbm>>
      %dma_wait3A_247 = tpu.memref_slice %arg2[%multiple_of3A_7] : memref<325632xi32, #tpu.memory_space<hbm>> -> memref<96xi32, #tpu.memory_space<hbm>>
      tpu.wait_dma2 semaphore(%run_scoped3A : memref<!tpu.dma_semaphore, #tpu.memory_space<semaphore_mem>>) src(%dma_wait3A_247 : memref<96xi32, #tpu.memory_space<hbm>>) dst(%arg9 : memref<96xi32, #tpu.memory_space<vmem>>)
      tpu.yield
    }) : () -> ()
    "tpu.region"() ({
      %run_scoped3A = tpu.sem_alloc : memref<!tpu.dma_semaphore, #tpu.memory_space<semaphore_mem>>
      %dma_start3A_244 = tpu.memref_slice %arg3[%multiple_of3A_7] : memref<325632xi32, #tpu.memory_space<hbm>> -> memref<96xi32, #tpu.memory_space<hbm>>
      %dma_start3A_245 = tpu.memref_slice %arg3[%multiple_of3A_7] : memref<325632xi32, #tpu.memory_space<hbm>> -> memref<96xi32, #tpu.memory_space<hbm>>
      tpu.enqueue_dma source(%dma_start3A_245 : memref<96xi32, #tpu.memory_space<hbm>>) target(%arg11 : memref<96xi32, #tpu.memory_space<vmem>>) target_semaphore(%run_scoped3A : memref<!tpu.dma_semaphore, #tpu.memory_space<semaphore_mem>>)
      %dma_wait3A_246 = tpu.memref_slice %arg3[%multiple_of3A_7] : memref<325632xi32, #tpu.memory_space<hbm>> -> memref<96xi32, #tpu.memory_space<hbm>>
      %dma_wait3A_247 = tpu.memref_slice %arg3[%multiple_of3A_7] : memref<325632xi32, #tpu.memory_space<hbm>> -> memref<96xi32, #tpu.memory_space<hbm>>
      tpu.wait_dma2 semaphore(%run_scoped3A : memref<!tpu.dma_semaphore, #tpu.memory_space<semaphore_mem>>) src(%dma_wait3A_247 : memref<96xi32, #tpu.memory_space<hbm>>) dst(%arg11 : memref<96xi32, #tpu.memory_space<vmem>>)
      tpu.yield
    }) : () -> ()
    %dma_start3A = arith.constant 0 : i32
    %dma_start3A_8 = arith.constant 0 : i32
    %dma_start3A_9 = tpu.memref_slice %arg4[%dma_start3A, %dma_start3A_8] : memref<10000x128xf32, #tpu.memory_space<hbm>> -> memref<10000x128xf32, #tpu.memory_space<hbm>>
    tpu.enqueue_indirect_dma source(%dma_start3A_9 : memref<10000x128xf32, #tpu.memory_space<hbm>>) target(%arg13 : memref<96x128xf32, #tpu.memory_space<vmem>>) offsets(%arg9 : memref<96xi32, #tpu.memory_space<vmem>>) semaphore(%arg16 : memref<!tpu.dma_semaphore, #tpu.memory_space<semaphore_mem>>)
    %add3A_10 = arith.constant 32 : i32
    %add3A_11 = arith.addi %add3A_10, %add3A : i32
    %mul3A_12 = arith.constant 96 : i32
    %mul3A_13 = arith.muli %add3A_11, %mul3A_12 : i32
    %multiple_of3A_14 = tpu.assume_multiple %mul3A_13, 8 : i32
    "tpu.region"() ({
      %run_scoped3A = tpu.sem_alloc : memref<!tpu.dma_semaphore, #tpu.memory_space<semaphore_mem>>
      %dma_start3A_244 = tpu.memref_slice %arg2[%multiple_of3A_14] : memref<325632xi32, #tpu.memory_space<hbm>> -> memref<96xi32, #tpu.memory_space<hbm>>
      %dma_start3A_245 = tpu.memref_slice %arg2[%multiple_of3A_14] : memref<325632xi32, #tpu.memory_space<hbm>> -> memref<96xi32, #tpu.memory_space<hbm>>
      tpu.enqueue_dma source(%dma_start3A_245 : memref<96xi32, #tpu.memory_space<hbm>>) target(%arg10 : memref<96xi32, #tpu.memory_space<vmem>>) target_semaphore(%run_scoped3A : memref<!tpu.dma_semaphore, #tpu.memory_space<semaphore_mem>>)
      %dma_wait3A_246 = tpu.memref_slice %arg2[%multiple_of3A_14] : memref<325632xi32, #tpu.memory_space<hbm>> -> memref<96xi32, #tpu.memory_space<hbm>>
      %dma_wait3A_247 = tpu.memref_slice %arg2[%multiple_of3A_14] : memref<325632xi32, #tpu.memory_space<hbm>> -> memref<96xi32, #tpu.memory_space<hbm>>
      tpu.wait_dma2 semaphore(%run_scoped3A : memref<!tpu.dma_semaphore, #tpu.memory_space<semaphore_mem>>) src(%dma_wait3A_247 : memref<96xi32, #tpu.memory_space<hbm>>) dst(%arg10 : memref<96xi32, #tpu.memory_space<vmem>>)
      tpu.yield
    }) : () -> ()
    "tpu.region"() ({
      %run_scoped3A = tpu.sem_alloc : memref<!tpu.dma_semaphore, #tpu.memory_space<semaphore_mem>>
      %dma_start3A_244 = tpu.memref_slice %arg3[%multiple_of3A_14] : memref<325632xi32, #tpu.memory_space<hbm>> -> memref<96xi32, #tpu.memory_space<hbm>>
      %dma_start3A_245 = tpu.memref_slice %arg3[%multiple_of3A_14] : memref<325632xi32, #tpu.memory_space<hbm>> -> memref<96xi32, #tpu.memory_space<hbm>>
      tpu.enqueue_dma source(%dma_start3A_245 : memref<96xi32, #tpu.memory_space<hbm>>) target(%arg12 : memref<96xi32, #tpu.memory_space<vmem>>) target_semaphore(%run_scoped3A : memref<!tpu.dma_semaphore, #tpu.memory_space<semaphore_mem>>)
      %dma_wait3A_246 = tpu.memref_slice %arg3[%multiple_of3A_14] : memref<325632xi32, #tpu.memory_space<hbm>> -> memref<96xi32, #tpu.memory_space<hbm>>
      %dma_wait3A_247 = tpu.memref_slice %arg3[%multiple_of3A_14] : memref<325632xi32, #tpu.memory_space<hbm>> -> memref<96xi32, #tpu.memory_space<hbm>>
      tpu.wait_dma2 semaphore(%run_scoped3A : memref<!tpu.dma_semaphore, #tpu.memory_space<semaphore_mem>>) src(%dma_wait3A_247 : memref<96xi32, #tpu.memory_space<hbm>>) dst(%arg12 : memref<96xi32, #tpu.memory_space<vmem>>)
      tpu.yield
    }) : () -> ()
    %scan3A = arith.constant 0 : i32
    %scan3A_15 = arith.constant 0 : i32
    %scan3A_16 = arith.constant 52 : i32
    %scan3A_17 = arith.addi %scan3A_15, %scan3A_16 : i32
    %scan3A_18 = arith.constant 1 : i32
    scf.for %scan3A_244 = %scan3A_15 to %scan3A_17 step %scan3A_18  : i32 {
      %mul3A_245 = arith.constant 2 : i32
      %mul3A_246 = arith.muli %scan3A_244, %mul3A_245 : i32
      %add3A_247 = arith.constant 0 : i32
      %add3A_248 = arith.addi %mul3A_246, %add3A_247 : i32
      %dma_wait3A_249 = arith.constant 0 : i32
      %dma_wait3A_250 = arith.constant 0 : i32
      %dma_wait3A_251 = tpu.memref_slice %arg4[%dma_wait3A_249, %dma_wait3A_250] : memref<10000x128xf32, #tpu.memory_space<hbm>> -> memref<10000x128xf32, #tpu.memory_space<hbm>>
      tpu.wait_indirect_dma semaphore(%arg16 : memref<!tpu.dma_semaphore, #tpu.memory_space<semaphore_mem>>) src(%dma_wait3A_251 : memref<10000x128xf32, #tpu.memory_space<hbm>>) dst(%arg13 : memref<96x128xf32, #tpu.memory_space<vmem>>)
      %dma_start3A_252 = arith.constant 0 : i32
      %dma_start3A_253 = arith.constant 0 : i32
      %dma_start3A_254 = tpu.memref_slice %arg4[%dma_start3A_252, %dma_start3A_253] : memref<10000x128xf32, #tpu.memory_space<hbm>> -> memref<10000x128xf32, #tpu.memory_space<hbm>>
      tpu.enqueue_indirect_dma source(%dma_start3A_254 : memref<10000x128xf32, #tpu.memory_space<hbm>>) target(%arg14 : memref<96x128xf32, #tpu.memory_space<vmem>>) offsets(%arg10 : memref<96xi32, #tpu.memory_space<vmem>>) semaphore(%arg17 : memref<!tpu.dma_semaphore, #tpu.memory_space<semaphore_mem>>)
      %get3A_255 = arith.constant 0 : index
      %get3A_256 = tpu.vector_load %arg9[%get3A_255] {strides = array<i32>} : memref<96xi32, #tpu.memory_space<vmem>>, vector<16xi32>,
      %get3A_257 = arith.constant 0 : index
      %get3A_258 = tpu.vector_load %arg11[%get3A_257] {strides = array<i32>} : memref<96xi32, #tpu.memory_space<vmem>>, vector<16xi32>,
      %gather3A_259 = tpu.vector_load_idx %arg18[%get3A_256] : memref<10000xf32, #tpu.memory_space<vmem>>[vector<16xi32>], vector<16xf32>,
      %gather3A_260 = tpu.vector_load_idx %arg19[%get3A_258] : memref<10000xf32, #tpu.memory_space<vmem>>[vector<16xi32>], vector<16xf32>,
      %add3A_261 = arith.addf %gather3A_259, %gather3A_260 : vector<16xf32>
      %gt3A_262 = arith.constant 0.000000e+00 : f32
      %gt3A_263 = vector.broadcast %gt3A_262 : f32 to vector<16xf32>
      %gt3A_264 = arith.cmpf ogt, %add3A_261, %gt3A_263 : vector<16xf32>
      %exp3A_265 = math.exp %add3A_261 : vector<16xf32>
      %sub3A_266 = arith.constant 1.000000e+00 : f32
      %sub3A_267 = vector.broadcast %sub3A_266 : f32 to vector<16xf32>
      %sub3A_268 = arith.subf %exp3A_265, %sub3A_267 : vector<16xf32>
      %select_n3A_269 = arith.select %gt3A_264, %add3A_261, %sub3A_268 : vector<16xi1>, vector<16xf32>
      %swap3A_270 = arith.constant 0 : index
      %swap3A_271 = tpu.vector_load %arg20[%swap3A_270] {strides = array<i32>} : memref<96xf32, #tpu.memory_space<vmem>>, vector<16xf32>,
      tpu.vector_store %arg20[%swap3A_270], %select_n3A_269 {strides = array<i32>} : memref<96xf32, #tpu.memory_space<vmem>>, vector<16xf32>,
      %get3A_272 = arith.constant 16 : index
      %get3A_273 = tpu.vector_load %arg9[%get3A_272] {strides = array<i32>} : memref<96xi32, #tpu.memory_space<vmem>>, vector<16xi32>,
      %get3A_274 = arith.constant 16 : index
      %get3A_275 = tpu.vector_load %arg11[%get3A_274] {strides = array<i32>} : memref<96xi32, #tpu.memory_space<vmem>>, vector<16xi32>,
      %gather3A_276 = tpu.vector_load_idx %arg18[%get3A_273] : memref<10000xf32, #tpu.memory_space<vmem>>[vector<16xi32>], vector<16xf32>,
      %gather3A_277 = tpu.vector_load_idx %arg19[%get3A_275] : memref<10000xf32, #tpu.memory_space<vmem>>[vector<16xi32>], vector<16xf32>,
      %add3A_278 = arith.addf %gather3A_276, %gather3A_277 : vector<16xf32>
      %gt3A_279 = arith.constant 0.000000e+00 : f32
      %gt3A_280 = vector.broadcast %gt3A_279 : f32 to vector<16xf32>
      %gt3A_281 = arith.cmpf ogt, %add3A_278, %gt3A_280 : vector<16xf32>
      %exp3A_282 = math.exp %add3A_278 : vector<16xf32>
      %sub3A_283 = arith.constant 1.000000e+00 : f32
      %sub3A_284 = vector.broadcast %sub3A_283 : f32 to vector<16xf32>
      %sub3A_285 = arith.subf %exp3A_282, %sub3A_284 : vector<16xf32>
      %select_n3A_286 = arith.select %gt3A_281, %add3A_278, %sub3A_285 : vector<16xi1>, vector<16xf32>
      %swap3A_287 = arith.constant 16 : index
      %swap3A_288 = tpu.vector_load %arg20[%swap3A_287] {strides = array<i32>} : memref<96xf32, #tpu.memory_space<vmem>>, vector<16xf32>,
      tpu.vector_store %arg20[%swap3A_287], %select_n3A_286 {strides = array<i32>} : memref<96xf32, #tpu.memory_space<vmem>>, vector<16xf32>,
      %get3A_289 = arith.constant 32 : index
      %get3A_290 = tpu.vector_load %arg9[%get3A_289] {strides = array<i32>} : memref<96xi32, #tpu.memory_space<vmem>>, vector<16xi32>,
      %get3A_291 = arith.constant 32 : index
      %get3A_292 = tpu.vector_load %arg11[%get3A_291] {strides = array<i32>} : memref<96xi32, #tpu.memory_space<vmem>>, vector<16xi32>,
      %gather3A_293 = tpu.vector_load_idx %arg18[%get3A_290] : memref<10000xf32, #tpu.memory_space<vmem>>[vector<16xi32>], vector<16xf32>,
      %gather3A_294 = tpu.vector_load_idx %arg19[%get3A_292] : memref<10000xf32, #tpu.memory_space<vmem>>[vector<16xi32>], vector<16xf32>,
      %add3A_295 = arith.addf %gather3A_293, %gather3A_294 : vector<16xf32>
      %gt3A_296 = arith.constant 0.000000e+00 : f32
      %gt3A_297 = vector.broadcast %gt3A_296 : f32 to vector<16xf32>
      %gt3A_298 = arith.cmpf ogt, %add3A_295, %gt3A_297 : vector<16xf32>
      %exp3A_299 = math.exp %add3A_295 : vector<16xf32>
      %sub3A_300 = arith.constant 1.000000e+00 : f32
      %sub3A_301 = vector.broadcast %sub3A_300 : f32 to vector<16xf32>
      %sub3A_302 = arith.subf %exp3A_299, %sub3A_301 : vector<16xf32>
      %select_n3A_303 = arith.select %gt3A_298, %add3A_295, %sub3A_302 : vector<16xi1>, vector<16xf32>
      %swap3A_304 = arith.constant 32 : index
      %swap3A_305 = tpu.vector_load %arg20[%swap3A_304] {strides = array<i32>} : memref<96xf32, #tpu.memory_space<vmem>>, vector<16xf32>,
      tpu.vector_store %arg20[%swap3A_304], %select_n3A_303 {strides = array<i32>} : memref<96xf32, #tpu.memory_space<vmem>>, vector<16xf32>,
      %get3A_306 = arith.constant 48 : index
      %get3A_307 = tpu.vector_load %arg9[%get3A_306] {strides = array<i32>} : memref<96xi32, #tpu.memory_space<vmem>>, vector<16xi32>,
      %get3A_308 = arith.constant 48 : index
      %get3A_309 = tpu.vector_load %arg11[%get3A_308] {strides = array<i32>} : memref<96xi32, #tpu.memory_space<vmem>>, vector<16xi32>,
      %gather3A_310 = tpu.vector_load_idx %arg18[%get3A_307] : memref<10000xf32, #tpu.memory_space<vmem>>[vector<16xi32>], vector<16xf32>,
      %gather3A_311 = tpu.vector_load_idx %arg19[%get3A_309] : memref<10000xf32, #tpu.memory_space<vmem>>[vector<16xi32>], vector<16xf32>,
      %add3A_312 = arith.addf %gather3A_310, %gather3A_311 : vector<16xf32>
      %gt3A_313 = arith.constant 0.000000e+00 : f32
      %gt3A_314 = vector.broadcast %gt3A_313 : f32 to vector<16xf32>
      %gt3A_315 = arith.cmpf ogt, %add3A_312, %gt3A_314 : vector<16xf32>
      %exp3A_316 = math.exp %add3A_312 : vector<16xf32>
      %sub3A_317 = arith.constant 1.000000e+00 : f32
      %sub3A_318 = vector.broadcast %sub3A_317 : f32 to vector<16xf32>
      %sub3A_319 = arith.subf %exp3A_316, %sub3A_318 : vector<16xf32>
      %select_n3A_320 = arith.select %gt3A_315, %add3A_312, %sub3A_319 : vector<16xi1>, vector<16xf32>
      %swap3A_321 = arith.constant 48 : index
      %swap3A_322 = tpu.vector_load %arg20[%swap3A_321] {strides = array<i32>} : memref<96xf32, #tpu.memory_space<vmem>>, vector<16xf32>,
      tpu.vector_store %arg20[%swap3A_321], %select_n3A_320 {strides = array<i32>} : memref<96xf32, #tpu.memory_space<vmem>>, vector<16xf32>,
      %get3A_323 = arith.constant 64 : index
      %get3A_324 = tpu.vector_load %arg9[%get3A_323] {strides = array<i32>} : memref<96xi32, #tpu.memory_space<vmem>>, vector<16xi32>,
      %get3A_325 = arith.constant 64 : index
      %get3A_326 = tpu.vector_load %arg11[%get3A_325] {strides = array<i32>} : memref<96xi32, #tpu.memory_space<vmem>>, vector<16xi32>,
      %gather3A_327 = tpu.vector_load_idx %arg18[%get3A_324] : memref<10000xf32, #tpu.memory_space<vmem>>[vector<16xi32>], vector<16xf32>,
      %gather3A_328 = tpu.vector_load_idx %arg19[%get3A_326] : memref<10000xf32, #tpu.memory_space<vmem>>[vector<16xi32>], vector<16xf32>,
      %add3A_329 = arith.addf %gather3A_327, %gather3A_328 : vector<16xf32>
      %gt3A_330 = arith.constant 0.000000e+00 : f32
      %gt3A_331 = vector.broadcast %gt3A_330 : f32 to vector<16xf32>
      %gt3A_332 = arith.cmpf ogt, %add3A_329, %gt3A_331 : vector<16xf32>
      %exp3A_333 = math.exp %add3A_329 : vector<16xf32>
      %sub3A_334 = arith.constant 1.000000e+00 : f32
      %sub3A_335 = vector.broadcast %sub3A_334 : f32 to vector<16xf32>
      %sub3A_336 = arith.subf %exp3A_333, %sub3A_335 : vector<16xf32>
      %select_n3A_337 = arith.select %gt3A_332, %add3A_329, %sub3A_336 : vector<16xi1>, vector<16xf32>
      %swap3A_338 = arith.constant 64 : index
      %swap3A_339 = tpu.vector_load %arg20[%swap3A_338] {strides = array<i32>} : memref<96xf32, #tpu.memory_space<vmem>>, vector<16xf32>,
      tpu.vector_store %arg20[%swap3A_338], %select_n3A_337 {strides = array<i32>} : memref<96xf32, #tpu.memory_space<vmem>>, vector<16xf32>,
      %get3A_340 = arith.constant 80 : index
      %get3A_341 = tpu.vector_load %arg9[%get3A_340] {strides = array<i32>} : memref<96xi32, #tpu.memory_space<vmem>>, vector<16xi32>,
      %get3A_342 = arith.constant 80 : index
      %get3A_343 = tpu.vector_load %arg11[%get3A_342] {strides = array<i32>} : memref<96xi32, #tpu.memory_space<vmem>>, vector<16xi32>,
      %gather3A_344 = tpu.vector_load_idx %arg18[%get3A_341] : memref<10000xf32, #tpu.memory_space<vmem>>[vector<16xi32>], vector<16xf32>,
      %gather3A_345 = tpu.vector_load_idx %arg19[%get3A_343] : memref<10000xf32, #tpu.memory_space<vmem>>[vector<16xi32>], vector<16xf32>,
      %add3A_346 = arith.addf %gather3A_344, %gather3A_345 : vector<16xf32>
      %gt3A_347 = arith.constant 0.000000e+00 : f32
      %gt3A_348 = vector.broadcast %gt3A_347 : f32 to vector<16xf32>
      %gt3A_349 = arith.cmpf ogt, %add3A_346, %gt3A_348 : vector<16xf32>
      %exp3A_350 = math.exp %add3A_346 : vector<16xf32>
      %sub3A_351 = arith.constant 1.000000e+00 : f32
      %sub3A_352 = vector.broadcast %sub3A_351 : f32 to vector<16xf32>
      %sub3A_353 = arith.subf %exp3A_350, %sub3A_352 : vector<16xf32>
      %select_n3A_354 = arith.select %gt3A_349, %add3A_346, %sub3A_353 : vector<16xi1>, vector<16xf32>
      %swap3A_355 = arith.constant 80 : index
      %swap3A_356 = tpu.vector_load %arg20[%swap3A_355] {strides = array<i32>} : memref<96xf32, #tpu.memory_space<vmem>>, vector<16xf32>,
      tpu.vector_store %arg20[%swap3A_355], %select_n3A_354 {strides = array<i32>} : memref<96xf32, #tpu.memory_space<vmem>>, vector<16xf32>,
      %scan3A_357 = arith.constant 0 : i32
      %scan3A_358 = arith.constant 0 : i32
      %scan3A_359 = arith.constant 96 : i32
      %scan3A_360 = arith.addi %scan3A_358, %scan3A_359 : i32
      %scan3A_361 = arith.constant 2 : i32
      scf.for %scan3A_497 = %scan3A_358 to %scan3A_360 step %scan3A_361  : i32 {
        %broadcast_in_dim3A = vector.broadcast %scan3A_497 : i32 to vector<16xi32>
        %gather3A_498 = tpu.vector_load_idx %arg20[%broadcast_in_dim3A] : memref<96xf32, #tpu.memory_space<vmem>>[vector<16xi32>], vector<16xf32>,
        %get3A_499 = arith.index_cast %scan3A_497 : i32 to index
        %get3A_500 = arith.constant 0 : index
        %get3A_501 = tpu.vector_load %arg13[%get3A_499, %get3A_500] {strides = array<i32>} : memref<96x128xf32, #tpu.memory_space<vmem>>, vector<16xf32>,
        %mul3A_502 = arith.mulf %get3A_501, %gather3A_498 : vector<16xf32>
        %swap3A_503 = arith.index_cast %scan3A_497 : i32 to index
        %swap3A_504 = arith.constant 0 : index
        %swap3A_505 = tpu.vector_load %arg13[%swap3A_503, %swap3A_504] {strides = array<i32>} : memref<96x128xf32, #tpu.memory_space<vmem>>, vector<16xf32>,
        tpu.vector_store %arg13[%swap3A_503, %swap3A_504], %mul3A_502 {strides = array<i32>} : memref<96x128xf32, #tpu.memory_space<vmem>>, vector<16xf32>,
        %get3A_506 = arith.index_cast %scan3A_497 : i32 to index
        %get3A_507 = arith.constant 16 : index
        %get3A_508 = tpu.vector_load %arg13[%get3A_506, %get3A_507] {strides = array<i32>} : memref<96x128xf32, #tpu.memory_space<vmem>>, vector<16xf32>,
        %mul3A_509 = arith.mulf %get3A_508, %gather3A_498 : vector<16xf32>
        %swap3A_510 = arith.index_cast %scan3A_497 : i32 to index
        %swap3A_511 = arith.constant 16 : index
        %swap3A_512 = tpu.vector_load %arg13[%swap3A_510, %swap3A_511] {strides = array<i32>} : memref<96x128xf32, #tpu.memory_space<vmem>>, vector<16xf32>,
        tpu.vector_store %arg13[%swap3A_510, %swap3A_511], %mul3A_509 {strides = array<i32>} : memref<96x128xf32, #tpu.memory_space<vmem>>, vector<16xf32>,
        %get3A_513 = arith.index_cast %scan3A_497 : i32 to index
        %get3A_514 = arith.constant 32 : index
        %get3A_515 = tpu.vector_load %arg13[%get3A_513, %get3A_514] {strides = array<i32>} : memref<96x128xf32, #tpu.memory_space<vmem>>, vector<16xf32>,
        %mul3A_516 = arith.mulf %get3A_515, %gather3A_498 : vector<16xf32>
        %swap3A_517 = arith.index_cast %scan3A_497 : i32 to index
        %swap3A_518 = arith.constant 32 : index
        %swap3A_519 = tpu.vector_load %arg13[%swap3A_517, %swap3A_518] {strides = array<i32>} : memref<96x128xf32, #tpu.memory_space<vmem>>, vector<16xf32>,
        tpu.vector_store %arg13[%swap3A_517, %swap3A_518], %mul3A_516 {strides = array<i32>} : memref<96x128xf32, #tpu.memory_space<vmem>>, vector<16xf32>,
        %get3A_520 = arith.index_cast %scan3A_497 : i32 to index
        %get3A_521 = arith.constant 48 : index
        %get3A_522 = tpu.vector_load %arg13[%get3A_520, %get3A_521] {strides = array<i32>} : memref<96x128xf32, #tpu.memory_space<vmem>>, vector<16xf32>,
        %mul3A_523 = arith.mulf %get3A_522, %gather3A_498 : vector<16xf32>
        %swap3A_524 = arith.index_cast %scan3A_497 : i32 to index
        %swap3A_525 = arith.constant 48 : index
        %swap3A_526 = tpu.vector_load %arg13[%swap3A_524, %swap3A_525] {strides = array<i32>} : memref<96x128xf32, #tpu.memory_space<vmem>>, vector<16xf32>,
        tpu.vector_store %arg13[%swap3A_524, %swap3A_525], %mul3A_523 {strides = array<i32>} : memref<96x128xf32, #tpu.memory_space<vmem>>, vector<16xf32>,
        %get3A_527 = arith.index_cast %scan3A_497 : i32 to index
        %get3A_528 = arith.constant 64 : index
        %get3A_529 = tpu.vector_load %arg13[%get3A_527, %get3A_528] {strides = array<i32>} : memref<96x128xf32, #tpu.memory_space<vmem>>, vector<16xf32>,
        %mul3A_530 = arith.mulf %get3A_529, %gather3A_498 : vector<16xf32>
        %swap3A_531 = arith.index_cast %scan3A_497 : i32 to index
        %swap3A_532 = arith.constant 64 : index
        %swap3A_533 = tpu.vector_load %arg13[%swap3A_531, %swap3A_532] {strides = array<i32>} : memref<96x128xf32, #tpu.memory_space<vmem>>, vector<16xf32>,
        tpu.vector_store %arg13[%swap3A_531, %swap3A_532], %mul3A_530 {strides = array<i32>} : memref<96x128xf32, #tpu.memory_space<vmem>>, vector<16xf32>,
        %get3A_534 = arith.index_cast %scan3A_497 : i32 to index
        %get3A_535 = arith.constant 80 : index
        %get3A_536 = tpu.vector_load %arg13[%get3A_534, %get3A_535] {strides = array<i32>} : memref<96x128xf32, #tpu.memory_space<vmem>>, vector<16xf32>,
        %mul3A_537 = arith.mulf %get3A_536, %gather3A_498 : vector<16xf32>
        %swap3A_538 = arith.index_cast %scan3A_497 : i32 to index
        %swap3A_539 = arith.constant 80 : index
        %swap3A_540 = tpu.vector_load %arg13[%swap3A_538, %swap3A_539] {strides = array<i32>} : memref<96x128xf32, #tpu.memory_space<vmem>>, vector<16xf32>,
        tpu.vector_store %arg13[%swap3A_538, %swap3A_539], %mul3A_537 {strides = array<i32>} : memref<96x128xf32, #tpu.memory_space<vmem>>, vector<16xf32>,
        %get3A_541 = arith.index_cast %scan3A_497 : i32 to index
        %get3A_542 = arith.constant 96 : index
        %get3A_543 = tpu.vector_load %arg13[%get3A_541, %get3A_542] {strides = array<i32>} : memref<96x128xf32, #tpu.memory_space<vmem>>, vector<16xf32>,
        %mul3A_544 = arith.mulf %get3A_543, %gather3A_498 : vector<16xf32>
        %swap3A_545 = arith.index_cast %scan3A_497 : i32 to index
        %swap3A_546 = arith.constant 96 : index
        %swap3A_547 = tpu.vector_load %arg13[%swap3A_545, %swap3A_546] {strides = array<i32>} : memref<96x128xf32, #tpu.memory_space<vmem>>, vector<16xf32>,
        tpu.vector_store %arg13[%swap3A_545, %swap3A_546], %mul3A_544 {strides = array<i32>} : memref<96x128xf32, #tpu.memory_space<vmem>>, vector<16xf32>,
        %get3A_548 = arith.index_cast %scan3A_497 : i32 to index
        %get3A_549 = arith.constant 112 : index
        %get3A_550 = tpu.vector_load %arg13[%get3A_548, %get3A_549] {strides = array<i32>} : memref<96x128xf32, #tpu.memory_space<vmem>>, vector<16xf32>,
        %mul3A_551 = arith.mulf %get3A_550, %gather3A_498 : vector<16xf32>
        %swap3A_552 = arith.index_cast %scan3A_497 : i32 to index
        %swap3A_553 = arith.constant 112 : index
        %swap3A_554 = tpu.vector_load %arg13[%swap3A_552, %swap3A_553] {strides = array<i32>} : memref<96x128xf32, #tpu.memory_space<vmem>>, vector<16xf32>,
        tpu.vector_store %arg13[%swap3A_552, %swap3A_553], %mul3A_551 {strides = array<i32>} : memref<96x128xf32, #tpu.memory_space<vmem>>, vector<16xf32>,
        %scan3A_555 = arith.constant 1 : i32
        %scan3A_556 = arith.addi %scan3A_497, %scan3A_555 : i32
        %broadcast_in_dim3A_557 = vector.broadcast %scan3A_556 : i32 to vector<16xi32>
        %gather3A_558 = tpu.vector_load_idx %arg20[%broadcast_in_dim3A_557] : memref<96xf32, #tpu.memory_space<vmem>>[vector<16xi32>], vector<16xf32>,
        %get3A_559 = arith.index_cast %scan3A_556 : i32 to index
        %get3A_560 = arith.constant 0 : index
        %get3A_561 = tpu.vector_load %arg13[%get3A_559, %get3A_560] {strides = array<i32>} : memref<96x128xf32, #tpu.memory_space<vmem>>, vector<16xf32>,
        %mul3A_562 = arith.mulf %get3A_561, %gather3A_558 : vector<16xf32>
        %swap3A_563 = arith.index_cast %scan3A_556 : i32 to index
        %swap3A_564 = arith.constant 0 : index
        %swap3A_565 = tpu.vector_load %arg13[%swap3A_563, %swap3A_564] {strides = array<i32>} : memref<96x128xf32, #tpu.memory_space<vmem>>, vector<16xf32>,
        tpu.vector_store %arg13[%swap3A_563, %swap3A_564], %mul3A_562 {strides = array<i32>} : memref<96x128xf32, #tpu.memory_space<vmem>>, vector<16xf32>,
        %get3A_566 = arith.index_cast %scan3A_556 : i32 to index
        %get3A_567 = arith.constant 16 : index
        %get3A_568 = tpu.vector_load %arg13[%get3A_566, %get3A_567] {strides = array<i32>} : memref<96x128xf32, #tpu.memory_space<vmem>>, vector<16xf32>,
        %mul3A_569 = arith.mulf %get3A_568, %gather3A_558 : vector<16xf32>
        %swap3A_570 = arith.index_cast %scan3A_556 : i32 to index
        %swap3A_571 = arith.constant 16 : index
        %swap3A_572 = tpu.vector_load %arg13[%swap3A_570, %swap3A_571] {strides = array<i32>} : memref<96x128xf32, #tpu.memory_space<vmem>>, vector<16xf32>,
        tpu.vector_store %arg13[%swap3A_570, %swap3A_571], %mul3A_569 {strides = array<i32>} : memref<96x128xf32, #tpu.memory_space<vmem>>, vector<16xf32>,
        %get3A_573 = arith.index_cast %scan3A_556 : i32 to index
        %get3A_574 = arith.constant 32 : index
        %get3A_575 = tpu.vector_load %arg13[%get3A_573, %get3A_574] {strides = array<i32>} : memref<96x128xf32, #tpu.memory_space<vmem>>, vector<16xf32>,
        %mul3A_576 = arith.mulf %get3A_575, %gather3A_558 : vector<16xf32>
        %swap3A_577 = arith.index_cast %scan3A_556 : i32 to index
        %swap3A_578 = arith.constant 32 : index
        %swap3A_579 = tpu.vector_load %arg13[%swap3A_577, %swap3A_578] {strides = array<i32>} : memref<96x128xf32, #tpu.memory_space<vmem>>, vector<16xf32>,
        tpu.vector_store %arg13[%swap3A_577, %swap3A_578], %mul3A_576 {strides = array<i32>} : memref<96x128xf32, #tpu.memory_space<vmem>>, vector<16xf32>,
        %get3A_580 = arith.index_cast %scan3A_556 : i32 to index
        %get3A_581 = arith.constant 48 : index
        %get3A_582 = tpu.vector_load %arg13[%get3A_580, %get3A_581] {strides = array<i32>} : memref<96x128xf32, #tpu.memory_space<vmem>>, vector<16xf32>,
        %mul3A_583 = arith.mulf %get3A_582, %gather3A_558 : vector<16xf32>
        %swap3A_584 = arith.index_cast %scan3A_556 : i32 to index
        %swap3A_585 = arith.constant 48 : index
        %swap3A_586 = tpu.vector_load %arg13[%swap3A_584, %swap3A_585] {strides = array<i32>} : memref<96x128xf32, #tpu.memory_space<vmem>>, vector<16xf32>,
        tpu.vector_store %arg13[%swap3A_584, %swap3A_585], %mul3A_583 {strides = array<i32>} : memref<96x128xf32, #tpu.memory_space<vmem>>, vector<16xf32>,
        %get3A_587 = arith.index_cast %scan3A_556 : i32 to index
        %get3A_588 = arith.constant 64 : index
        %get3A_589 = tpu.vector_load %arg13[%get3A_587, %get3A_588] {strides = array<i32>} : memref<96x128xf32, #tpu.memory_space<vmem>>, vector<16xf32>,
        %mul3A_590 = arith.mulf %get3A_589, %gather3A_558 : vector<16xf32>
        %swap3A_591 = arith.index_cast %scan3A_556 : i32 to index
        %swap3A_592 = arith.constant 64 : index
        %swap3A_593 = tpu.vector_load %arg13[%swap3A_591, %swap3A_592] {strides = array<i32>} : memref<96x128xf32, #tpu.memory_space<vmem>>, vector<16xf32>,
        tpu.vector_store %arg13[%swap3A_591, %swap3A_592], %mul3A_590 {strides = array<i32>} : memref<96x128xf32, #tpu.memory_space<vmem>>, vector<16xf32>,
        %get3A_594 = arith.index_cast %scan3A_556 : i32 to index
        %get3A_595 = arith.constant 80 : index
        %get3A_596 = tpu.vector_load %arg13[%get3A_594, %get3A_595] {strides = array<i32>} : memref<96x128xf32, #tpu.memory_space<vmem>>, vector<16xf32>,
        %mul3A_597 = arith.mulf %get3A_596, %gather3A_558 : vector<16xf32>
        %swap3A_598 = arith.index_cast %scan3A_556 : i32 to index
        %swap3A_599 = arith.constant 80 : index
        %swap3A_600 = tpu.vector_load %arg13[%swap3A_598, %swap3A_599] {strides = array<i32>} : memref<96x128xf32, #tpu.memory_space<vmem>>, vector<16xf32>,
        tpu.vector_store %arg13[%swap3A_598, %swap3A_599], %mul3A_597 {strides = array<i32>} : memref<96x128xf32, #tpu.memory_space<vmem>>, vector<16xf32>,
        %get3A_601 = arith.index_cast %scan3A_556 : i32 to index
        %get3A_602 = arith.constant 96 : index
        %get3A_603 = tpu.vector_load %arg13[%get3A_601, %get3A_602] {strides = array<i32>} : memref<96x128xf32, #tpu.memory_space<vmem>>, vector<16xf32>,
        %mul3A_604 = arith.mulf %get3A_603, %gather3A_558 : vector<16xf32>
        %swap3A_605 = arith.index_cast %scan3A_556 : i32 to index
        %swap3A_606 = arith.constant 96 : index
        %swap3A_607 = tpu.vector_load %arg13[%swap3A_605, %swap3A_606] {strides = array<i32>} : memref<96x128xf32, #tpu.memory_space<vmem>>, vector<16xf32>,
        tpu.vector_store %arg13[%swap3A_605, %swap3A_606], %mul3A_604 {strides = array<i32>} : memref<96x128xf32, #tpu.memory_space<vmem>>, vector<16xf32>,
        %get3A_608 = arith.index_cast %scan3A_556 : i32 to index
        %get3A_609 = arith.constant 112 : index
        %get3A_610 = tpu.vector_load %arg13[%get3A_608, %get3A_609] {strides = array<i32>} : memref<96x128xf32, #tpu.memory_space<vmem>>, vector<16xf32>,
        %mul3A_611 = arith.mulf %get3A_610, %gather3A_558 : vector<16xf32>
        %swap3A_612 = arith.index_cast %scan3A_556 : i32 to index
        %swap3A_613 = arith.constant 112 : index
        %swap3A_614 = tpu.vector_load %arg13[%swap3A_612, %swap3A_613] {strides = array<i32>} : memref<96x128xf32, #tpu.memory_space<vmem>>, vector<16xf32>,
        tpu.vector_store %arg13[%swap3A_612, %swap3A_613], %mul3A_611 {strides = array<i32>} : memref<96x128xf32, #tpu.memory_space<vmem>>, vector<16xf32>,
      }
      %scan3A_362 = arith.constant 96 : i32
      "tpu.region"() ({
        %run_scoped3A = tpu.sem_alloc : memref<!tpu.dma_semaphore, #tpu.memory_space<semaphore_mem>>
        %dma_start3A_497 = arith.constant 0 : i32
        %dma_start3A_498 = arith.constant 0 : i32
        %dma_start3A_499 = tpu.memref_slice %arg15[%dma_start3A_497, %dma_start3A_498] : memref<10112x128xf32, #tpu.memory_space<vmem_shared>> -> memref<10112x128xf32, #tpu.memory_space<vmem_shared>>
        tpu.enqueue_indirect_dma source(%arg13 : memref<96x128xf32, #tpu.memory_space<vmem>>) target(%dma_start3A_499 : memref<10112x128xf32, #tpu.memory_space<vmem_shared>>) offsets(%arg11 : memref<96xi32, #tpu.memory_space<vmem>>) semaphore(%run_scoped3A : memref<!tpu.dma_semaphore, #tpu.memory_space<semaphore_mem>>) {add = true}
        %dma_wait3A_500 = arith.constant 0 : i32
        %dma_wait3A_501 = arith.constant 0 : i32
        %dma_wait3A_502 = tpu.memref_slice %arg15[%dma_wait3A_500, %dma_wait3A_501] : memref<10112x128xf32, #tpu.memory_space<vmem_shared>> -> memref<10112x128xf32, #tpu.memory_space<vmem_shared>>
        tpu.wait_indirect_dma semaphore(%run_scoped3A : memref<!tpu.dma_semaphore, #tpu.memory_space<semaphore_mem>>) src(%arg13 : memref<96x128xf32, #tpu.memory_space<vmem>>) dst(%dma_wait3A_502 : memref<10112x128xf32, #tpu.memory_space<vmem_shared>>)
        tpu.yield
      }) : () -> ()
      %add3A_363 = arith.constant 2 : i32
      %add3A_364 = arith.addi %add3A_248, %add3A_363 : i32
      %mul3A_365 = arith.constant 32 : i32
      %mul3A_366 = arith.muli %add3A_364, %mul3A_365 : i32
      %add3A_367 = arith.addi %mul3A_366, %add3A : i32
      %mul3A_368 = arith.constant 96 : i32
      %mul3A_369 = arith.muli %add3A_367, %mul3A_368 : i32
      %multiple_of3A_370 = tpu.assume_multiple %mul3A_369, 8 : i32
      "tpu.region"() ({
        %run_scoped3A = tpu.sem_alloc : memref<!tpu.dma_semaphore, #tpu.memory_space<semaphore_mem>>
        %dma_start3A_497 = tpu.memref_slice %arg2[%multiple_of3A_370] : memref<325632xi32, #tpu.memory_space<hbm>> -> memref<96xi32, #tpu.memory_space<hbm>>
        %dma_start3A_498 = tpu.memref_slice %arg2[%multiple_of3A_370] : memref<325632xi32, #tpu.memory_space<hbm>> -> memref<96xi32, #tpu.memory_space<hbm>>
        tpu.enqueue_dma source(%dma_start3A_498 : memref<96xi32, #tpu.memory_space<hbm>>) target(%arg9 : memref<96xi32, #tpu.memory_space<vmem>>) target_semaphore(%run_scoped3A : memref<!tpu.dma_semaphore, #tpu.memory_space<semaphore_mem>>)
        %dma_wait3A_499 = tpu.memref_slice %arg2[%multiple_of3A_370] : memref<325632xi32, #tpu.memory_space<hbm>> -> memref<96xi32, #tpu.memory_space<hbm>>
        %dma_wait3A_500 = tpu.memref_slice %arg2[%multiple_of3A_370] : memref<325632xi32, #tpu.memory_space<hbm>> -> memref<96xi32, #tpu.memory_space<hbm>>
        tpu.wait_dma2 semaphore(%run_scoped3A : memref<!tpu.dma_semaphore, #tpu.memory_space<semaphore_mem>>) src(%dma_wait3A_500 : memref<96xi32, #tpu.memory_space<hbm>>) dst(%arg9 : memref<96xi32, #tpu.memory_space<vmem>>)
        tpu.yield
      }) : () -> ()
      "tpu.region"() ({
        %run_scoped3A = tpu.sem_alloc : memref<!tpu.dma_semaphore, #tpu.memory_space<semaphore_mem>>
        %dma_start3A_497 = tpu.memref_slice %arg3[%multiple_of3A_370] : memref<325632xi32, #tpu.memory_space<hbm>> -> memref<96xi32, #tpu.memory_space<hbm>>
        %dma_start3A_498 = tpu.memref_slice %arg3[%multiple_of3A_370] : memref<325632xi32, #tpu.memory_space<hbm>> -> memref<96xi32, #tpu.memory_space<hbm>>
        tpu.enqueue_dma source(%dma_start3A_498 : memref<96xi32, #tpu.memory_space<hbm>>) target(%arg11 : memref<96xi32, #tpu.memory_space<vmem>>) target_semaphore(%run_scoped3A : memref<!tpu.dma_semaphore, #tpu.memory_space<semaphore_mem>>)
        %dma_wait3A_499 = tpu.memref_slice %arg3[%multiple_of3A_370] : memref<325632xi32, #tpu.memory_space<hbm>> -> memref<96xi32, #tpu.memory_space<hbm>>
        %dma_wait3A_500 = tpu.memref_slice %arg3[%multiple_of3A_370] : memref<325632xi32, #tpu.memory_space<hbm>> -> memref<96xi32, #tpu.memory_space<hbm>>
        tpu.wait_dma2 semaphore(%run_scoped3A : memref<!tpu.dma_semaphore, #tpu.memory_space<semaphore_mem>>) src(%dma_wait3A_500 : memref<96xi32, #tpu.memory_space<hbm>>) dst(%arg11 : memref<96xi32, #tpu.memory_space<vmem>>)
        tpu.yield
      }) : () -> ()
      %mul3A_371 = arith.constant 2 : i32
      %mul3A_372 = arith.muli %scan3A_244, %mul3A_371 : i32
      %add3A_373 = arith.constant 1 : i32
      %add3A_374 = arith.addi %mul3A_372, %add3A_373 : i32
      %dma_wait3A_375 = arith.constant 0 : i32
      %dma_wait3A_376 = arith.constant 0 : i32
      %dma_wait3A_377 = tpu.memref_slice %arg4[%dma_wait3A_375, %dma_wait3A_376] : memref<10000x128xf32, #tpu.memory_space<hbm>> -> memref<10000x128xf32, #tpu.memory_space<hbm>>
      tpu.wait_indirect_dma semaphore(%arg17 : memref<!tpu.dma_semaphore, #tpu.memory_space<semaphore_mem>>) src(%dma_wait3A_377 : memref<10000x128xf32, #tpu.memory_space<hbm>>) dst(%arg14 : memref<96x128xf32, #tpu.memory_space<vmem>>)
      %dma_start3A_378 = arith.constant 0 : i32
      %dma_start3A_379 = arith.constant 0 : i32
      %dma_start3A_380 = tpu.memref_slice %arg4[%dma_start3A_378, %dma_start3A_379] : memref<10000x128xf32, #tpu.memory_space<hbm>> -> memref<10000x128xf32, #tpu.memory_space<hbm>>
      tpu.enqueue_indirect_dma source(%dma_start3A_380 : memref<10000x128xf32, #tpu.memory_space<hbm>>) target(%arg13 : memref<96x128xf32, #tpu.memory_space<vmem>>) offsets(%arg9 : memref<96xi32, #tpu.memory_space<vmem>>) semaphore(%arg16 : memref<!tpu.dma_semaphore, #tpu.memory_space<semaphore_mem>>)
      %get3A_381 = arith.constant 0 : index
      %get3A_382 = tpu.vector_load %arg10[%get3A_381] {strides = array<i32>} : memref<96xi32, #tpu.memory_space<vmem>>, vector<16xi32>,
      %get3A_383 = arith.constant 0 : index
      %get3A_384 = tpu.vector_load %arg12[%get3A_383] {strides = array<i32>} : memref<96xi32, #tpu.memory_space<vmem>>, vector<16xi32>,
      %gather3A_385 = tpu.vector_load_idx %arg18[%get3A_382] : memref<10000xf32, #tpu.memory_space<vmem>>[vector<16xi32>], vector<16xf32>,
      %gather3A_386 = tpu.vector_load_idx %arg19[%get3A_384] : memref<10000xf32, #tpu.memory_space<vmem>>[vector<16xi32>], vector<16xf32>,
      %add3A_387 = arith.addf %gather3A_385, %gather3A_386 : vector<16xf32>
      %gt3A_388 = arith.constant 0.000000e+00 : f32
      %gt3A_389 = vector.broadcast %gt3A_388 : f32 to vector<16xf32>
      %gt3A_390 = arith.cmpf ogt, %add3A_387, %gt3A_389 : vector<16xf32>
      %exp3A_391 = math.exp %add3A_387 : vector<16xf32>
      %sub3A_392 = arith.constant 1.000000e+00 : f32
      %sub3A_393 = vector.broadcast %sub3A_392 : f32 to vector<16xf32>
      %sub3A_394 = arith.subf %exp3A_391, %sub3A_393 : vector<16xf32>
      %select_n3A_395 = arith.select %gt3A_390, %add3A_387, %sub3A_394 : vector<16xi1>, vector<16xf32>
      %swap3A_396 = arith.constant 0 : index
      %swap3A_397 = tpu.vector_load %arg20[%swap3A_396] {strides = array<i32>} : memref<96xf32, #tpu.memory_space<vmem>>, vector<16xf32>,
      tpu.vector_store %arg20[%swap3A_396], %select_n3A_395 {strides = array<i32>} : memref<96xf32, #tpu.memory_space<vmem>>, vector<16xf32>,
      %get3A_398 = arith.constant 16 : index
      %get3A_399 = tpu.vector_load %arg10[%get3A_398] {strides = array<i32>} : memref<96xi32, #tpu.memory_space<vmem>>, vector<16xi32>,
      %get3A_400 = arith.constant 16 : index
      %get3A_401 = tpu.vector_load %arg12[%get3A_400] {strides = array<i32>} : memref<96xi32, #tpu.memory_space<vmem>>, vector<16xi32>,
      %gather3A_402 = tpu.vector_load_idx %arg18[%get3A_399] : memref<10000xf32, #tpu.memory_space<vmem>>[vector<16xi32>], vector<16xf32>,
      %gather3A_403 = tpu.vector_load_idx %arg19[%get3A_401] : memref<10000xf32, #tpu.memory_space<vmem>>[vector<16xi32>], vector<16xf32>,
      %add3A_404 = arith.addf %gather3A_402, %gather3A_403 : vector<16xf32>
      %gt3A_405 = arith.constant 0.000000e+00 : f32
      %gt3A_406 = vector.broadcast %gt3A_405 : f32 to vector<16xf32>
      %gt3A_407 = arith.cmpf ogt, %add3A_404, %gt3A_406 : vector<16xf32>
      %exp3A_408 = math.exp %add3A_404 : vector<16xf32>
      %sub3A_409 = arith.constant 1.000000e+00 : f32
      %sub3A_410 = vector.broadcast %sub3A_409 : f32 to vector<16xf32>
      %sub3A_411 = arith.subf %exp3A_408, %sub3A_410 : vector<16xf32>
      %select_n3A_412 = arith.select %gt3A_407, %add3A_404, %sub3A_411 : vector<16xi1>, vector<16xf32>
      %swap3A_413 = arith.constant 16 : index
      %swap3A_414 = tpu.vector_load %arg20[%swap3A_413] {strides = array<i32>} : memref<96xf32, #tpu.memory_space<vmem>>, vector<16xf32>,
      tpu.vector_store %arg20[%swap3A_413], %select_n3A_412 {strides = array<i32>} : memref<96xf32, #tpu.memory_space<vmem>>, vector<16xf32>,
      %get3A_415 = arith.constant 32 : index
      %get3A_416 = tpu.vector_load %arg10[%get3A_415] {strides = array<i32>} : memref<96xi32, #tpu.memory_space<vmem>>, vector<16xi32>,
      %get3A_417 = arith.constant 32 : index
      %get3A_418 = tpu.vector_load %arg12[%get3A_417] {strides = array<i32>} : memref<96xi32, #tpu.memory_space<vmem>>, vector<16xi32>,
      %gather3A_419 = tpu.vector_load_idx %arg18[%get3A_416] : memref<10000xf32, #tpu.memory_space<vmem>>[vector<16xi32>], vector<16xf32>,
      %gather3A_420 = tpu.vector_load_idx %arg19[%get3A_418] : memref<10000xf32, #tpu.memory_space<vmem>>[vector<16xi32>], vector<16xf32>,
      %add3A_421 = arith.addf %gather3A_419, %gather3A_420 : vector<16xf32>
      %gt3A_422 = arith.constant 0.000000e+00 : f32
      %gt3A_423 = vector.broadcast %gt3A_422 : f32 to vector<16xf32>
      %gt3A_424 = arith.cmpf ogt, %add3A_421, %gt3A_423 : vector<16xf32>
      %exp3A_425 = math.exp %add3A_421 : vector<16xf32>
      %sub3A_426 = arith.constant 1.000000e+00 : f32
      %sub3A_427 = vector.broadcast %sub3A_426 : f32 to vector<16xf32>
      %sub3A_428 = arith.subf %exp3A_425, %sub3A_427 : vector<16xf32>
      %select_n3A_429 = arith.select %gt3A_424, %add3A_421, %sub3A_428 : vector<16xi1>, vector<16xf32>
      %swap3A_430 = arith.constant 32 : index
      %swap3A_431 = tpu.vector_load %arg20[%swap3A_430] {strides = array<i32>} : memref<96xf32, #tpu.memory_space<vmem>>, vector<16xf32>,
      tpu.vector_store %arg20[%swap3A_430], %select_n3A_429 {strides = array<i32>} : memref<96xf32, #tpu.memory_space<vmem>>, vector<16xf32>,
      %get3A_432 = arith.constant 48 : index
      %get3A_433 = tpu.vector_load %arg10[%get3A_432] {strides = array<i32>} : memref<96xi32, #tpu.memory_space<vmem>>, vector<16xi32>,
      %get3A_434 = arith.constant 48 : index
      %get3A_435 = tpu.vector_load %arg12[%get3A_434] {strides = array<i32>} : memref<96xi32, #tpu.memory_space<vmem>>, vector<16xi32>,
      %gather3A_436 = tpu.vector_load_idx %arg18[%get3A_433] : memref<10000xf32, #tpu.memory_space<vmem>>[vector<16xi32>], vector<16xf32>,
      %gather3A_437 = tpu.vector_load_idx %arg19[%get3A_435] : memref<10000xf32, #tpu.memory_space<vmem>>[vector<16xi32>], vector<16xf32>,
      %add3A_438 = arith.addf %gather3A_436, %gather3A_437 : vector<16xf32>
      %gt3A_439 = arith.constant 0.000000e+00 : f32
      %gt3A_440 = vector.broadcast %gt3A_439 : f32 to vector<16xf32>
      %gt3A_441 = arith.cmpf ogt, %add3A_438, %gt3A_440 : vector<16xf32>
      %exp3A_442 = math.exp %add3A_438 : vector<16xf32>
      %sub3A_443 = arith.constant 1.000000e+00 : f32
      %sub3A_444 = vector.broadcast %sub3A_443 : f32 to vector<16xf32>
      %sub3A_445 = arith.subf %exp3A_442, %sub3A_444 : vector<16xf32>
      %select_n3A_446 = arith.select %gt3A_441, %add3A_438, %sub3A_445 : vector<16xi1>, vector<16xf32>
      %swap3A_447 = arith.constant 48 : index
      %swap3A_448 = tpu.vector_load %arg20[%swap3A_447] {strides = array<i32>} : memref<96xf32, #tpu.memory_space<vmem>>, vector<16xf32>,
      tpu.vector_store %arg20[%swap3A_447], %select_n3A_446 {strides = array<i32>} : memref<96xf32, #tpu.memory_space<vmem>>, vector<16xf32>,
      %get3A_449 = arith.constant 64 : index
      %get3A_450 = tpu.vector_load %arg10[%get3A_449] {strides = array<i32>} : memref<96xi32, #tpu.memory_space<vmem>>, vector<16xi32>,
      %get3A_451 = arith.constant 64 : index
      %get3A_452 = tpu.vector_load %arg12[%get3A_451] {strides = array<i32>} : memref<96xi32, #tpu.memory_space<vmem>>, vector<16xi32>,
      %gather3A_453 = tpu.vector_load_idx %arg18[%get3A_450] : memref<10000xf32, #tpu.memory_space<vmem>>[vector<16xi32>], vector<16xf32>,
      %gather3A_454 = tpu.vector_load_idx %arg19[%get3A_452] : memref<10000xf32, #tpu.memory_space<vmem>>[vector<16xi32>], vector<16xf32>,
      %add3A_455 = arith.addf %gather3A_453, %gather3A_454 : vector<16xf32>
      %gt3A_456 = arith.constant 0.000000e+00 : f32
      %gt3A_457 = vector.broadcast %gt3A_456 : f32 to vector<16xf32>
      %gt3A_458 = arith.cmpf ogt, %add3A_455, %gt3A_457 : vector<16xf32>
      %exp3A_459 = math.exp %add3A_455 : vector<16xf32>
      %sub3A_460 = arith.constant 1.000000e+00 : f32
      %sub3A_461 = vector.broadcast %sub3A_460 : f32 to vector<16xf32>
      %sub3A_462 = arith.subf %exp3A_459, %sub3A_461 : vector<16xf32>
      %select_n3A_463 = arith.select %gt3A_458, %add3A_455, %sub3A_462 : vector<16xi1>, vector<16xf32>
      %swap3A_464 = arith.constant 64 : index
      %swap3A_465 = tpu.vector_load %arg20[%swap3A_464] {strides = array<i32>} : memref<96xf32, #tpu.memory_space<vmem>>, vector<16xf32>,
      tpu.vector_store %arg20[%swap3A_464], %select_n3A_463 {strides = array<i32>} : memref<96xf32, #tpu.memory_space<vmem>>, vector<16xf32>,
      %get3A_466 = arith.constant 80 : index
      %get3A_467 = tpu.vector_load %arg10[%get3A_466] {strides = array<i32>} : memref<96xi32, #tpu.memory_space<vmem>>, vector<16xi32>,
      %get3A_468 = arith.constant 80 : index
      %get3A_469 = tpu.vector_load %arg12[%get3A_468] {strides = array<i32>} : memref<96xi32, #tpu.memory_space<vmem>>, vector<16xi32>,
      %gather3A_470 = tpu.vector_load_idx %arg18[%get3A_467] : memref<10000xf32, #tpu.memory_space<vmem>>[vector<16xi32>], vector<16xf32>,
      %gather3A_471 = tpu.vector_load_idx %arg19[%get3A_469] : memref<10000xf32, #tpu.memory_space<vmem>>[vector<16xi32>], vector<16xf32>,
      %add3A_472 = arith.addf %gather3A_470, %gather3A_471 : vector<16xf32>
      %gt3A_473 = arith.constant 0.000000e+00 : f32
      %gt3A_474 = vector.broadcast %gt3A_473 : f32 to vector<16xf32>
      %gt3A_475 = arith.cmpf ogt, %add3A_472, %gt3A_474 : vector<16xf32>
      %exp3A_476 = math.exp %add3A_472 : vector<16xf32>
      %sub3A_477 = arith.constant 1.000000e+00 : f32
      %sub3A_478 = vector.broadcast %sub3A_477 : f32 to vector<16xf32>
      %sub3A_479 = arith.subf %exp3A_476, %sub3A_478 : vector<16xf32>
      %select_n3A_480 = arith.select %gt3A_475, %add3A_472, %sub3A_479 : vector<16xi1>, vector<16xf32>
      %swap3A_481 = arith.constant 80 : index
      %swap3A_482 = tpu.vector_load %arg20[%swap3A_481] {strides = array<i32>} : memref<96xf32, #tpu.memory_space<vmem>>, vector<16xf32>,
      tpu.vector_store %arg20[%swap3A_481], %select_n3A_480 {strides = array<i32>} : memref<96xf32, #tpu.memory_space<vmem>>, vector<16xf32>,
      %scan3A_483 = arith.constant 0 : i32
      %scan3A_484 = arith.constant 0 : i32
      %scan3A_485 = arith.constant 96 : i32
      %scan3A_486 = arith.addi %scan3A_484, %scan3A_485 : i32
      %scan3A_487 = arith.constant 2 : i32
      scf.for %scan3A_497 = %scan3A_484 to %scan3A_486 step %scan3A_487  : i32 {
        %broadcast_in_dim3A = vector.broadcast %scan3A_497 : i32 to vector<16xi32>
        %gather3A_498 = tpu.vector_load_idx %arg20[%broadcast_in_dim3A] : memref<96xf32, #tpu.memory_space<vmem>>[vector<16xi32>], vector<16xf32>,
        %get3A_499 = arith.index_cast %scan3A_497 : i32 to index
        %get3A_500 = arith.constant 0 : index
        %get3A_501 = tpu.vector_load %arg14[%get3A_499, %get3A_500] {strides = array<i32>} : memref<96x128xf32, #tpu.memory_space<vmem>>, vector<16xf32>,
        %mul3A_502 = arith.mulf %get3A_501, %gather3A_498 : vector<16xf32>
        %swap3A_503 = arith.index_cast %scan3A_497 : i32 to index
        %swap3A_504 = arith.constant 0 : index
        %swap3A_505 = tpu.vector_load %arg14[%swap3A_503, %swap3A_504] {strides = array<i32>} : memref<96x128xf32, #tpu.memory_space<vmem>>, vector<16xf32>,
        tpu.vector_store %arg14[%swap3A_503, %swap3A_504], %mul3A_502 {strides = array<i32>} : memref<96x128xf32, #tpu.memory_space<vmem>>, vector<16xf32>,
        %get3A_506 = arith.index_cast %scan3A_497 : i32 to index
        %get3A_507 = arith.constant 16 : index
        %get3A_508 = tpu.vector_load %arg14[%get3A_506, %get3A_507] {strides = array<i32>} : memref<96x128xf32, #tpu.memory_space<vmem>>, vector<16xf32>,
        %mul3A_509 = arith.mulf %get3A_508, %gather3A_498 : vector<16xf32>
        %swap3A_510 = arith.index_cast %scan3A_497 : i32 to index
        %swap3A_511 = arith.constant 16 : index
        %swap3A_512 = tpu.vector_load %arg14[%swap3A_510, %swap3A_511] {strides = array<i32>} : memref<96x128xf32, #tpu.memory_space<vmem>>, vector<16xf32>,
        tpu.vector_store %arg14[%swap3A_510, %swap3A_511], %mul3A_509 {strides = array<i32>} : memref<96x128xf32, #tpu.memory_space<vmem>>, vector<16xf32>,
        %get3A_513 = arith.index_cast %scan3A_497 : i32 to index
        %get3A_514 = arith.constant 32 : index
        %get3A_515 = tpu.vector_load %arg14[%get3A_513, %get3A_514] {strides = array<i32>} : memref<96x128xf32, #tpu.memory_space<vmem>>, vector<16xf32>,
        %mul3A_516 = arith.mulf %get3A_515, %gather3A_498 : vector<16xf32>
        %swap3A_517 = arith.index_cast %scan3A_497 : i32 to index
        %swap3A_518 = arith.constant 32 : index
        %swap3A_519 = tpu.vector_load %arg14[%swap3A_517, %swap3A_518] {strides = array<i32>} : memref<96x128xf32, #tpu.memory_space<vmem>>, vector<16xf32>,
        tpu.vector_store %arg14[%swap3A_517, %swap3A_518], %mul3A_516 {strides = array<i32>} : memref<96x128xf32, #tpu.memory_space<vmem>>, vector<16xf32>,
        %get3A_520 = arith.index_cast %scan3A_497 : i32 to index
        %get3A_521 = arith.constant 48 : index
        %get3A_522 = tpu.vector_load %arg14[%get3A_520, %get3A_521] {strides = array<i32>} : memref<96x128xf32, #tpu.memory_space<vmem>>, vector<16xf32>,
        %mul3A_523 = arith.mulf %get3A_522, %gather3A_498 : vector<16xf32>
        %swap3A_524 = arith.index_cast %scan3A_497 : i32 to index
        %swap3A_525 = arith.constant 48 : index
        %swap3A_526 = tpu.vector_load %arg14[%swap3A_524, %swap3A_525] {strides = array<i32>} : memref<96x128xf32, #tpu.memory_space<vmem>>, vector<16xf32>,
        tpu.vector_store %arg14[%swap3A_524, %swap3A_525], %mul3A_523 {strides = array<i32>} : memref<96x128xf32, #tpu.memory_space<vmem>>, vector<16xf32>,
        %get3A_527 = arith.index_cast %scan3A_497 : i32 to index
        %get3A_528 = arith.constant 64 : index
        %get3A_529 = tpu.vector_load %arg14[%get3A_527, %get3A_528] {strides = array<i32>} : memref<96x128xf32, #tpu.memory_space<vmem>>, vector<16xf32>,
        %mul3A_530 = arith.mulf %get3A_529, %gather3A_498 : vector<16xf32>
        %swap3A_531 = arith.index_cast %scan3A_497 : i32 to index
        %swap3A_532 = arith.constant 64 : index
        %swap3A_533 = tpu.vector_load %arg14[%swap3A_531, %swap3A_532] {strides = array<i32>} : memref<96x128xf32, #tpu.memory_space<vmem>>, vector<16xf32>,
        tpu.vector_store %arg14[%swap3A_531, %swap3A_532], %mul3A_530 {strides = array<i32>} : memref<96x128xf32, #tpu.memory_space<vmem>>, vector<16xf32>,
        %get3A_534 = arith.index_cast %scan3A_497 : i32 to index
        %get3A_535 = arith.constant 80 : index
        %get3A_536 = tpu.vector_load %arg14[%get3A_534, %get3A_535] {strides = array<i32>} : memref<96x128xf32, #tpu.memory_space<vmem>>, vector<16xf32>,
        %mul3A_537 = arith.mulf %get3A_536, %gather3A_498 : vector<16xf32>
        %swap3A_538 = arith.index_cast %scan3A_497 : i32 to index
        %swap3A_539 = arith.constant 80 : index
        %swap3A_540 = tpu.vector_load %arg14[%swap3A_538, %swap3A_539] {strides = array<i32>} : memref<96x128xf32, #tpu.memory_space<vmem>>, vector<16xf32>,
        tpu.vector_store %arg14[%swap3A_538, %swap3A_539], %mul3A_537 {strides = array<i32>} : memref<96x128xf32, #tpu.memory_space<vmem>>, vector<16xf32>,
        %get3A_541 = arith.index_cast %scan3A_497 : i32 to index
        %get3A_542 = arith.constant 96 : index
        %get3A_543 = tpu.vector_load %arg14[%get3A_541, %get3A_542] {strides = array<i32>} : memref<96x128xf32, #tpu.memory_space<vmem>>, vector<16xf32>,
        %mul3A_544 = arith.mulf %get3A_543, %gather3A_498 : vector<16xf32>
        %swap3A_545 = arith.index_cast %scan3A_497 : i32 to index
        %swap3A_546 = arith.constant 96 : index
        %swap3A_547 = tpu.vector_load %arg14[%swap3A_545, %swap3A_546] {strides = array<i32>} : memref<96x128xf32, #tpu.memory_space<vmem>>, vector<16xf32>,
        tpu.vector_store %arg14[%swap3A_545, %swap3A_546], %mul3A_544 {strides = array<i32>} : memref<96x128xf32, #tpu.memory_space<vmem>>, vector<16xf32>,
        %get3A_548 = arith.index_cast %scan3A_497 : i32 to index
        %get3A_549 = arith.constant 112 : index
        %get3A_550 = tpu.vector_load %arg14[%get3A_548, %get3A_549] {strides = array<i32>} : memref<96x128xf32, #tpu.memory_space<vmem>>, vector<16xf32>,
        %mul3A_551 = arith.mulf %get3A_550, %gather3A_498 : vector<16xf32>
        %swap3A_552 = arith.index_cast %scan3A_497 : i32 to index
        %swap3A_553 = arith.constant 112 : index
        %swap3A_554 = tpu.vector_load %arg14[%swap3A_552, %swap3A_553] {strides = array<i32>} : memref<96x128xf32, #tpu.memory_space<vmem>>, vector<16xf32>,
        tpu.vector_store %arg14[%swap3A_552, %swap3A_553], %mul3A_551 {strides = array<i32>} : memref<96x128xf32, #tpu.memory_space<vmem>>, vector<16xf32>,
        %scan3A_555 = arith.constant 1 : i32
        %scan3A_556 = arith.addi %scan3A_497, %scan3A_555 : i32
        %broadcast_in_dim3A_557 = vector.broadcast %scan3A_556 : i32 to vector<16xi32>
        %gather3A_558 = tpu.vector_load_idx %arg20[%broadcast_in_dim3A_557] : memref<96xf32, #tpu.memory_space<vmem>>[vector<16xi32>], vector<16xf32>,
        %get3A_559 = arith.index_cast %scan3A_556 : i32 to index
        %get3A_560 = arith.constant 0 : index
        %get3A_561 = tpu.vector_load %arg14[%get3A_559, %get3A_560] {strides = array<i32>} : memref<96x128xf32, #tpu.memory_space<vmem>>, vector<16xf32>,
        %mul3A_562 = arith.mulf %get3A_561, %gather3A_558 : vector<16xf32>
        %swap3A_563 = arith.index_cast %scan3A_556 : i32 to index
        %swap3A_564 = arith.constant 0 : index
        %swap3A_565 = tpu.vector_load %arg14[%swap3A_563, %swap3A_564] {strides = array<i32>} : memref<96x128xf32, #tpu.memory_space<vmem>>, vector<16xf32>,
        tpu.vector_store %arg14[%swap3A_563, %swap3A_564], %mul3A_562 {strides = array<i32>} : memref<96x128xf32, #tpu.memory_space<vmem>>, vector<16xf32>,
        %get3A_566 = arith.index_cast %scan3A_556 : i32 to index
        %get3A_567 = arith.constant 16 : index
        %get3A_568 = tpu.vector_load %arg14[%get3A_566, %get3A_567] {strides = array<i32>} : memref<96x128xf32, #tpu.memory_space<vmem>>, vector<16xf32>,
        %mul3A_569 = arith.mulf %get3A_568, %gather3A_558 : vector<16xf32>
        %swap3A_570 = arith.index_cast %scan3A_556 : i32 to index
        %swap3A_571 = arith.constant 16 : index
        %swap3A_572 = tpu.vector_load %arg14[%swap3A_570, %swap3A_571] {strides = array<i32>} : memref<96x128xf32, #tpu.memory_space<vmem>>, vector<16xf32>,
        tpu.vector_store %arg14[%swap3A_570, %swap3A_571], %mul3A_569 {strides = array<i32>} : memref<96x128xf32, #tpu.memory_space<vmem>>, vector<16xf32>,
        %get3A_573 = arith.index_cast %scan3A_556 : i32 to index
        %get3A_574 = arith.constant 32 : index
        %get3A_575 = tpu.vector_load %arg14[%get3A_573, %get3A_574] {strides = array<i32>} : memref<96x128xf32, #tpu.memory_space<vmem>>, vector<16xf32>,
        %mul3A_576 = arith.mulf %get3A_575, %gather3A_558 : vector<16xf32>
        %swap3A_577 = arith.index_cast %scan3A_556 : i32 to index
        %swap3A_578 = arith.constant 32 : index
        %swap3A_579 = tpu.vector_load %arg14[%swap3A_577, %swap3A_578] {strides = array<i32>} : memref<96x128xf32, #tpu.memory_space<vmem>>, vector<16xf32>,
        tpu.vector_store %arg14[%swap3A_577, %swap3A_578], %mul3A_576 {strides = array<i32>} : memref<96x128xf32, #tpu.memory_space<vmem>>, vector<16xf32>,
        %get3A_580 = arith.index_cast %scan3A_556 : i32 to index
        %get3A_581 = arith.constant 48 : index
        %get3A_582 = tpu.vector_load %arg14[%get3A_580, %get3A_581] {strides = array<i32>} : memref<96x128xf32, #tpu.memory_space<vmem>>, vector<16xf32>,
        %mul3A_583 = arith.mulf %get3A_582, %gather3A_558 : vector<16xf32>
        %swap3A_584 = arith.index_cast %scan3A_556 : i32 to index
        %swap3A_585 = arith.constant 48 : index
        %swap3A_586 = tpu.vector_load %arg14[%swap3A_584, %swap3A_585] {strides = array<i32>} : memref<96x128xf32, #tpu.memory_space<vmem>>, vector<16xf32>,
        tpu.vector_store %arg14[%swap3A_584, %swap3A_585], %mul3A_583 {strides = array<i32>} : memref<96x128xf32, #tpu.memory_space<vmem>>, vector<16xf32>,
        %get3A_587 = arith.index_cast %scan3A_556 : i32 to index
        %get3A_588 = arith.constant 64 : index
        %get3A_589 = tpu.vector_load %arg14[%get3A_587, %get3A_588] {strides = array<i32>} : memref<96x128xf32, #tpu.memory_space<vmem>>, vector<16xf32>,
        %mul3A_590 = arith.mulf %get3A_589, %gather3A_558 : vector<16xf32>
        %swap3A_591 = arith.index_cast %scan3A_556 : i32 to index
        %swap3A_592 = arith.constant 64 : index
        %swap3A_593 = tpu.vector_load %arg14[%swap3A_591, %swap3A_592] {strides = array<i32>} : memref<96x128xf32, #tpu.memory_space<vmem>>, vector<16xf32>,
        tpu.vector_store %arg14[%swap3A_591, %swap3A_592], %mul3A_590 {strides = array<i32>} : memref<96x128xf32, #tpu.memory_space<vmem>>, vector<16xf32>,
        %get3A_594 = arith.index_cast %scan3A_556 : i32 to index
        %get3A_595 = arith.constant 80 : index
        %get3A_596 = tpu.vector_load %arg14[%get3A_594, %get3A_595] {strides = array<i32>} : memref<96x128xf32, #tpu.memory_space<vmem>>, vector<16xf32>,
        %mul3A_597 = arith.mulf %get3A_596, %gather3A_558 : vector<16xf32>
        %swap3A_598 = arith.index_cast %scan3A_556 : i32 to index
        %swap3A_599 = arith.constant 80 : index
        %swap3A_600 = tpu.vector_load %arg14[%swap3A_598, %swap3A_599] {strides = array<i32>} : memref<96x128xf32, #tpu.memory_space<vmem>>, vector<16xf32>,
        tpu.vector_store %arg14[%swap3A_598, %swap3A_599], %mul3A_597 {strides = array<i32>} : memref<96x128xf32, #tpu.memory_space<vmem>>, vector<16xf32>,
        %get3A_601 = arith.index_cast %scan3A_556 : i32 to index
        %get3A_602 = arith.constant 96 : index
        %get3A_603 = tpu.vector_load %arg14[%get3A_601, %get3A_602] {strides = array<i32>} : memref<96x128xf32, #tpu.memory_space<vmem>>, vector<16xf32>,
        %mul3A_604 = arith.mulf %get3A_603, %gather3A_558 : vector<16xf32>
        %swap3A_605 = arith.index_cast %scan3A_556 : i32 to index
        %swap3A_606 = arith.constant 96 : index
        %swap3A_607 = tpu.vector_load %arg14[%swap3A_605, %swap3A_606] {strides = array<i32>} : memref<96x128xf32, #tpu.memory_space<vmem>>, vector<16xf32>,
        tpu.vector_store %arg14[%swap3A_605, %swap3A_606], %mul3A_604 {strides = array<i32>} : memref<96x128xf32, #tpu.memory_space<vmem>>, vector<16xf32>,
        %get3A_608 = arith.index_cast %scan3A_556 : i32 to index
        %get3A_609 = arith.constant 112 : index
        %get3A_610 = tpu.vector_load %arg14[%get3A_608, %get3A_609] {strides = array<i32>} : memref<96x128xf32, #tpu.memory_space<vmem>>, vector<16xf32>,
        %mul3A_611 = arith.mulf %get3A_610, %gather3A_558 : vector<16xf32>
        %swap3A_612 = arith.index_cast %scan3A_556 : i32 to index
        %swap3A_613 = arith.constant 112 : index
        %swap3A_614 = tpu.vector_load %arg14[%swap3A_612, %swap3A_613] {strides = array<i32>} : memref<96x128xf32, #tpu.memory_space<vmem>>, vector<16xf32>,
        tpu.vector_store %arg14[%swap3A_612, %swap3A_613], %mul3A_611 {strides = array<i32>} : memref<96x128xf32, #tpu.memory_space<vmem>>, vector<16xf32>,
      }
      %scan3A_488 = arith.constant 96 : i32
      "tpu.region"() ({
        %run_scoped3A = tpu.sem_alloc : memref<!tpu.dma_semaphore, #tpu.memory_space<semaphore_mem>>
        %dma_start3A_497 = arith.constant 0 : i32
        %dma_start3A_498 = arith.constant 0 : i32
        %dma_start3A_499 = tpu.memref_slice %arg15[%dma_start3A_497, %dma_start3A_498] : memref<10112x128xf32, #tpu.memory_space<vmem_shared>> -> memref<10112x128xf32, #tpu.memory_space<vmem_shared>>
        tpu.enqueue_indirect_dma source(%arg14 : memref<96x128xf32, #tpu.memory_space<vmem>>) target(%dma_start3A_499 : memref<10112x128xf32, #tpu.memory_space<vmem_shared>>) offsets(%arg12 : memref<96xi32, #tpu.memory_space<vmem>>) semaphore(%run_scoped3A : memref<!tpu.dma_semaphore, #tpu.memory_space<semaphore_mem>>) {add = true}
        %dma_wait3A_500 = arith.constant 0 : i32
        %dma_wait3A_501 = arith.constant 0 : i32
        %dma_wait3A_502 = tpu.memref_slice %arg15[%dma_wait3A_500, %dma_wait3A_501] : memref<10112x128xf32, #tpu.memory_space<vmem_shared>> -> memref<10112x128xf32, #tpu.memory_space<vmem_shared>>
        tpu.wait_indirect_dma semaphore(%run_scoped3A : memref<!tpu.dma_semaphore, #tpu.memory_space<semaphore_mem>>) src(%arg14 : memref<96x128xf32, #tpu.memory_space<vmem>>) dst(%dma_wait3A_502 : memref<10112x128xf32, #tpu.memory_space<vmem_shared>>)
        tpu.yield
      }) : () -> ()
      %add3A_489 = arith.constant 2 : i32
      %add3A_490 = arith.addi %add3A_374, %add3A_489 : i32
      %mul3A_491 = arith.constant 32 : i32
      %mul3A_492 = arith.muli %add3A_490, %mul3A_491 : i32
      %add3A_493 = arith.addi %mul3A_492, %add3A : i32
      %mul3A_494 = arith.constant 96 : i32
      %mul3A_495 = arith.muli %add3A_493, %mul3A_494 : i32
      %multiple_of3A_496 = tpu.assume_multiple %mul3A_495, 8 : i32
      "tpu.region"() ({
        %run_scoped3A = tpu.sem_alloc : memref<!tpu.dma_semaphore, #tpu.memory_space<semaphore_mem>>
        %dma_start3A_497 = tpu.memref_slice %arg2[%multiple_of3A_496] : memref<325632xi32, #tpu.memory_space<hbm>> -> memref<96xi32, #tpu.memory_space<hbm>>
        %dma_start3A_498 = tpu.memref_slice %arg2[%multiple_of3A_496] : memref<325632xi32, #tpu.memory_space<hbm>> -> memref<96xi32, #tpu.memory_space<hbm>>
        tpu.enqueue_dma source(%dma_start3A_498 : memref<96xi32, #tpu.memory_space<hbm>>) target(%arg10 : memref<96xi32, #tpu.memory_space<vmem>>) target_semaphore(%run_scoped3A : memref<!tpu.dma_semaphore, #tpu.memory_space<semaphore_mem>>)
        %dma_wait3A_499 = tpu.memref_slice %arg2[%multiple_of3A_496] : memref<325632xi32, #tpu.memory_space<hbm>> -> memref<96xi32, #tpu.memory_space<hbm>>
        %dma_wait3A_500 = tpu.memref_slice %arg2[%multiple_of3A_496] : memref<325632xi32, #tpu.memory_space<hbm>> -> memref<96xi32, #tpu.memory_space<hbm>>
        tpu.wait_dma2 semaphore(%run_scoped3A : memref<!tpu.dma_semaphore, #tpu.memory_space<semaphore_mem>>) src(%dma_wait3A_500 : memref<96xi32, #tpu.memory_space<hbm>>) dst(%arg10 : memref<96xi32, #tpu.memory_space<vmem>>)
        tpu.yield
      }) : () -> ()
      "tpu.region"() ({
        %run_scoped3A = tpu.sem_alloc : memref<!tpu.dma_semaphore, #tpu.memory_space<semaphore_mem>>
        %dma_start3A_497 = tpu.memref_slice %arg3[%multiple_of3A_496] : memref<325632xi32, #tpu.memory_space<hbm>> -> memref<96xi32, #tpu.memory_space<hbm>>
        %dma_start3A_498 = tpu.memref_slice %arg3[%multiple_of3A_496] : memref<325632xi32, #tpu.memory_space<hbm>> -> memref<96xi32, #tpu.memory_space<hbm>>
        tpu.enqueue_dma source(%dma_start3A_498 : memref<96xi32, #tpu.memory_space<hbm>>) target(%arg12 : memref<96xi32, #tpu.memory_space<vmem>>) target_semaphore(%run_scoped3A : memref<!tpu.dma_semaphore, #tpu.memory_space<semaphore_mem>>)
        %dma_wait3A_499 = tpu.memref_slice %arg3[%multiple_of3A_496] : memref<325632xi32, #tpu.memory_space<hbm>> -> memref<96xi32, #tpu.memory_space<hbm>>
        %dma_wait3A_500 = tpu.memref_slice %arg3[%multiple_of3A_496] : memref<325632xi32, #tpu.memory_space<hbm>> -> memref<96xi32, #tpu.memory_space<hbm>>
        tpu.wait_dma2 semaphore(%run_scoped3A : memref<!tpu.dma_semaphore, #tpu.memory_space<semaphore_mem>>) src(%dma_wait3A_500 : memref<96xi32, #tpu.memory_space<hbm>>) dst(%arg12 : memref<96xi32, #tpu.memory_space<vmem>>)
        tpu.yield
      }) : () -> ()
    }
    %scan3A_19 = arith.constant 52 : i32
    %dma_wait3A = arith.constant 0 : i32
    %dma_wait3A_20 = arith.constant 0 : i32
    %dma_wait3A_21 = tpu.memref_slice %arg4[%dma_wait3A, %dma_wait3A_20] : memref<10000x128xf32, #tpu.memory_space<hbm>> -> memref<10000x128xf32, #tpu.memory_space<hbm>>
    tpu.wait_indirect_dma semaphore(%arg16 : memref<!tpu.dma_semaphore, #tpu.memory_space<semaphore_mem>>) src(%dma_wait3A_21 : memref<10000x128xf32, #tpu.memory_space<hbm>>) dst(%arg13 : memref<96x128xf32, #tpu.memory_space<vmem>>)
    %dma_start3A_22 = arith.constant 0 : i32
    %dma_start3A_23 = arith.constant 0 : i32
    %dma_start3A_24 = tpu.memref_slice %arg4[%dma_start3A_22, %dma_start3A_23] : memref<10000x128xf32, #tpu.memory_space<hbm>> -> memref<10000x128xf32, #tpu.memory_space<hbm>>
    tpu.enqueue_indirect_dma source(%dma_start3A_24 : memref<10000x128xf32, #tpu.memory_space<hbm>>) target(%arg14 : memref<96x128xf32, #tpu.memory_space<vmem>>) offsets(%arg10 : memref<96xi32, #tpu.memory_space<vmem>>) semaphore(%arg17 : memref<!tpu.dma_semaphore, #tpu.memory_space<semaphore_mem>>)
    %get3A = arith.constant 0 : index
    %get3A_25 = tpu.vector_load %arg9[%get3A] {strides = array<i32>} : memref<96xi32, #tpu.memory_space<vmem>>, vector<16xi32>,
    %get3A_26 = arith.constant 0 : index
    %get3A_27 = tpu.vector_load %arg11[%get3A_26] {strides = array<i32>} : memref<96xi32, #tpu.memory_space<vmem>>, vector<16xi32>,
    %gather3A = tpu.vector_load_idx %arg18[%get3A_25] : memref<10000xf32, #tpu.memory_space<vmem>>[vector<16xi32>], vector<16xf32>,
    %gather3A_28 = tpu.vector_load_idx %arg19[%get3A_27] : memref<10000xf32, #tpu.memory_space<vmem>>[vector<16xi32>], vector<16xf32>,
    %add3A_29 = arith.addf %gather3A, %gather3A_28 : vector<16xf32>
    %gt3A = arith.constant 0.000000e+00 : f32
    %gt3A_30 = vector.broadcast %gt3A : f32 to vector<16xf32>
    %gt3A_31 = arith.cmpf ogt, %add3A_29, %gt3A_30 : vector<16xf32>
    %exp3A = math.exp %add3A_29 : vector<16xf32>
    %sub3A = arith.constant 1.000000e+00 : f32
    %sub3A_32 = vector.broadcast %sub3A : f32 to vector<16xf32>
    %sub3A_33 = arith.subf %exp3A, %sub3A_32 : vector<16xf32>
    %select_n3A = arith.select %gt3A_31, %add3A_29, %sub3A_33 : vector<16xi1>, vector<16xf32>
    %swap3A = arith.constant 0 : index
    %swap3A_34 = tpu.vector_load %arg20[%swap3A] {strides = array<i32>} : memref<96xf32, #tpu.memory_space<vmem>>, vector<16xf32>,
    tpu.vector_store %arg20[%swap3A], %select_n3A {strides = array<i32>} : memref<96xf32, #tpu.memory_space<vmem>>, vector<16xf32>,
    %get3A_35 = arith.constant 16 : index
    %get3A_36 = tpu.vector_load %arg9[%get3A_35] {strides = array<i32>} : memref<96xi32, #tpu.memory_space<vmem>>, vector<16xi32>,
    %get3A_37 = arith.constant 16 : index
    %get3A_38 = tpu.vector_load %arg11[%get3A_37] {strides = array<i32>} : memref<96xi32, #tpu.memory_space<vmem>>, vector<16xi32>,
    %gather3A_39 = tpu.vector_load_idx %arg18[%get3A_36] : memref<10000xf32, #tpu.memory_space<vmem>>[vector<16xi32>], vector<16xf32>,
    %gather3A_40 = tpu.vector_load_idx %arg19[%get3A_38] : memref<10000xf32, #tpu.memory_space<vmem>>[vector<16xi32>], vector<16xf32>,
    %add3A_41 = arith.addf %gather3A_39, %gather3A_40 : vector<16xf32>
    %gt3A_42 = arith.constant 0.000000e+00 : f32
    %gt3A_43 = vector.broadcast %gt3A_42 : f32 to vector<16xf32>
    %gt3A_44 = arith.cmpf ogt, %add3A_41, %gt3A_43 : vector<16xf32>
    %exp3A_45 = math.exp %add3A_41 : vector<16xf32>
    %sub3A_46 = arith.constant 1.000000e+00 : f32
    %sub3A_47 = vector.broadcast %sub3A_46 : f32 to vector<16xf32>
    %sub3A_48 = arith.subf %exp3A_45, %sub3A_47 : vector<16xf32>
    %select_n3A_49 = arith.select %gt3A_44, %add3A_41, %sub3A_48 : vector<16xi1>, vector<16xf32>
    %swap3A_50 = arith.constant 16 : index
    %swap3A_51 = tpu.vector_load %arg20[%swap3A_50] {strides = array<i32>} : memref<96xf32, #tpu.memory_space<vmem>>, vector<16xf32>,
    tpu.vector_store %arg20[%swap3A_50], %select_n3A_49 {strides = array<i32>} : memref<96xf32, #tpu.memory_space<vmem>>, vector<16xf32>,
    %get3A_52 = arith.constant 32 : index
    %get3A_53 = tpu.vector_load %arg9[%get3A_52] {strides = array<i32>} : memref<96xi32, #tpu.memory_space<vmem>>, vector<16xi32>,
    %get3A_54 = arith.constant 32 : index
    %get3A_55 = tpu.vector_load %arg11[%get3A_54] {strides = array<i32>} : memref<96xi32, #tpu.memory_space<vmem>>, vector<16xi32>,
    %gather3A_56 = tpu.vector_load_idx %arg18[%get3A_53] : memref<10000xf32, #tpu.memory_space<vmem>>[vector<16xi32>], vector<16xf32>,
    %gather3A_57 = tpu.vector_load_idx %arg19[%get3A_55] : memref<10000xf32, #tpu.memory_space<vmem>>[vector<16xi32>], vector<16xf32>,
    %add3A_58 = arith.addf %gather3A_56, %gather3A_57 : vector<16xf32>
    %gt3A_59 = arith.constant 0.000000e+00 : f32
    %gt3A_60 = vector.broadcast %gt3A_59 : f32 to vector<16xf32>
    %gt3A_61 = arith.cmpf ogt, %add3A_58, %gt3A_60 : vector<16xf32>
    %exp3A_62 = math.exp %add3A_58 : vector<16xf32>
    %sub3A_63 = arith.constant 1.000000e+00 : f32
    %sub3A_64 = vector.broadcast %sub3A_63 : f32 to vector<16xf32>
    %sub3A_65 = arith.subf %exp3A_62, %sub3A_64 : vector<16xf32>
    %select_n3A_66 = arith.select %gt3A_61, %add3A_58, %sub3A_65 : vector<16xi1>, vector<16xf32>
    %swap3A_67 = arith.constant 32 : index
    %swap3A_68 = tpu.vector_load %arg20[%swap3A_67] {strides = array<i32>} : memref<96xf32, #tpu.memory_space<vmem>>, vector<16xf32>,
    tpu.vector_store %arg20[%swap3A_67], %select_n3A_66 {strides = array<i32>} : memref<96xf32, #tpu.memory_space<vmem>>, vector<16xf32>,
    %get3A_69 = arith.constant 48 : index
    %get3A_70 = tpu.vector_load %arg9[%get3A_69] {strides = array<i32>} : memref<96xi32, #tpu.memory_space<vmem>>, vector<16xi32>,
    %get3A_71 = arith.constant 48 : index
    %get3A_72 = tpu.vector_load %arg11[%get3A_71] {strides = array<i32>} : memref<96xi32, #tpu.memory_space<vmem>>, vector<16xi32>,
    %gather3A_73 = tpu.vector_load_idx %arg18[%get3A_70] : memref<10000xf32, #tpu.memory_space<vmem>>[vector<16xi32>], vector<16xf32>,
    %gather3A_74 = tpu.vector_load_idx %arg19[%get3A_72] : memref<10000xf32, #tpu.memory_space<vmem>>[vector<16xi32>], vector<16xf32>,
    %add3A_75 = arith.addf %gather3A_73, %gather3A_74 : vector<16xf32>
    %gt3A_76 = arith.constant 0.000000e+00 : f32
    %gt3A_77 = vector.broadcast %gt3A_76 : f32 to vector<16xf32>
    %gt3A_78 = arith.cmpf ogt, %add3A_75, %gt3A_77 : vector<16xf32>
    %exp3A_79 = math.exp %add3A_75 : vector<16xf32>
    %sub3A_80 = arith.constant 1.000000e+00 : f32
    %sub3A_81 = vector.broadcast %sub3A_80 : f32 to vector<16xf32>
    %sub3A_82 = arith.subf %exp3A_79, %sub3A_81 : vector<16xf32>
    %select_n3A_83 = arith.select %gt3A_78, %add3A_75, %sub3A_82 : vector<16xi1>, vector<16xf32>
    %swap3A_84 = arith.constant 48 : index
    %swap3A_85 = tpu.vector_load %arg20[%swap3A_84] {strides = array<i32>} : memref<96xf32, #tpu.memory_space<vmem>>, vector<16xf32>,
    tpu.vector_store %arg20[%swap3A_84], %select_n3A_83 {strides = array<i32>} : memref<96xf32, #tpu.memory_space<vmem>>, vector<16xf32>,
    %get3A_86 = arith.constant 64 : index
    %get3A_87 = tpu.vector_load %arg9[%get3A_86] {strides = array<i32>} : memref<96xi32, #tpu.memory_space<vmem>>, vector<16xi32>,
    %get3A_88 = arith.constant 64 : index
    %get3A_89 = tpu.vector_load %arg11[%get3A_88] {strides = array<i32>} : memref<96xi32, #tpu.memory_space<vmem>>, vector<16xi32>,
    %gather3A_90 = tpu.vector_load_idx %arg18[%get3A_87] : memref<10000xf32, #tpu.memory_space<vmem>>[vector<16xi32>], vector<16xf32>,
    %gather3A_91 = tpu.vector_load_idx %arg19[%get3A_89] : memref<10000xf32, #tpu.memory_space<vmem>>[vector<16xi32>], vector<16xf32>,
    %add3A_92 = arith.addf %gather3A_90, %gather3A_91 : vector<16xf32>
    %gt3A_93 = arith.constant 0.000000e+00 : f32
    %gt3A_94 = vector.broadcast %gt3A_93 : f32 to vector<16xf32>
    %gt3A_95 = arith.cmpf ogt, %add3A_92, %gt3A_94 : vector<16xf32>
    %exp3A_96 = math.exp %add3A_92 : vector<16xf32>
    %sub3A_97 = arith.constant 1.000000e+00 : f32
    %sub3A_98 = vector.broadcast %sub3A_97 : f32 to vector<16xf32>
    %sub3A_99 = arith.subf %exp3A_96, %sub3A_98 : vector<16xf32>
    %select_n3A_100 = arith.select %gt3A_95, %add3A_92, %sub3A_99 : vector<16xi1>, vector<16xf32>
    %swap3A_101 = arith.constant 64 : index
    %swap3A_102 = tpu.vector_load %arg20[%swap3A_101] {strides = array<i32>} : memref<96xf32, #tpu.memory_space<vmem>>, vector<16xf32>,
    tpu.vector_store %arg20[%swap3A_101], %select_n3A_100 {strides = array<i32>} : memref<96xf32, #tpu.memory_space<vmem>>, vector<16xf32>,
    %get3A_103 = arith.constant 80 : index
    %get3A_104 = tpu.vector_load %arg9[%get3A_103] {strides = array<i32>} : memref<96xi32, #tpu.memory_space<vmem>>, vector<16xi32>,
    %get3A_105 = arith.constant 80 : index
    %get3A_106 = tpu.vector_load %arg11[%get3A_105] {strides = array<i32>} : memref<96xi32, #tpu.memory_space<vmem>>, vector<16xi32>,
    %gather3A_107 = tpu.vector_load_idx %arg18[%get3A_104] : memref<10000xf32, #tpu.memory_space<vmem>>[vector<16xi32>], vector<16xf32>,
    %gather3A_108 = tpu.vector_load_idx %arg19[%get3A_106] : memref<10000xf32, #tpu.memory_space<vmem>>[vector<16xi32>], vector<16xf32>,
    %add3A_109 = arith.addf %gather3A_107, %gather3A_108 : vector<16xf32>
    %gt3A_110 = arith.constant 0.000000e+00 : f32
    %gt3A_111 = vector.broadcast %gt3A_110 : f32 to vector<16xf32>
    %gt3A_112 = arith.cmpf ogt, %add3A_109, %gt3A_111 : vector<16xf32>
    %exp3A_113 = math.exp %add3A_109 : vector<16xf32>
    %sub3A_114 = arith.constant 1.000000e+00 : f32
    %sub3A_115 = vector.broadcast %sub3A_114 : f32 to vector<16xf32>
    %sub3A_116 = arith.subf %exp3A_113, %sub3A_115 : vector<16xf32>
    %select_n3A_117 = arith.select %gt3A_112, %add3A_109, %sub3A_116 : vector<16xi1>, vector<16xf32>
    %swap3A_118 = arith.constant 80 : index
    %swap3A_119 = tpu.vector_load %arg20[%swap3A_118] {strides = array<i32>} : memref<96xf32, #tpu.memory_space<vmem>>, vector<16xf32>,
    tpu.vector_store %arg20[%swap3A_118], %select_n3A_117 {strides = array<i32>} : memref<96xf32, #tpu.memory_space<vmem>>, vector<16xf32>,
    %scan3A_120 = arith.constant 0 : i32
    %scan3A_121 = arith.constant 0 : i32
    %scan3A_122 = arith.constant 96 : i32
    %scan3A_123 = arith.addi %scan3A_121, %scan3A_122 : i32
    %scan3A_124 = arith.constant 2 : i32
    scf.for %scan3A_244 = %scan3A_121 to %scan3A_123 step %scan3A_124  : i32 {
      %broadcast_in_dim3A = vector.broadcast %scan3A_244 : i32 to vector<16xi32>
      %gather3A_245 = tpu.vector_load_idx %arg20[%broadcast_in_dim3A] : memref<96xf32, #tpu.memory_space<vmem>>[vector<16xi32>], vector<16xf32>,
      %get3A_246 = arith.index_cast %scan3A_244 : i32 to index
      %get3A_247 = arith.constant 0 : index
      %get3A_248 = tpu.vector_load %arg13[%get3A_246, %get3A_247] {strides = array<i32>} : memref<96x128xf32, #tpu.memory_space<vmem>>, vector<16xf32>,
      %mul3A_249 = arith.mulf %get3A_248, %gather3A_245 : vector<16xf32>
      %swap3A_250 = arith.index_cast %scan3A_244 : i32 to index
      %swap3A_251 = arith.constant 0 : index
      %swap3A_252 = tpu.vector_load %arg13[%swap3A_250, %swap3A_251] {strides = array<i32>} : memref<96x128xf32, #tpu.memory_space<vmem>>, vector<16xf32>,
      tpu.vector_store %arg13[%swap3A_250, %swap3A_251], %mul3A_249 {strides = array<i32>} : memref<96x128xf32, #tpu.memory_space<vmem>>, vector<16xf32>,
      %get3A_253 = arith.index_cast %scan3A_244 : i32 to index
      %get3A_254 = arith.constant 16 : index
      %get3A_255 = tpu.vector_load %arg13[%get3A_253, %get3A_254] {strides = array<i32>} : memref<96x128xf32, #tpu.memory_space<vmem>>, vector<16xf32>,
      %mul3A_256 = arith.mulf %get3A_255, %gather3A_245 : vector<16xf32>
      %swap3A_257 = arith.index_cast %scan3A_244 : i32 to index
      %swap3A_258 = arith.constant 16 : index
      %swap3A_259 = tpu.vector_load %arg13[%swap3A_257, %swap3A_258] {strides = array<i32>} : memref<96x128xf32, #tpu.memory_space<vmem>>, vector<16xf32>,
      tpu.vector_store %arg13[%swap3A_257, %swap3A_258], %mul3A_256 {strides = array<i32>} : memref<96x128xf32, #tpu.memory_space<vmem>>, vector<16xf32>,
      %get3A_260 = arith.index_cast %scan3A_244 : i32 to index
      %get3A_261 = arith.constant 32 : index
      %get3A_262 = tpu.vector_load %arg13[%get3A_260, %get3A_261] {strides = array<i32>} : memref<96x128xf32, #tpu.memory_space<vmem>>, vector<16xf32>,
      %mul3A_263 = arith.mulf %get3A_262, %gather3A_245 : vector<16xf32>
      %swap3A_264 = arith.index_cast %scan3A_244 : i32 to index
      %swap3A_265 = arith.constant 32 : index
      %swap3A_266 = tpu.vector_load %arg13[%swap3A_264, %swap3A_265] {strides = array<i32>} : memref<96x128xf32, #tpu.memory_space<vmem>>, vector<16xf32>,
      tpu.vector_store %arg13[%swap3A_264, %swap3A_265], %mul3A_263 {strides = array<i32>} : memref<96x128xf32, #tpu.memory_space<vmem>>, vector<16xf32>,
      %get3A_267 = arith.index_cast %scan3A_244 : i32 to index
      %get3A_268 = arith.constant 48 : index
      %get3A_269 = tpu.vector_load %arg13[%get3A_267, %get3A_268] {strides = array<i32>} : memref<96x128xf32, #tpu.memory_space<vmem>>, vector<16xf32>,
      %mul3A_270 = arith.mulf %get3A_269, %gather3A_245 : vector<16xf32>
      %swap3A_271 = arith.index_cast %scan3A_244 : i32 to index
      %swap3A_272 = arith.constant 48 : index
      %swap3A_273 = tpu.vector_load %arg13[%swap3A_271, %swap3A_272] {strides = array<i32>} : memref<96x128xf32, #tpu.memory_space<vmem>>, vector<16xf32>,
      tpu.vector_store %arg13[%swap3A_271, %swap3A_272], %mul3A_270 {strides = array<i32>} : memref<96x128xf32, #tpu.memory_space<vmem>>, vector<16xf32>,
      %get3A_274 = arith.index_cast %scan3A_244 : i32 to index
      %get3A_275 = arith.constant 64 : index
      %get3A_276 = tpu.vector_load %arg13[%get3A_274, %get3A_275] {strides = array<i32>} : memref<96x128xf32, #tpu.memory_space<vmem>>, vector<16xf32>,
      %mul3A_277 = arith.mulf %get3A_276, %gather3A_245 : vector<16xf32>
      %swap3A_278 = arith.index_cast %scan3A_244 : i32 to index
      %swap3A_279 = arith.constant 64 : index
      %swap3A_280 = tpu.vector_load %arg13[%swap3A_278, %swap3A_279] {strides = array<i32>} : memref<96x128xf32, #tpu.memory_space<vmem>>, vector<16xf32>,
      tpu.vector_store %arg13[%swap3A_278, %swap3A_279], %mul3A_277 {strides = array<i32>} : memref<96x128xf32, #tpu.memory_space<vmem>>, vector<16xf32>,
      %get3A_281 = arith.index_cast %scan3A_244 : i32 to index
      %get3A_282 = arith.constant 80 : index
      %get3A_283 = tpu.vector_load %arg13[%get3A_281, %get3A_282] {strides = array<i32>} : memref<96x128xf32, #tpu.memory_space<vmem>>, vector<16xf32>,
      %mul3A_284 = arith.mulf %get3A_283, %gather3A_245 : vector<16xf32>
      %swap3A_285 = arith.index_cast %scan3A_244 : i32 to index
      %swap3A_286 = arith.constant 80 : index
      %swap3A_287 = tpu.vector_load %arg13[%swap3A_285, %swap3A_286] {strides = array<i32>} : memref<96x128xf32, #tpu.memory_space<vmem>>, vector<16xf32>,
      tpu.vector_store %arg13[%swap3A_285, %swap3A_286], %mul3A_284 {strides = array<i32>} : memref<96x128xf32, #tpu.memory_space<vmem>>, vector<16xf32>,
      %get3A_288 = arith.index_cast %scan3A_244 : i32 to index
      %get3A_289 = arith.constant 96 : index
      %get3A_290 = tpu.vector_load %arg13[%get3A_288, %get3A_289] {strides = array<i32>} : memref<96x128xf32, #tpu.memory_space<vmem>>, vector<16xf32>,
      %mul3A_291 = arith.mulf %get3A_290, %gather3A_245 : vector<16xf32>
      %swap3A_292 = arith.index_cast %scan3A_244 : i32 to index
      %swap3A_293 = arith.constant 96 : index
      %swap3A_294 = tpu.vector_load %arg13[%swap3A_292, %swap3A_293] {strides = array<i32>} : memref<96x128xf32, #tpu.memory_space<vmem>>, vector<16xf32>,
      tpu.vector_store %arg13[%swap3A_292, %swap3A_293], %mul3A_291 {strides = array<i32>} : memref<96x128xf32, #tpu.memory_space<vmem>>, vector<16xf32>,
      %get3A_295 = arith.index_cast %scan3A_244 : i32 to index
      %get3A_296 = arith.constant 112 : index
      %get3A_297 = tpu.vector_load %arg13[%get3A_295, %get3A_296] {strides = array<i32>} : memref<96x128xf32, #tpu.memory_space<vmem>>, vector<16xf32>,
      %mul3A_298 = arith.mulf %get3A_297, %gather3A_245 : vector<16xf32>
      %swap3A_299 = arith.index_cast %scan3A_244 : i32 to index
      %swap3A_300 = arith.constant 112 : index
      %swap3A_301 = tpu.vector_load %arg13[%swap3A_299, %swap3A_300] {strides = array<i32>} : memref<96x128xf32, #tpu.memory_space<vmem>>, vector<16xf32>,
      tpu.vector_store %arg13[%swap3A_299, %swap3A_300], %mul3A_298 {strides = array<i32>} : memref<96x128xf32, #tpu.memory_space<vmem>>, vector<16xf32>,
      %scan3A_302 = arith.constant 1 : i32
      %scan3A_303 = arith.addi %scan3A_244, %scan3A_302 : i32
      %broadcast_in_dim3A_304 = vector.broadcast %scan3A_303 : i32 to vector<16xi32>
      %gather3A_305 = tpu.vector_load_idx %arg20[%broadcast_in_dim3A_304] : memref<96xf32, #tpu.memory_space<vmem>>[vector<16xi32>], vector<16xf32>,
      %get3A_306 = arith.index_cast %scan3A_303 : i32 to index
      %get3A_307 = arith.constant 0 : index
      %get3A_308 = tpu.vector_load %arg13[%get3A_306, %get3A_307] {strides = array<i32>} : memref<96x128xf32, #tpu.memory_space<vmem>>, vector<16xf32>,
      %mul3A_309 = arith.mulf %get3A_308, %gather3A_305 : vector<16xf32>
      %swap3A_310 = arith.index_cast %scan3A_303 : i32 to index
      %swap3A_311 = arith.constant 0 : index
      %swap3A_312 = tpu.vector_load %arg13[%swap3A_310, %swap3A_311] {strides = array<i32>} : memref<96x128xf32, #tpu.memory_space<vmem>>, vector<16xf32>,
      tpu.vector_store %arg13[%swap3A_310, %swap3A_311], %mul3A_309 {strides = array<i32>} : memref<96x128xf32, #tpu.memory_space<vmem>>, vector<16xf32>,
      %get3A_313 = arith.index_cast %scan3A_303 : i32 to index
      %get3A_314 = arith.constant 16 : index
      %get3A_315 = tpu.vector_load %arg13[%get3A_313, %get3A_314] {strides = array<i32>} : memref<96x128xf32, #tpu.memory_space<vmem>>, vector<16xf32>,
      %mul3A_316 = arith.mulf %get3A_315, %gather3A_305 : vector<16xf32>
      %swap3A_317 = arith.index_cast %scan3A_303 : i32 to index
      %swap3A_318 = arith.constant 16 : index
      %swap3A_319 = tpu.vector_load %arg13[%swap3A_317, %swap3A_318] {strides = array<i32>} : memref<96x128xf32, #tpu.memory_space<vmem>>, vector<16xf32>,
      tpu.vector_store %arg13[%swap3A_317, %swap3A_318], %mul3A_316 {strides = array<i32>} : memref<96x128xf32, #tpu.memory_space<vmem>>, vector<16xf32>,
      %get3A_320 = arith.index_cast %scan3A_303 : i32 to index
      %get3A_321 = arith.constant 32 : index
      %get3A_322 = tpu.vector_load %arg13[%get3A_320, %get3A_321] {strides = array<i32>} : memref<96x128xf32, #tpu.memory_space<vmem>>, vector<16xf32>,
      %mul3A_323 = arith.mulf %get3A_322, %gather3A_305 : vector<16xf32>
      %swap3A_324 = arith.index_cast %scan3A_303 : i32 to index
      %swap3A_325 = arith.constant 32 : index
      %swap3A_326 = tpu.vector_load %arg13[%swap3A_324, %swap3A_325] {strides = array<i32>} : memref<96x128xf32, #tpu.memory_space<vmem>>, vector<16xf32>,
      tpu.vector_store %arg13[%swap3A_324, %swap3A_325], %mul3A_323 {strides = array<i32>} : memref<96x128xf32, #tpu.memory_space<vmem>>, vector<16xf32>,
      %get3A_327 = arith.index_cast %scan3A_303 : i32 to index
      %get3A_328 = arith.constant 48 : index
      %get3A_329 = tpu.vector_load %arg13[%get3A_327, %get3A_328] {strides = array<i32>} : memref<96x128xf32, #tpu.memory_space<vmem>>, vector<16xf32>,
      %mul3A_330 = arith.mulf %get3A_329, %gather3A_305 : vector<16xf32>
      %swap3A_331 = arith.index_cast %scan3A_303 : i32 to index
      %swap3A_332 = arith.constant 48 : index
      %swap3A_333 = tpu.vector_load %arg13[%swap3A_331, %swap3A_332] {strides = array<i32>} : memref<96x128xf32, #tpu.memory_space<vmem>>, vector<16xf32>,
      tpu.vector_store %arg13[%swap3A_331, %swap3A_332], %mul3A_330 {strides = array<i32>} : memref<96x128xf32, #tpu.memory_space<vmem>>, vector<16xf32>,
      %get3A_334 = arith.index_cast %scan3A_303 : i32 to index
      %get3A_335 = arith.constant 64 : index
      %get3A_336 = tpu.vector_load %arg13[%get3A_334, %get3A_335] {strides = array<i32>} : memref<96x128xf32, #tpu.memory_space<vmem>>, vector<16xf32>,
      %mul3A_337 = arith.mulf %get3A_336, %gather3A_305 : vector<16xf32>
      %swap3A_338 = arith.index_cast %scan3A_303 : i32 to index
      %swap3A_339 = arith.constant 64 : index
      %swap3A_340 = tpu.vector_load %arg13[%swap3A_338, %swap3A_339] {strides = array<i32>} : memref<96x128xf32, #tpu.memory_space<vmem>>, vector<16xf32>,
      tpu.vector_store %arg13[%swap3A_338, %swap3A_339], %mul3A_337 {strides = array<i32>} : memref<96x128xf32, #tpu.memory_space<vmem>>, vector<16xf32>,
      %get3A_341 = arith.index_cast %scan3A_303 : i32 to index
      %get3A_342 = arith.constant 80 : index
      %get3A_343 = tpu.vector_load %arg13[%get3A_341, %get3A_342] {strides = array<i32>} : memref<96x128xf32, #tpu.memory_space<vmem>>, vector<16xf32>,
      %mul3A_344 = arith.mulf %get3A_343, %gather3A_305 : vector<16xf32>
      %swap3A_345 = arith.index_cast %scan3A_303 : i32 to index
      %swap3A_346 = arith.constant 80 : index
      %swap3A_347 = tpu.vector_load %arg13[%swap3A_345, %swap3A_346] {strides = array<i32>} : memref<96x128xf32, #tpu.memory_space<vmem>>, vector<16xf32>,
      tpu.vector_store %arg13[%swap3A_345, %swap3A_346], %mul3A_344 {strides = array<i32>} : memref<96x128xf32, #tpu.memory_space<vmem>>, vector<16xf32>,
      %get3A_348 = arith.index_cast %scan3A_303 : i32 to index
      %get3A_349 = arith.constant 96 : index
      %get3A_350 = tpu.vector_load %arg13[%get3A_348, %get3A_349] {strides = array<i32>} : memref<96x128xf32, #tpu.memory_space<vmem>>, vector<16xf32>,
      %mul3A_351 = arith.mulf %get3A_350, %gather3A_305 : vector<16xf32>
      %swap3A_352 = arith.index_cast %scan3A_303 : i32 to index
      %swap3A_353 = arith.constant 96 : index
      %swap3A_354 = tpu.vector_load %arg13[%swap3A_352, %swap3A_353] {strides = array<i32>} : memref<96x128xf32, #tpu.memory_space<vmem>>, vector<16xf32>,
      tpu.vector_store %arg13[%swap3A_352, %swap3A_353], %mul3A_351 {strides = array<i32>} : memref<96x128xf32, #tpu.memory_space<vmem>>, vector<16xf32>,
      %get3A_355 = arith.index_cast %scan3A_303 : i32 to index
      %get3A_356 = arith.constant 112 : index
      %get3A_357 = tpu.vector_load %arg13[%get3A_355, %get3A_356] {strides = array<i32>} : memref<96x128xf32, #tpu.memory_space<vmem>>, vector<16xf32>,
      %mul3A_358 = arith.mulf %get3A_357, %gather3A_305 : vector<16xf32>
      %swap3A_359 = arith.index_cast %scan3A_303 : i32 to index
      %swap3A_360 = arith.constant 112 : index
      %swap3A_361 = tpu.vector_load %arg13[%swap3A_359, %swap3A_360] {strides = array<i32>} : memref<96x128xf32, #tpu.memory_space<vmem>>, vector<16xf32>,
      tpu.vector_store %arg13[%swap3A_359, %swap3A_360], %mul3A_358 {strides = array<i32>} : memref<96x128xf32, #tpu.memory_space<vmem>>, vector<16xf32>,
    }
    %scan3A_125 = arith.constant 96 : i32
    "tpu.region"() ({
      %run_scoped3A = tpu.sem_alloc : memref<!tpu.dma_semaphore, #tpu.memory_space<semaphore_mem>>
      %dma_start3A_244 = arith.constant 0 : i32
      %dma_start3A_245 = arith.constant 0 : i32
      %dma_start3A_246 = tpu.memref_slice %arg15[%dma_start3A_244, %dma_start3A_245] : memref<10112x128xf32, #tpu.memory_space<vmem_shared>> -> memref<10112x128xf32, #tpu.memory_space<vmem_shared>>
      tpu.enqueue_indirect_dma source(%arg13 : memref<96x128xf32, #tpu.memory_space<vmem>>) target(%dma_start3A_246 : memref<10112x128xf32, #tpu.memory_space<vmem_shared>>) offsets(%arg11 : memref<96xi32, #tpu.memory_space<vmem>>) semaphore(%run_scoped3A : memref<!tpu.dma_semaphore, #tpu.memory_space<semaphore_mem>>) {add = true}
      %dma_wait3A_247 = arith.constant 0 : i32
      %dma_wait3A_248 = arith.constant 0 : i32
      %dma_wait3A_249 = tpu.memref_slice %arg15[%dma_wait3A_247, %dma_wait3A_248] : memref<10112x128xf32, #tpu.memory_space<vmem_shared>> -> memref<10112x128xf32, #tpu.memory_space<vmem_shared>>
      tpu.wait_indirect_dma semaphore(%run_scoped3A : memref<!tpu.dma_semaphore, #tpu.memory_space<semaphore_mem>>) src(%arg13 : memref<96x128xf32, #tpu.memory_space<vmem>>) dst(%dma_wait3A_249 : memref<10112x128xf32, #tpu.memory_space<vmem_shared>>)
      tpu.yield
    }) : () -> ()
    %dma_wait3A_126 = arith.constant 0 : i32
    %dma_wait3A_127 = arith.constant 0 : i32
    %dma_wait3A_128 = tpu.memref_slice %arg4[%dma_wait3A_126, %dma_wait3A_127] : memref<10000x128xf32, #tpu.memory_space<hbm>> -> memref<10000x128xf32, #tpu.memory_space<hbm>>
    tpu.wait_indirect_dma semaphore(%arg17 : memref<!tpu.dma_semaphore, #tpu.memory_space<semaphore_mem>>) src(%dma_wait3A_128 : memref<10000x128xf32, #tpu.memory_space<hbm>>) dst(%arg14 : memref<96x128xf32, #tpu.memory_space<vmem>>)
    %get3A_129 = arith.constant 0 : index
    %get3A_130 = tpu.vector_load %arg10[%get3A_129] {strides = array<i32>} : memref<96xi32, #tpu.memory_space<vmem>>, vector<16xi32>,
    %get3A_131 = arith.constant 0 : index
    %get3A_132 = tpu.vector_load %arg12[%get3A_131] {strides = array<i32>} : memref<96xi32, #tpu.memory_space<vmem>>, vector<16xi32>,
    %gather3A_133 = tpu.vector_load_idx %arg18[%get3A_130] : memref<10000xf32, #tpu.memory_space<vmem>>[vector<16xi32>], vector<16xf32>,
    %gather3A_134 = tpu.vector_load_idx %arg19[%get3A_132] : memref<10000xf32, #tpu.memory_space<vmem>>[vector<16xi32>], vector<16xf32>,
    %add3A_135 = arith.addf %gather3A_133, %gather3A_134 : vector<16xf32>
    %gt3A_136 = arith.constant 0.000000e+00 : f32
    %gt3A_137 = vector.broadcast %gt3A_136 : f32 to vector<16xf32>
    %gt3A_138 = arith.cmpf ogt, %add3A_135, %gt3A_137 : vector<16xf32>
    %exp3A_139 = math.exp %add3A_135 : vector<16xf32>
    %sub3A_140 = arith.constant 1.000000e+00 : f32
    %sub3A_141 = vector.broadcast %sub3A_140 : f32 to vector<16xf32>
    %sub3A_142 = arith.subf %exp3A_139, %sub3A_141 : vector<16xf32>
    %select_n3A_143 = arith.select %gt3A_138, %add3A_135, %sub3A_142 : vector<16xi1>, vector<16xf32>
    %swap3A_144 = arith.constant 0 : index
    %swap3A_145 = tpu.vector_load %arg20[%swap3A_144] {strides = array<i32>} : memref<96xf32, #tpu.memory_space<vmem>>, vector<16xf32>,
    tpu.vector_store %arg20[%swap3A_144], %select_n3A_143 {strides = array<i32>} : memref<96xf32, #tpu.memory_space<vmem>>, vector<16xf32>,
    %get3A_146 = arith.constant 16 : index
    %get3A_147 = tpu.vector_load %arg10[%get3A_146] {strides = array<i32>} : memref<96xi32, #tpu.memory_space<vmem>>, vector<16xi32>,
    %get3A_148 = arith.constant 16 : index
    %get3A_149 = tpu.vector_load %arg12[%get3A_148] {strides = array<i32>} : memref<96xi32, #tpu.memory_space<vmem>>, vector<16xi32>,
    %gather3A_150 = tpu.vector_load_idx %arg18[%get3A_147] : memref<10000xf32, #tpu.memory_space<vmem>>[vector<16xi32>], vector<16xf32>,
    %gather3A_151 = tpu.vector_load_idx %arg19[%get3A_149] : memref<10000xf32, #tpu.memory_space<vmem>>[vector<16xi32>], vector<16xf32>,
    %add3A_152 = arith.addf %gather3A_150, %gather3A_151 : vector<16xf32>
    %gt3A_153 = arith.constant 0.000000e+00 : f32
    %gt3A_154 = vector.broadcast %gt3A_153 : f32 to vector<16xf32>
    %gt3A_155 = arith.cmpf ogt, %add3A_152, %gt3A_154 : vector<16xf32>
    %exp3A_156 = math.exp %add3A_152 : vector<16xf32>
    %sub3A_157 = arith.constant 1.000000e+00 : f32
    %sub3A_158 = vector.broadcast %sub3A_157 : f32 to vector<16xf32>
    %sub3A_159 = arith.subf %exp3A_156, %sub3A_158 : vector<16xf32>
    %select_n3A_160 = arith.select %gt3A_155, %add3A_152, %sub3A_159 : vector<16xi1>, vector<16xf32>
    %swap3A_161 = arith.constant 16 : index
    %swap3A_162 = tpu.vector_load %arg20[%swap3A_161] {strides = array<i32>} : memref<96xf32, #tpu.memory_space<vmem>>, vector<16xf32>,
    tpu.vector_store %arg20[%swap3A_161], %select_n3A_160 {strides = array<i32>} : memref<96xf32, #tpu.memory_space<vmem>>, vector<16xf32>,
    %get3A_163 = arith.constant 32 : index
    %get3A_164 = tpu.vector_load %arg10[%get3A_163] {strides = array<i32>} : memref<96xi32, #tpu.memory_space<vmem>>, vector<16xi32>,
    %get3A_165 = arith.constant 32 : index
    %get3A_166 = tpu.vector_load %arg12[%get3A_165] {strides = array<i32>} : memref<96xi32, #tpu.memory_space<vmem>>, vector<16xi32>,
    %gather3A_167 = tpu.vector_load_idx %arg18[%get3A_164] : memref<10000xf32, #tpu.memory_space<vmem>>[vector<16xi32>], vector<16xf32>,
    %gather3A_168 = tpu.vector_load_idx %arg19[%get3A_166] : memref<10000xf32, #tpu.memory_space<vmem>>[vector<16xi32>], vector<16xf32>,
    %add3A_169 = arith.addf %gather3A_167, %gather3A_168 : vector<16xf32>
    %gt3A_170 = arith.constant 0.000000e+00 : f32
    %gt3A_171 = vector.broadcast %gt3A_170 : f32 to vector<16xf32>
    %gt3A_172 = arith.cmpf ogt, %add3A_169, %gt3A_171 : vector<16xf32>
    %exp3A_173 = math.exp %add3A_169 : vector<16xf32>
    %sub3A_174 = arith.constant 1.000000e+00 : f32
    %sub3A_175 = vector.broadcast %sub3A_174 : f32 to vector<16xf32>
    %sub3A_176 = arith.subf %exp3A_173, %sub3A_175 : vector<16xf32>
    %select_n3A_177 = arith.select %gt3A_172, %add3A_169, %sub3A_176 : vector<16xi1>, vector<16xf32>
    %swap3A_178 = arith.constant 32 : index
    %swap3A_179 = tpu.vector_load %arg20[%swap3A_178] {strides = array<i32>} : memref<96xf32, #tpu.memory_space<vmem>>, vector<16xf32>,
    tpu.vector_store %arg20[%swap3A_178], %select_n3A_177 {strides = array<i32>} : memref<96xf32, #tpu.memory_space<vmem>>, vector<16xf32>,
    %get3A_180 = arith.constant 48 : index
    %get3A_181 = tpu.vector_load %arg10[%get3A_180] {strides = array<i32>} : memref<96xi32, #tpu.memory_space<vmem>>, vector<16xi32>,
    %get3A_182 = arith.constant 48 : index
    %get3A_183 = tpu.vector_load %arg12[%get3A_182] {strides = array<i32>} : memref<96xi32, #tpu.memory_space<vmem>>, vector<16xi32>,
    %gather3A_184 = tpu.vector_load_idx %arg18[%get3A_181] : memref<10000xf32, #tpu.memory_space<vmem>>[vector<16xi32>], vector<16xf32>,
    %gather3A_185 = tpu.vector_load_idx %arg19[%get3A_183] : memref<10000xf32, #tpu.memory_space<vmem>>[vector<16xi32>], vector<16xf32>,
    %add3A_186 = arith.addf %gather3A_184, %gather3A_185 : vector<16xf32>
    %gt3A_187 = arith.constant 0.000000e+00 : f32
    %gt3A_188 = vector.broadcast %gt3A_187 : f32 to vector<16xf32>
    %gt3A_189 = arith.cmpf ogt, %add3A_186, %gt3A_188 : vector<16xf32>
    %exp3A_190 = math.exp %add3A_186 : vector<16xf32>
    %sub3A_191 = arith.constant 1.000000e+00 : f32
    %sub3A_192 = vector.broadcast %sub3A_191 : f32 to vector<16xf32>
    %sub3A_193 = arith.subf %exp3A_190, %sub3A_192 : vector<16xf32>
    %select_n3A_194 = arith.select %gt3A_189, %add3A_186, %sub3A_193 : vector<16xi1>, vector<16xf32>
    %swap3A_195 = arith.constant 48 : index
    %swap3A_196 = tpu.vector_load %arg20[%swap3A_195] {strides = array<i32>} : memref<96xf32, #tpu.memory_space<vmem>>, vector<16xf32>,
    tpu.vector_store %arg20[%swap3A_195], %select_n3A_194 {strides = array<i32>} : memref<96xf32, #tpu.memory_space<vmem>>, vector<16xf32>,
    %get3A_197 = arith.constant 64 : index
    %get3A_198 = tpu.vector_load %arg10[%get3A_197] {strides = array<i32>} : memref<96xi32, #tpu.memory_space<vmem>>, vector<16xi32>,
    %get3A_199 = arith.constant 64 : index
    %get3A_200 = tpu.vector_load %arg12[%get3A_199] {strides = array<i32>} : memref<96xi32, #tpu.memory_space<vmem>>, vector<16xi32>,
    %gather3A_201 = tpu.vector_load_idx %arg18[%get3A_198] : memref<10000xf32, #tpu.memory_space<vmem>>[vector<16xi32>], vector<16xf32>,
    %gather3A_202 = tpu.vector_load_idx %arg19[%get3A_200] : memref<10000xf32, #tpu.memory_space<vmem>>[vector<16xi32>], vector<16xf32>,
    %add3A_203 = arith.addf %gather3A_201, %gather3A_202 : vector<16xf32>
    %gt3A_204 = arith.constant 0.000000e+00 : f32
    %gt3A_205 = vector.broadcast %gt3A_204 : f32 to vector<16xf32>
    %gt3A_206 = arith.cmpf ogt, %add3A_203, %gt3A_205 : vector<16xf32>
    %exp3A_207 = math.exp %add3A_203 : vector<16xf32>
    %sub3A_208 = arith.constant 1.000000e+00 : f32
    %sub3A_209 = vector.broadcast %sub3A_208 : f32 to vector<16xf32>
    %sub3A_210 = arith.subf %exp3A_207, %sub3A_209 : vector<16xf32>
    %select_n3A_211 = arith.select %gt3A_206, %add3A_203, %sub3A_210 : vector<16xi1>, vector<16xf32>
    %swap3A_212 = arith.constant 64 : index
    %swap3A_213 = tpu.vector_load %arg20[%swap3A_212] {strides = array<i32>} : memref<96xf32, #tpu.memory_space<vmem>>, vector<16xf32>,
    tpu.vector_store %arg20[%swap3A_212], %select_n3A_211 {strides = array<i32>} : memref<96xf32, #tpu.memory_space<vmem>>, vector<16xf32>,
    %get3A_214 = arith.constant 80 : index
    %get3A_215 = tpu.vector_load %arg10[%get3A_214] {strides = array<i32>} : memref<96xi32, #tpu.memory_space<vmem>>, vector<16xi32>,
    %get3A_216 = arith.constant 80 : index
    %get3A_217 = tpu.vector_load %arg12[%get3A_216] {strides = array<i32>} : memref<96xi32, #tpu.memory_space<vmem>>, vector<16xi32>,
    %gather3A_218 = tpu.vector_load_idx %arg18[%get3A_215] : memref<10000xf32, #tpu.memory_space<vmem>>[vector<16xi32>], vector<16xf32>,
    %gather3A_219 = tpu.vector_load_idx %arg19[%get3A_217] : memref<10000xf32, #tpu.memory_space<vmem>>[vector<16xi32>], vector<16xf32>,
    %add3A_220 = arith.addf %gather3A_218, %gather3A_219 : vector<16xf32>
    %gt3A_221 = arith.constant 0.000000e+00 : f32
    %gt3A_222 = vector.broadcast %gt3A_221 : f32 to vector<16xf32>
    %gt3A_223 = arith.cmpf ogt, %add3A_220, %gt3A_222 : vector<16xf32>
    %exp3A_224 = math.exp %add3A_220 : vector<16xf32>
    %sub3A_225 = arith.constant 1.000000e+00 : f32
    %sub3A_226 = vector.broadcast %sub3A_225 : f32 to vector<16xf32>
    %sub3A_227 = arith.subf %exp3A_224, %sub3A_226 : vector<16xf32>
    %select_n3A_228 = arith.select %gt3A_223, %add3A_220, %sub3A_227 : vector<16xi1>, vector<16xf32>
    %swap3A_229 = arith.constant 80 : index
    %swap3A_230 = tpu.vector_load %arg20[%swap3A_229] {strides = array<i32>} : memref<96xf32, #tpu.memory_space<vmem>>, vector<16xf32>,
    tpu.vector_store %arg20[%swap3A_229], %select_n3A_228 {strides = array<i32>} : memref<96xf32, #tpu.memory_space<vmem>>, vector<16xf32>,
    %scan3A_231 = arith.constant 0 : i32
    %scan3A_232 = arith.constant 0 : i32
    %scan3A_233 = arith.constant 96 : i32
    %scan3A_234 = arith.addi %scan3A_232, %scan3A_233 : i32
    %scan3A_235 = arith.constant 2 : i32
    scf.for %scan3A_244 = %scan3A_232 to %scan3A_234 step %scan3A_235  : i32 {
      %broadcast_in_dim3A = vector.broadcast %scan3A_244 : i32 to vector<16xi32>
      %gather3A_245 = tpu.vector_load_idx %arg20[%broadcast_in_dim3A] : memref<96xf32, #tpu.memory_space<vmem>>[vector<16xi32>], vector<16xf32>,
      %get3A_246 = arith.index_cast %scan3A_244 : i32 to index
      %get3A_247 = arith.constant 0 : index
      %get3A_248 = tpu.vector_load %arg14[%get3A_246, %get3A_247] {strides = array<i32>} : memref<96x128xf32, #tpu.memory_space<vmem>>, vector<16xf32>,
      %mul3A_249 = arith.mulf %get3A_248, %gather3A_245 : vector<16xf32>
      %swap3A_250 = arith.index_cast %scan3A_244 : i32 to index
      %swap3A_251 = arith.constant 0 : index
      %swap3A_252 = tpu.vector_load %arg14[%swap3A_250, %swap3A_251] {strides = array<i32>} : memref<96x128xf32, #tpu.memory_space<vmem>>, vector<16xf32>,
      tpu.vector_store %arg14[%swap3A_250, %swap3A_251], %mul3A_249 {strides = array<i32>} : memref<96x128xf32, #tpu.memory_space<vmem>>, vector<16xf32>,
      %get3A_253 = arith.index_cast %scan3A_244 : i32 to index
      %get3A_254 = arith.constant 16 : index
      %get3A_255 = tpu.vector_load %arg14[%get3A_253, %get3A_254] {strides = array<i32>} : memref<96x128xf32, #tpu.memory_space<vmem>>, vector<16xf32>,
      %mul3A_256 = arith.mulf %get3A_255, %gather3A_245 : vector<16xf32>
      %swap3A_257 = arith.index_cast %scan3A_244 : i32 to index
      %swap3A_258 = arith.constant 16 : index
      %swap3A_259 = tpu.vector_load %arg14[%swap3A_257, %swap3A_258] {strides = array<i32>} : memref<96x128xf32, #tpu.memory_space<vmem>>, vector<16xf32>,
      tpu.vector_store %arg14[%swap3A_257, %swap3A_258], %mul3A_256 {strides = array<i32>} : memref<96x128xf32, #tpu.memory_space<vmem>>, vector<16xf32>,
      %get3A_260 = arith.index_cast %scan3A_244 : i32 to index
      %get3A_261 = arith.constant 32 : index
      %get3A_262 = tpu.vector_load %arg14[%get3A_260, %get3A_261] {strides = array<i32>} : memref<96x128xf32, #tpu.memory_space<vmem>>, vector<16xf32>,
      %mul3A_263 = arith.mulf %get3A_262, %gather3A_245 : vector<16xf32>
      %swap3A_264 = arith.index_cast %scan3A_244 : i32 to index
      %swap3A_265 = arith.constant 32 : index
      %swap3A_266 = tpu.vector_load %arg14[%swap3A_264, %swap3A_265] {strides = array<i32>} : memref<96x128xf32, #tpu.memory_space<vmem>>, vector<16xf32>,
      tpu.vector_store %arg14[%swap3A_264, %swap3A_265], %mul3A_263 {strides = array<i32>} : memref<96x128xf32, #tpu.memory_space<vmem>>, vector<16xf32>,
      %get3A_267 = arith.index_cast %scan3A_244 : i32 to index
      %get3A_268 = arith.constant 48 : index
      %get3A_269 = tpu.vector_load %arg14[%get3A_267, %get3A_268] {strides = array<i32>} : memref<96x128xf32, #tpu.memory_space<vmem>>, vector<16xf32>,
      %mul3A_270 = arith.mulf %get3A_269, %gather3A_245 : vector<16xf32>
      %swap3A_271 = arith.index_cast %scan3A_244 : i32 to index
      %swap3A_272 = arith.constant 48 : index
      %swap3A_273 = tpu.vector_load %arg14[%swap3A_271, %swap3A_272] {strides = array<i32>} : memref<96x128xf32, #tpu.memory_space<vmem>>, vector<16xf32>,
      tpu.vector_store %arg14[%swap3A_271, %swap3A_272], %mul3A_270 {strides = array<i32>} : memref<96x128xf32, #tpu.memory_space<vmem>>, vector<16xf32>,
      %get3A_274 = arith.index_cast %scan3A_244 : i32 to index
      %get3A_275 = arith.constant 64 : index
      %get3A_276 = tpu.vector_load %arg14[%get3A_274, %get3A_275] {strides = array<i32>} : memref<96x128xf32, #tpu.memory_space<vmem>>, vector<16xf32>,
      %mul3A_277 = arith.mulf %get3A_276, %gather3A_245 : vector<16xf32>
      %swap3A_278 = arith.index_cast %scan3A_244 : i32 to index
      %swap3A_279 = arith.constant 64 : index
      %swap3A_280 = tpu.vector_load %arg14[%swap3A_278, %swap3A_279] {strides = array<i32>} : memref<96x128xf32, #tpu.memory_space<vmem>>, vector<16xf32>,
      tpu.vector_store %arg14[%swap3A_278, %swap3A_279], %mul3A_277 {strides = array<i32>} : memref<96x128xf32, #tpu.memory_space<vmem>>, vector<16xf32>,
      %get3A_281 = arith.index_cast %scan3A_244 : i32 to index
      %get3A_282 = arith.constant 80 : index
      %get3A_283 = tpu.vector_load %arg14[%get3A_281, %get3A_282] {strides = array<i32>} : memref<96x128xf32, #tpu.memory_space<vmem>>, vector<16xf32>,
      %mul3A_284 = arith.mulf %get3A_283, %gather3A_245 : vector<16xf32>
      %swap3A_285 = arith.index_cast %scan3A_244 : i32 to index
      %swap3A_286 = arith.constant 80 : index
      %swap3A_287 = tpu.vector_load %arg14[%swap3A_285, %swap3A_286] {strides = array<i32>} : memref<96x128xf32, #tpu.memory_space<vmem>>, vector<16xf32>,
      tpu.vector_store %arg14[%swap3A_285, %swap3A_286], %mul3A_284 {strides = array<i32>} : memref<96x128xf32, #tpu.memory_space<vmem>>, vector<16xf32>,
      %get3A_288 = arith.index_cast %scan3A_244 : i32 to index
      %get3A_289 = arith.constant 96 : index
      %get3A_290 = tpu.vector_load %arg14[%get3A_288, %get3A_289] {strides = array<i32>} : memref<96x128xf32, #tpu.memory_space<vmem>>, vector<16xf32>,
      %mul3A_291 = arith.mulf %get3A_290, %gather3A_245 : vector<16xf32>
      %swap3A_292 = arith.index_cast %scan3A_244 : i32 to index
      %swap3A_293 = arith.constant 96 : index
      %swap3A_294 = tpu.vector_load %arg14[%swap3A_292, %swap3A_293] {strides = array<i32>} : memref<96x128xf32, #tpu.memory_space<vmem>>, vector<16xf32>,
      tpu.vector_store %arg14[%swap3A_292, %swap3A_293], %mul3A_291 {strides = array<i32>} : memref<96x128xf32, #tpu.memory_space<vmem>>, vector<16xf32>,
      %get3A_295 = arith.index_cast %scan3A_244 : i32 to index
      %get3A_296 = arith.constant 112 : index
      %get3A_297 = tpu.vector_load %arg14[%get3A_295, %get3A_296] {strides = array<i32>} : memref<96x128xf32, #tpu.memory_space<vmem>>, vector<16xf32>,
      %mul3A_298 = arith.mulf %get3A_297, %gather3A_245 : vector<16xf32>
      %swap3A_299 = arith.index_cast %scan3A_244 : i32 to index
      %swap3A_300 = arith.constant 112 : index
      %swap3A_301 = tpu.vector_load %arg14[%swap3A_299, %swap3A_300] {strides = array<i32>} : memref<96x128xf32, #tpu.memory_space<vmem>>, vector<16xf32>,
      tpu.vector_store %arg14[%swap3A_299, %swap3A_300], %mul3A_298 {strides = array<i32>} : memref<96x128xf32, #tpu.memory_space<vmem>>, vector<16xf32>,
      %scan3A_302 = arith.constant 1 : i32
      %scan3A_303 = arith.addi %scan3A_244, %scan3A_302 : i32
      %broadcast_in_dim3A_304 = vector.broadcast %scan3A_303 : i32 to vector<16xi32>
      %gather3A_305 = tpu.vector_load_idx %arg20[%broadcast_in_dim3A_304] : memref<96xf32, #tpu.memory_space<vmem>>[vector<16xi32>], vector<16xf32>,
      %get3A_306 = arith.index_cast %scan3A_303 : i32 to index
      %get3A_307 = arith.constant 0 : index
      %get3A_308 = tpu.vector_load %arg14[%get3A_306, %get3A_307] {strides = array<i32>} : memref<96x128xf32, #tpu.memory_space<vmem>>, vector<16xf32>,
      %mul3A_309 = arith.mulf %get3A_308, %gather3A_305 : vector<16xf32>
      %swap3A_310 = arith.index_cast %scan3A_303 : i32 to index
      %swap3A_311 = arith.constant 0 : index
      %swap3A_312 = tpu.vector_load %arg14[%swap3A_310, %swap3A_311] {strides = array<i32>} : memref<96x128xf32, #tpu.memory_space<vmem>>, vector<16xf32>,
      tpu.vector_store %arg14[%swap3A_310, %swap3A_311], %mul3A_309 {strides = array<i32>} : memref<96x128xf32, #tpu.memory_space<vmem>>, vector<16xf32>,
      %get3A_313 = arith.index_cast %scan3A_303 : i32 to index
      %get3A_314 = arith.constant 16 : index
      %get3A_315 = tpu.vector_load %arg14[%get3A_313, %get3A_314] {strides = array<i32>} : memref<96x128xf32, #tpu.memory_space<vmem>>, vector<16xf32>,
      %mul3A_316 = arith.mulf %get3A_315, %gather3A_305 : vector<16xf32>
      %swap3A_317 = arith.index_cast %scan3A_303 : i32 to index
      %swap3A_318 = arith.constant 16 : index
      %swap3A_319 = tpu.vector_load %arg14[%swap3A_317, %swap3A_318] {strides = array<i32>} : memref<96x128xf32, #tpu.memory_space<vmem>>, vector<16xf32>,
      tpu.vector_store %arg14[%swap3A_317, %swap3A_318], %mul3A_316 {strides = array<i32>} : memref<96x128xf32, #tpu.memory_space<vmem>>, vector<16xf32>,
      %get3A_320 = arith.index_cast %scan3A_303 : i32 to index
      %get3A_321 = arith.constant 32 : index
      %get3A_322 = tpu.vector_load %arg14[%get3A_320, %get3A_321] {strides = array<i32>} : memref<96x128xf32, #tpu.memory_space<vmem>>, vector<16xf32>,
      %mul3A_323 = arith.mulf %get3A_322, %gather3A_305 : vector<16xf32>
      %swap3A_324 = arith.index_cast %scan3A_303 : i32 to index
      %swap3A_325 = arith.constant 32 : index
      %swap3A_326 = tpu.vector_load %arg14[%swap3A_324, %swap3A_325] {strides = array<i32>} : memref<96x128xf32, #tpu.memory_space<vmem>>, vector<16xf32>,
      tpu.vector_store %arg14[%swap3A_324, %swap3A_325], %mul3A_323 {strides = array<i32>} : memref<96x128xf32, #tpu.memory_space<vmem>>, vector<16xf32>,
      %get3A_327 = arith.index_cast %scan3A_303 : i32 to index
      %get3A_328 = arith.constant 48 : index
      %get3A_329 = tpu.vector_load %arg14[%get3A_327, %get3A_328] {strides = array<i32>} : memref<96x128xf32, #tpu.memory_space<vmem>>, vector<16xf32>,
      %mul3A_330 = arith.mulf %get3A_329, %gather3A_305 : vector<16xf32>
      %swap3A_331 = arith.index_cast %scan3A_303 : i32 to index
      %swap3A_332 = arith.constant 48 : index
      %swap3A_333 = tpu.vector_load %arg14[%swap3A_331, %swap3A_332] {strides = array<i32>} : memref<96x128xf32, #tpu.memory_space<vmem>>, vector<16xf32>,
      tpu.vector_store %arg14[%swap3A_331, %swap3A_332], %mul3A_330 {strides = array<i32>} : memref<96x128xf32, #tpu.memory_space<vmem>>, vector<16xf32>,
      %get3A_334 = arith.index_cast %scan3A_303 : i32 to index
      %get3A_335 = arith.constant 64 : index
      %get3A_336 = tpu.vector_load %arg14[%get3A_334, %get3A_335] {strides = array<i32>} : memref<96x128xf32, #tpu.memory_space<vmem>>, vector<16xf32>,
      %mul3A_337 = arith.mulf %get3A_336, %gather3A_305 : vector<16xf32>
      %swap3A_338 = arith.index_cast %scan3A_303 : i32 to index
      %swap3A_339 = arith.constant 64 : index
      %swap3A_340 = tpu.vector_load %arg14[%swap3A_338, %swap3A_339] {strides = array<i32>} : memref<96x128xf32, #tpu.memory_space<vmem>>, vector<16xf32>,
      tpu.vector_store %arg14[%swap3A_338, %swap3A_339], %mul3A_337 {strides = array<i32>} : memref<96x128xf32, #tpu.memory_space<vmem>>, vector<16xf32>,
      %get3A_341 = arith.index_cast %scan3A_303 : i32 to index
      %get3A_342 = arith.constant 80 : index
      %get3A_343 = tpu.vector_load %arg14[%get3A_341, %get3A_342] {strides = array<i32>} : memref<96x128xf32, #tpu.memory_space<vmem>>, vector<16xf32>,
      %mul3A_344 = arith.mulf %get3A_343, %gather3A_305 : vector<16xf32>
      %swap3A_345 = arith.index_cast %scan3A_303 : i32 to index
      %swap3A_346 = arith.constant 80 : index
      %swap3A_347 = tpu.vector_load %arg14[%swap3A_345, %swap3A_346] {strides = array<i32>} : memref<96x128xf32, #tpu.memory_space<vmem>>, vector<16xf32>,
      tpu.vector_store %arg14[%swap3A_345, %swap3A_346], %mul3A_344 {strides = array<i32>} : memref<96x128xf32, #tpu.memory_space<vmem>>, vector<16xf32>,
      %get3A_348 = arith.index_cast %scan3A_303 : i32 to index
      %get3A_349 = arith.constant 96 : index
      %get3A_350 = tpu.vector_load %arg14[%get3A_348, %get3A_349] {strides = array<i32>} : memref<96x128xf32, #tpu.memory_space<vmem>>, vector<16xf32>,
      %mul3A_351 = arith.mulf %get3A_350, %gather3A_305 : vector<16xf32>
      %swap3A_352 = arith.index_cast %scan3A_303 : i32 to index
      %swap3A_353 = arith.constant 96 : index
      %swap3A_354 = tpu.vector_load %arg14[%swap3A_352, %swap3A_353] {strides = array<i32>} : memref<96x128xf32, #tpu.memory_space<vmem>>, vector<16xf32>,
      tpu.vector_store %arg14[%swap3A_352, %swap3A_353], %mul3A_351 {strides = array<i32>} : memref<96x128xf32, #tpu.memory_space<vmem>>, vector<16xf32>,
      %get3A_355 = arith.index_cast %scan3A_303 : i32 to index
      %get3A_356 = arith.constant 112 : index
      %get3A_357 = tpu.vector_load %arg14[%get3A_355, %get3A_356] {strides = array<i32>} : memref<96x128xf32, #tpu.memory_space<vmem>>, vector<16xf32>,
      %mul3A_358 = arith.mulf %get3A_357, %gather3A_305 : vector<16xf32>
      %swap3A_359 = arith.index_cast %scan3A_303 : i32 to index
      %swap3A_360 = arith.constant 112 : index
      %swap3A_361 = tpu.vector_load %arg14[%swap3A_359, %swap3A_360] {strides = array<i32>} : memref<96x128xf32, #tpu.memory_space<vmem>>, vector<16xf32>,
      tpu.vector_store %arg14[%swap3A_359, %swap3A_360], %mul3A_358 {strides = array<i32>} : memref<96x128xf32, #tpu.memory_space<vmem>>, vector<16xf32>,
    }
    %scan3A_236 = arith.constant 96 : i32
    "tpu.region"() ({
      %run_scoped3A = tpu.sem_alloc : memref<!tpu.dma_semaphore, #tpu.memory_space<semaphore_mem>>
      %dma_start3A_244 = arith.constant 0 : i32
      %dma_start3A_245 = arith.constant 0 : i32
      %dma_start3A_246 = tpu.memref_slice %arg15[%dma_start3A_244, %dma_start3A_245] : memref<10112x128xf32, #tpu.memory_space<vmem_shared>> -> memref<10112x128xf32, #tpu.memory_space<vmem_shared>>
      tpu.enqueue_indirect_dma source(%arg14 : memref<96x128xf32, #tpu.memory_space<vmem>>) target(%dma_start3A_246 : memref<10112x128xf32, #tpu.memory_space<vmem_shared>>) offsets(%arg12 : memref<96xi32, #tpu.memory_space<vmem>>) semaphore(%run_scoped3A : memref<!tpu.dma_semaphore, #tpu.memory_space<semaphore_mem>>) {add = true}
      %dma_wait3A_247 = arith.constant 0 : i32
      %dma_wait3A_248 = arith.constant 0 : i32
      %dma_wait3A_249 = tpu.memref_slice %arg15[%dma_wait3A_247, %dma_wait3A_248] : memref<10112x128xf32, #tpu.memory_space<vmem_shared>> -> memref<10112x128xf32, #tpu.memory_space<vmem_shared>>
      tpu.wait_indirect_dma semaphore(%run_scoped3A : memref<!tpu.dma_semaphore, #tpu.memory_space<semaphore_mem>>) src(%arg14 : memref<96x128xf32, #tpu.memory_space<vmem>>) dst(%dma_wait3A_249 : memref<10112x128xf32, #tpu.memory_space<vmem_shared>>)
      tpu.yield
    }) : () -> ()
    %barrier3A_237 = arith.constant 0 : index
    tpu.barrier barrier_id(%barrier3A_237)
    %lt3A = arith.constant 15 : i32
    %lt3A_238 = arith.cmpi slt, %arg1, %lt3A : i32
    %convert_element_type3A = arith.extui %lt3A_238 : i1 to i32
    %cond3A = arith.constant 0 : i32
    %cond3A_239 = arith.cmpi ne, %convert_element_type3A, %cond3A : i32
    scf.if %cond3A_239 {
      %mul3A_244 = arith.constant 624 : i32
      %mul3A_245 = arith.muli %arg1, %mul3A_244 : i32
      %multiple_of3A_246 = tpu.assume_multiple %mul3A_245, 8 : i32
      %mul3A_247 = arith.constant 10000 : i32
      %mul3A_248 = arith.muli %arg0, %mul3A_247 : i32
      %mul3A_249 = arith.constant 624 : i32
      %mul3A_250 = arith.muli %arg1, %mul3A_249 : i32
      %add3A_251 = arith.addi %mul3A_248, %mul3A_250 : i32
      %multiple_of3A_252 = tpu.assume_multiple %add3A_251, 8 : i32
      "tpu.region"() ({
        %run_scoped3A = tpu.sem_alloc : memref<!tpu.dma_semaphore, #tpu.memory_space<semaphore_mem>>
        %dma_start3A_253 = arith.constant 0 : i32
        %dma_start3A_254 = tpu.memref_slice %arg8[%multiple_of3A_252, %dma_start3A_253] : memref<20000x128xf32, #tpu.memory_space<hbm>> -> memref<624x128xf32, #tpu.memory_space<hbm>>
        %dma_start3A_255 = arith.constant 0 : i32
        %dma_start3A_256 = tpu.memref_slice %arg15[%multiple_of3A_246, %dma_start3A_255] : memref<10112x128xf32, #tpu.memory_space<vmem_shared>> -> memref<624x128xf32, #tpu.memory_space<vmem_shared>>
        tpu.enqueue_dma source(%dma_start3A_256 : memref<624x128xf32, #tpu.memory_space<vmem_shared>>) target(%dma_start3A_254 : memref<624x128xf32, #tpu.memory_space<hbm>>) target_semaphore(%run_scoped3A : memref<!tpu.dma_semaphore, #tpu.memory_space<semaphore_mem>>)
        %dma_wait3A_257 = arith.constant 0 : i32
        %dma_wait3A_258 = tpu.memref_slice %arg8[%multiple_of3A_252, %dma_wait3A_257] : memref<20000x128xf32, #tpu.memory_space<hbm>> -> memref<624x128xf32, #tpu.memory_space<hbm>>
        %dma_wait3A_259 = arith.constant 0 : i32
        %dma_wait3A_260 = tpu.memref_slice %arg15[%multiple_of3A_246, %dma_wait3A_259] : memref<10112x128xf32, #tpu.memory_space<vmem_shared>> -> memref<624x128xf32, #tpu.memory_space<vmem_shared>>
        tpu.wait_dma2 semaphore(%run_scoped3A : memref<!tpu.dma_semaphore, #tpu.memory_space<semaphore_mem>>) src(%dma_wait3A_260 : memref<624x128xf32, #tpu.memory_space<vmem_shared>>) dst(%dma_wait3A_258 : memref<624x128xf32, #tpu.memory_space<hbm>>)
        tpu.yield
      }) : () -> ()
    } else {
    }
    %eq3A = arith.constant 15 : i32
    %eq3A_240 = arith.cmpi eq, %arg1, %eq3A : i32
    %convert_element_type3A_241 = arith.extui %eq3A_240 : i1 to i32
    %cond3A_242 = arith.constant 0 : i32
    %cond3A_243 = arith.cmpi ne, %convert_element_type3A_241, %cond3A_242 : i32
    scf.if %cond3A_243 {
      %mul3A_244 = arith.constant 10000 : i32
      %mul3A_245 = arith.muli %arg0, %mul3A_244 : i32
      %add3A_246 = arith.constant 9360 : i32
      %add3A_247 = arith.addi %mul3A_245, %add3A_246 : i32
      %multiple_of3A_248 = tpu.assume_multiple %add3A_247, 8 : i32
      "tpu.region"() ({
        %run_scoped3A = tpu.sem_alloc : memref<!tpu.dma_semaphore, #tpu.memory_space<semaphore_mem>>
        %dma_start3A_249 = arith.constant 0 : i32
        %dma_start3A_250 = tpu.memref_slice %arg8[%multiple_of3A_248, %dma_start3A_249] : memref<20000x128xf32, #tpu.memory_space<hbm>> -> memref<640x128xf32, #tpu.memory_space<hbm>>
        %dma_start3A_251 = arith.constant 9360 : i32
        %dma_start3A_252 = arith.constant 0 : i32
        %dma_start3A_253 = tpu.memref_slice %arg15[%dma_start3A_251, %dma_start3A_252] : memref<10112x128xf32, #tpu.memory_space<vmem_shared>> -> memref<640x128xf32, #tpu.memory_space<vmem_shared>>
        tpu.enqueue_dma source(%dma_start3A_253 : memref<640x128xf32, #tpu.memory_space<vmem_shared>>) target(%dma_start3A_250 : memref<640x128xf32, #tpu.memory_space<hbm>>) target_semaphore(%run_scoped3A : memref<!tpu.dma_semaphore, #tpu.memory_space<semaphore_mem>>)
        %dma_wait3A_254 = arith.constant 0 : i32
        %dma_wait3A_255 = tpu.memref_slice %arg8[%multiple_of3A_248, %dma_wait3A_254] : memref<20000x128xf32, #tpu.memory_space<hbm>> -> memref<640x128xf32, #tpu.memory_space<hbm>>
        %dma_wait3A_256 = arith.constant 9360 : i32
        %dma_wait3A_257 = arith.constant 0 : i32
        %dma_wait3A_258 = tpu.memref_slice %arg15[%dma_wait3A_256, %dma_wait3A_257] : memref<10112x128xf32, #tpu.memory_space<vmem_shared>> -> memref<640x128xf32, #tpu.memory_space<vmem_shared>>
        tpu.wait_dma2 semaphore(%run_scoped3A : memref<!tpu.dma_semaphore, #tpu.memory_space<semaphore_mem>>) src(%dma_wait3A_258 : memref<640x128xf32, #tpu.memory_space<vmem_shared>>) dst(%dma_wait3A_255 : memref<640x128xf32, #tpu.memory_space<hbm>>)
        tpu.yield
      }) : () -> ()
    } else {
    }
    return
  }
}

#map = affine_map<(d0, d1) -> (0)>
#map1 = affine_map<(d0, d1) -> (0, 0)>
module attributes {stable_mosaic.version = 14 : i64} {
  func.func @segment_sum_sc(%arg0: i32, %arg1: i32, %arg2: memref<325632xi32, #tpu.memory_space<hbm>>, %arg3: memref<325632xi32, #tpu.memory_space<hbm>>, %arg4: memref<10000x128xf32, #tpu.memory_space<hbm>>, %arg5: memref<632x128xf32, #tpu.memory_space<hbm>>, %arg6: memref<20000x128xf32, #tpu.memory_space<hbm>>, %arg7: memref<96xi32, #tpu.memory_space<vmem>>, %arg8: memref<96xi32, #tpu.memory_space<vmem>>, %arg9: memref<96xi32, #tpu.memory_space<vmem>>, %arg10: memref<96xi32, #tpu.memory_space<vmem>>, %arg11: memref<96x128xf32, #tpu.memory_space<vmem>>, %arg12: memref<96x128xf32, #tpu.memory_space<vmem>>, %arg13: memref<10112x128xf32, #tpu.memory_space<vmem_shared>>, %arg14: memref<!tpu.dma_semaphore, #tpu.memory_space<semaphore_mem>>, %arg15: memref<!tpu.dma_semaphore, #tpu.memory_space<semaphore_mem>>) attributes {dimension_semantics = [#tpu.dimension_semantics<core_parallel>, #tpu.dimension_semantics<subcore_parallel>], iteration_bounds = array<i64: 2, 16>, scalar_prefetch = 0 : i64, scratch_operands = 9 : i64, tpu.core_type = #tpu.core_type<sc_vector_subcore>, window_params = [{transform_indices = #map}, {transform_indices = #map}, {transform_indices = #map1}, {transform_indices = #map1}, {transform_indices = #map1}]} {
    %mul3A = arith.constant 2 : i32
    %mul3A_0 = arith.muli %arg1, %mul3A : i32
    %add3A = arith.addi %mul3A_0, %arg0 : i32
    %mul3A_1 = arith.constant 632 : i32
    %mul3A_2 = arith.muli %arg1, %mul3A_1 : i32
    %multiple_of3A = tpu.assume_multiple %mul3A_2, 8 : i32
    "tpu.region"() ({
      %run_scoped3A = tpu.sem_alloc : memref<!tpu.dma_semaphore, #tpu.memory_space<semaphore_mem>>
      %dma_start3A_35 = arith.constant 0 : i32
      %dma_start3A_36 = tpu.memref_slice %arg13[%multiple_of3A, %dma_start3A_35] : memref<10112x128xf32, #tpu.memory_space<vmem_shared>> -> memref<632x128xf32, #tpu.memory_space<vmem_shared>>
      tpu.enqueue_dma source(%arg5 : memref<632x128xf32, #tpu.memory_space<hbm>>) target(%dma_start3A_36 : memref<632x128xf32, #tpu.memory_space<vmem_shared>>) target_semaphore(%run_scoped3A : memref<!tpu.dma_semaphore, #tpu.memory_space<semaphore_mem>>)
      %dma_wait3A_37 = arith.constant 0 : i32
      %dma_wait3A_38 = tpu.memref_slice %arg13[%multiple_of3A, %dma_wait3A_37] : memref<10112x128xf32, #tpu.memory_space<vmem_shared>> -> memref<632x128xf32, #tpu.memory_space<vmem_shared>>
      tpu.wait_dma2 semaphore(%run_scoped3A : memref<!tpu.dma_semaphore, #tpu.memory_space<semaphore_mem>>) src(%arg5 : memref<632x128xf32, #tpu.memory_space<hbm>>) dst(%dma_wait3A_38 : memref<632x128xf32, #tpu.memory_space<vmem_shared>>)
      tpu.yield
    }) : () -> ()
    %barrier3A = arith.constant 0 : index
    tpu.barrier barrier_id(%barrier3A)
    %add3A_3 = arith.constant 0 : i32
    %add3A_4 = arith.addi %add3A_3, %add3A : i32
    %mul3A_5 = arith.constant 96 : i32
    %mul3A_6 = arith.muli %add3A_4, %mul3A_5 : i32
    %multiple_of3A_7 = tpu.assume_multiple %mul3A_6, 8 : i32
    "tpu.region"() ({
      %run_scoped3A = tpu.sem_alloc : memref<!tpu.dma_semaphore, #tpu.memory_space<semaphore_mem>>
      %dma_start3A_35 = tpu.memref_slice %arg2[%multiple_of3A_7] : memref<325632xi32, #tpu.memory_space<hbm>> -> memref<96xi32, #tpu.memory_space<hbm>>
      %dma_start3A_36 = tpu.memref_slice %arg2[%multiple_of3A_7] : memref<325632xi32, #tpu.memory_space<hbm>> -> memref<96xi32, #tpu.memory_space<hbm>>
      tpu.enqueue_dma source(%dma_start3A_36 : memref<96xi32, #tpu.memory_space<hbm>>) target(%arg7 : memref<96xi32, #tpu.memory_space<vmem>>) target_semaphore(%run_scoped3A : memref<!tpu.dma_semaphore, #tpu.memory_space<semaphore_mem>>)
      %dma_wait3A_37 = tpu.memref_slice %arg2[%multiple_of3A_7] : memref<325632xi32, #tpu.memory_space<hbm>> -> memref<96xi32, #tpu.memory_space<hbm>>
      %dma_wait3A_38 = tpu.memref_slice %arg2[%multiple_of3A_7] : memref<325632xi32, #tpu.memory_space<hbm>> -> memref<96xi32, #tpu.memory_space<hbm>>
      tpu.wait_dma2 semaphore(%run_scoped3A : memref<!tpu.dma_semaphore, #tpu.memory_space<semaphore_mem>>) src(%dma_wait3A_38 : memref<96xi32, #tpu.memory_space<hbm>>) dst(%arg7 : memref<96xi32, #tpu.memory_space<vmem>>)
      tpu.yield
    }) : () -> ()
    "tpu.region"() ({
      %run_scoped3A = tpu.sem_alloc : memref<!tpu.dma_semaphore, #tpu.memory_space<semaphore_mem>>
      %dma_start3A_35 = tpu.memref_slice %arg3[%multiple_of3A_7] : memref<325632xi32, #tpu.memory_space<hbm>> -> memref<96xi32, #tpu.memory_space<hbm>>
      %dma_start3A_36 = tpu.memref_slice %arg3[%multiple_of3A_7] : memref<325632xi32, #tpu.memory_space<hbm>> -> memref<96xi32, #tpu.memory_space<hbm>>
      tpu.enqueue_dma source(%dma_start3A_36 : memref<96xi32, #tpu.memory_space<hbm>>) target(%arg9 : memref<96xi32, #tpu.memory_space<vmem>>) target_semaphore(%run_scoped3A : memref<!tpu.dma_semaphore, #tpu.memory_space<semaphore_mem>>)
      %dma_wait3A_37 = tpu.memref_slice %arg3[%multiple_of3A_7] : memref<325632xi32, #tpu.memory_space<hbm>> -> memref<96xi32, #tpu.memory_space<hbm>>
      %dma_wait3A_38 = tpu.memref_slice %arg3[%multiple_of3A_7] : memref<325632xi32, #tpu.memory_space<hbm>> -> memref<96xi32, #tpu.memory_space<hbm>>
      tpu.wait_dma2 semaphore(%run_scoped3A : memref<!tpu.dma_semaphore, #tpu.memory_space<semaphore_mem>>) src(%dma_wait3A_38 : memref<96xi32, #tpu.memory_space<hbm>>) dst(%arg9 : memref<96xi32, #tpu.memory_space<vmem>>)
      tpu.yield
    }) : () -> ()
    %dma_start3A = arith.constant 0 : i32
    %dma_start3A_8 = arith.constant 0 : i32
    %dma_start3A_9 = tpu.memref_slice %arg4[%dma_start3A, %dma_start3A_8] : memref<10000x128xf32, #tpu.memory_space<hbm>> -> memref<10000x128xf32, #tpu.memory_space<hbm>>
    tpu.enqueue_indirect_dma source(%dma_start3A_9 : memref<10000x128xf32, #tpu.memory_space<hbm>>) target(%arg11 : memref<96x128xf32, #tpu.memory_space<vmem>>) offsets(%arg7 : memref<96xi32, #tpu.memory_space<vmem>>) semaphore(%arg14 : memref<!tpu.dma_semaphore, #tpu.memory_space<semaphore_mem>>)
    %add3A_10 = arith.constant 32 : i32
    %add3A_11 = arith.addi %add3A_10, %add3A : i32
    %mul3A_12 = arith.constant 96 : i32
    %mul3A_13 = arith.muli %add3A_11, %mul3A_12 : i32
    %multiple_of3A_14 = tpu.assume_multiple %mul3A_13, 8 : i32
    "tpu.region"() ({
      %run_scoped3A = tpu.sem_alloc : memref<!tpu.dma_semaphore, #tpu.memory_space<semaphore_mem>>
      %dma_start3A_35 = tpu.memref_slice %arg2[%multiple_of3A_14] : memref<325632xi32, #tpu.memory_space<hbm>> -> memref<96xi32, #tpu.memory_space<hbm>>
      %dma_start3A_36 = tpu.memref_slice %arg2[%multiple_of3A_14] : memref<325632xi32, #tpu.memory_space<hbm>> -> memref<96xi32, #tpu.memory_space<hbm>>
      tpu.enqueue_dma source(%dma_start3A_36 : memref<96xi32, #tpu.memory_space<hbm>>) target(%arg8 : memref<96xi32, #tpu.memory_space<vmem>>) target_semaphore(%run_scoped3A : memref<!tpu.dma_semaphore, #tpu.memory_space<semaphore_mem>>)
      %dma_wait3A_37 = tpu.memref_slice %arg2[%multiple_of3A_14] : memref<325632xi32, #tpu.memory_space<hbm>> -> memref<96xi32, #tpu.memory_space<hbm>>
      %dma_wait3A_38 = tpu.memref_slice %arg2[%multiple_of3A_14] : memref<325632xi32, #tpu.memory_space<hbm>> -> memref<96xi32, #tpu.memory_space<hbm>>
      tpu.wait_dma2 semaphore(%run_scoped3A : memref<!tpu.dma_semaphore, #tpu.memory_space<semaphore_mem>>) src(%dma_wait3A_38 : memref<96xi32, #tpu.memory_space<hbm>>) dst(%arg8 : memref<96xi32, #tpu.memory_space<vmem>>)
      tpu.yield
    }) : () -> ()
    "tpu.region"() ({
      %run_scoped3A = tpu.sem_alloc : memref<!tpu.dma_semaphore, #tpu.memory_space<semaphore_mem>>
      %dma_start3A_35 = tpu.memref_slice %arg3[%multiple_of3A_14] : memref<325632xi32, #tpu.memory_space<hbm>> -> memref<96xi32, #tpu.memory_space<hbm>>
      %dma_start3A_36 = tpu.memref_slice %arg3[%multiple_of3A_14] : memref<325632xi32, #tpu.memory_space<hbm>> -> memref<96xi32, #tpu.memory_space<hbm>>
      tpu.enqueue_dma source(%dma_start3A_36 : memref<96xi32, #tpu.memory_space<hbm>>) target(%arg10 : memref<96xi32, #tpu.memory_space<vmem>>) target_semaphore(%run_scoped3A : memref<!tpu.dma_semaphore, #tpu.memory_space<semaphore_mem>>)
      %dma_wait3A_37 = tpu.memref_slice %arg3[%multiple_of3A_14] : memref<325632xi32, #tpu.memory_space<hbm>> -> memref<96xi32, #tpu.memory_space<hbm>>
      %dma_wait3A_38 = tpu.memref_slice %arg3[%multiple_of3A_14] : memref<325632xi32, #tpu.memory_space<hbm>> -> memref<96xi32, #tpu.memory_space<hbm>>
      tpu.wait_dma2 semaphore(%run_scoped3A : memref<!tpu.dma_semaphore, #tpu.memory_space<semaphore_mem>>) src(%dma_wait3A_38 : memref<96xi32, #tpu.memory_space<hbm>>) dst(%arg10 : memref<96xi32, #tpu.memory_space<vmem>>)
      tpu.yield
    }) : () -> ()
    %scan3A = arith.constant 0 : i32
    %scan3A_15 = arith.constant 0 : i32
    %scan3A_16 = arith.constant 52 : i32
    %scan3A_17 = arith.addi %scan3A_15, %scan3A_16 : i32
    %scan3A_18 = arith.constant 1 : i32
    scf.for %scan3A_35 = %scan3A_15 to %scan3A_17 step %scan3A_18  : i32 {
      %mul3A_36 = arith.constant 2 : i32
      %mul3A_37 = arith.muli %scan3A_35, %mul3A_36 : i32
      %add3A_38 = arith.constant 0 : i32
      %add3A_39 = arith.addi %mul3A_37, %add3A_38 : i32
      %dma_wait3A_40 = arith.constant 0 : i32
      %dma_wait3A_41 = arith.constant 0 : i32
      %dma_wait3A_42 = tpu.memref_slice %arg4[%dma_wait3A_40, %dma_wait3A_41] : memref<10000x128xf32, #tpu.memory_space<hbm>> -> memref<10000x128xf32, #tpu.memory_space<hbm>>
      tpu.wait_indirect_dma semaphore(%arg14 : memref<!tpu.dma_semaphore, #tpu.memory_space<semaphore_mem>>) src(%dma_wait3A_42 : memref<10000x128xf32, #tpu.memory_space<hbm>>) dst(%arg11 : memref<96x128xf32, #tpu.memory_space<vmem>>)
      %dma_start3A_43 = arith.constant 0 : i32
      %dma_start3A_44 = arith.constant 0 : i32
      %dma_start3A_45 = tpu.memref_slice %arg4[%dma_start3A_43, %dma_start3A_44] : memref<10000x128xf32, #tpu.memory_space<hbm>> -> memref<10000x128xf32, #tpu.memory_space<hbm>>
      tpu.enqueue_indirect_dma source(%dma_start3A_45 : memref<10000x128xf32, #tpu.memory_space<hbm>>) target(%arg12 : memref<96x128xf32, #tpu.memory_space<vmem>>) offsets(%arg8 : memref<96xi32, #tpu.memory_space<vmem>>) semaphore(%arg15 : memref<!tpu.dma_semaphore, #tpu.memory_space<semaphore_mem>>)
      "tpu.region"() ({
        %run_scoped3A = tpu.sem_alloc : memref<!tpu.dma_semaphore, #tpu.memory_space<semaphore_mem>>
        %dma_start3A_72 = arith.constant 0 : i32
        %dma_start3A_73 = arith.constant 0 : i32
        %dma_start3A_74 = tpu.memref_slice %arg13[%dma_start3A_72, %dma_start3A_73] : memref<10112x128xf32, #tpu.memory_space<vmem_shared>> -> memref<10112x128xf32, #tpu.memory_space<vmem_shared>>
        tpu.enqueue_indirect_dma source(%arg11 : memref<96x128xf32, #tpu.memory_space<vmem>>) target(%dma_start3A_74 : memref<10112x128xf32, #tpu.memory_space<vmem_shared>>) offsets(%arg9 : memref<96xi32, #tpu.memory_space<vmem>>) semaphore(%run_scoped3A : memref<!tpu.dma_semaphore, #tpu.memory_space<semaphore_mem>>) {add = true}
        %dma_wait3A_75 = arith.constant 0 : i32
        %dma_wait3A_76 = arith.constant 0 : i32
        %dma_wait3A_77 = tpu.memref_slice %arg13[%dma_wait3A_75, %dma_wait3A_76] : memref<10112x128xf32, #tpu.memory_space<vmem_shared>> -> memref<10112x128xf32, #tpu.memory_space<vmem_shared>>
        tpu.wait_indirect_dma semaphore(%run_scoped3A : memref<!tpu.dma_semaphore, #tpu.memory_space<semaphore_mem>>) src(%arg11 : memref<96x128xf32, #tpu.memory_space<vmem>>) dst(%dma_wait3A_77 : memref<10112x128xf32, #tpu.memory_space<vmem_shared>>)
        tpu.yield
      }) : () -> ()
      %add3A_46 = arith.constant 2 : i32
      %add3A_47 = arith.addi %add3A_39, %add3A_46 : i32
      %mul3A_48 = arith.constant 32 : i32
      %mul3A_49 = arith.muli %add3A_47, %mul3A_48 : i32
      %add3A_50 = arith.addi %mul3A_49, %add3A : i32
      %mul3A_51 = arith.constant 96 : i32
      %mul3A_52 = arith.muli %add3A_50, %mul3A_51 : i32
      %multiple_of3A_53 = tpu.assume_multiple %mul3A_52, 8 : i32
      "tpu.region"() ({
        %run_scoped3A = tpu.sem_alloc : memref<!tpu.dma_semaphore, #tpu.memory_space<semaphore_mem>>
        %dma_start3A_72 = tpu.memref_slice %arg2[%multiple_of3A_53] : memref<325632xi32, #tpu.memory_space<hbm>> -> memref<96xi32, #tpu.memory_space<hbm>>
        %dma_start3A_73 = tpu.memref_slice %arg2[%multiple_of3A_53] : memref<325632xi32, #tpu.memory_space<hbm>> -> memref<96xi32, #tpu.memory_space<hbm>>
        tpu.enqueue_dma source(%dma_start3A_73 : memref<96xi32, #tpu.memory_space<hbm>>) target(%arg7 : memref<96xi32, #tpu.memory_space<vmem>>) target_semaphore(%run_scoped3A : memref<!tpu.dma_semaphore, #tpu.memory_space<semaphore_mem>>)
        %dma_wait3A_74 = tpu.memref_slice %arg2[%multiple_of3A_53] : memref<325632xi32, #tpu.memory_space<hbm>> -> memref<96xi32, #tpu.memory_space<hbm>>
        %dma_wait3A_75 = tpu.memref_slice %arg2[%multiple_of3A_53] : memref<325632xi32, #tpu.memory_space<hbm>> -> memref<96xi32, #tpu.memory_space<hbm>>
        tpu.wait_dma2 semaphore(%run_scoped3A : memref<!tpu.dma_semaphore, #tpu.memory_space<semaphore_mem>>) src(%dma_wait3A_75 : memref<96xi32, #tpu.memory_space<hbm>>) dst(%arg7 : memref<96xi32, #tpu.memory_space<vmem>>)
        tpu.yield
      }) : () -> ()
      "tpu.region"() ({
        %run_scoped3A = tpu.sem_alloc : memref<!tpu.dma_semaphore, #tpu.memory_space<semaphore_mem>>
        %dma_start3A_72 = tpu.memref_slice %arg3[%multiple_of3A_53] : memref<325632xi32, #tpu.memory_space<hbm>> -> memref<96xi32, #tpu.memory_space<hbm>>
        %dma_start3A_73 = tpu.memref_slice %arg3[%multiple_of3A_53] : memref<325632xi32, #tpu.memory_space<hbm>> -> memref<96xi32, #tpu.memory_space<hbm>>
        tpu.enqueue_dma source(%dma_start3A_73 : memref<96xi32, #tpu.memory_space<hbm>>) target(%arg9 : memref<96xi32, #tpu.memory_space<vmem>>) target_semaphore(%run_scoped3A : memref<!tpu.dma_semaphore, #tpu.memory_space<semaphore_mem>>)
        %dma_wait3A_74 = tpu.memref_slice %arg3[%multiple_of3A_53] : memref<325632xi32, #tpu.memory_space<hbm>> -> memref<96xi32, #tpu.memory_space<hbm>>
        %dma_wait3A_75 = tpu.memref_slice %arg3[%multiple_of3A_53] : memref<325632xi32, #tpu.memory_space<hbm>> -> memref<96xi32, #tpu.memory_space<hbm>>
        tpu.wait_dma2 semaphore(%run_scoped3A : memref<!tpu.dma_semaphore, #tpu.memory_space<semaphore_mem>>) src(%dma_wait3A_75 : memref<96xi32, #tpu.memory_space<hbm>>) dst(%arg9 : memref<96xi32, #tpu.memory_space<vmem>>)
        tpu.yield
      }) : () -> ()
      %mul3A_54 = arith.constant 2 : i32
      %mul3A_55 = arith.muli %scan3A_35, %mul3A_54 : i32
      %add3A_56 = arith.constant 1 : i32
      %add3A_57 = arith.addi %mul3A_55, %add3A_56 : i32
      %dma_wait3A_58 = arith.constant 0 : i32
      %dma_wait3A_59 = arith.constant 0 : i32
      %dma_wait3A_60 = tpu.memref_slice %arg4[%dma_wait3A_58, %dma_wait3A_59] : memref<10000x128xf32, #tpu.memory_space<hbm>> -> memref<10000x128xf32, #tpu.memory_space<hbm>>
      tpu.wait_indirect_dma semaphore(%arg15 : memref<!tpu.dma_semaphore, #tpu.memory_space<semaphore_mem>>) src(%dma_wait3A_60 : memref<10000x128xf32, #tpu.memory_space<hbm>>) dst(%arg12 : memref<96x128xf32, #tpu.memory_space<vmem>>)
      %dma_start3A_61 = arith.constant 0 : i32
      %dma_start3A_62 = arith.constant 0 : i32
      %dma_start3A_63 = tpu.memref_slice %arg4[%dma_start3A_61, %dma_start3A_62] : memref<10000x128xf32, #tpu.memory_space<hbm>> -> memref<10000x128xf32, #tpu.memory_space<hbm>>
      tpu.enqueue_indirect_dma source(%dma_start3A_63 : memref<10000x128xf32, #tpu.memory_space<hbm>>) target(%arg11 : memref<96x128xf32, #tpu.memory_space<vmem>>) offsets(%arg7 : memref<96xi32, #tpu.memory_space<vmem>>) semaphore(%arg14 : memref<!tpu.dma_semaphore, #tpu.memory_space<semaphore_mem>>)
      "tpu.region"() ({
        %run_scoped3A = tpu.sem_alloc : memref<!tpu.dma_semaphore, #tpu.memory_space<semaphore_mem>>
        %dma_start3A_72 = arith.constant 0 : i32
        %dma_start3A_73 = arith.constant 0 : i32
        %dma_start3A_74 = tpu.memref_slice %arg13[%dma_start3A_72, %dma_start3A_73] : memref<10112x128xf32, #tpu.memory_space<vmem_shared>> -> memref<10112x128xf32, #tpu.memory_space<vmem_shared>>
        tpu.enqueue_indirect_dma source(%arg12 : memref<96x128xf32, #tpu.memory_space<vmem>>) target(%dma_start3A_74 : memref<10112x128xf32, #tpu.memory_space<vmem_shared>>) offsets(%arg10 : memref<96xi32, #tpu.memory_space<vmem>>) semaphore(%run_scoped3A : memref<!tpu.dma_semaphore, #tpu.memory_space<semaphore_mem>>) {add = true}
        %dma_wait3A_75 = arith.constant 0 : i32
        %dma_wait3A_76 = arith.constant 0 : i32
        %dma_wait3A_77 = tpu.memref_slice %arg13[%dma_wait3A_75, %dma_wait3A_76] : memref<10112x128xf32, #tpu.memory_space<vmem_shared>> -> memref<10112x128xf32, #tpu.memory_space<vmem_shared>>
        tpu.wait_indirect_dma semaphore(%run_scoped3A : memref<!tpu.dma_semaphore, #tpu.memory_space<semaphore_mem>>) src(%arg12 : memref<96x128xf32, #tpu.memory_space<vmem>>) dst(%dma_wait3A_77 : memref<10112x128xf32, #tpu.memory_space<vmem_shared>>)
        tpu.yield
      }) : () -> ()
      %add3A_64 = arith.constant 2 : i32
      %add3A_65 = arith.addi %add3A_57, %add3A_64 : i32
      %mul3A_66 = arith.constant 32 : i32
      %mul3A_67 = arith.muli %add3A_65, %mul3A_66 : i32
      %add3A_68 = arith.addi %mul3A_67, %add3A : i32
      %mul3A_69 = arith.constant 96 : i32
      %mul3A_70 = arith.muli %add3A_68, %mul3A_69 : i32
      %multiple_of3A_71 = tpu.assume_multiple %mul3A_70, 8 : i32
      "tpu.region"() ({
        %run_scoped3A = tpu.sem_alloc : memref<!tpu.dma_semaphore, #tpu.memory_space<semaphore_mem>>
        %dma_start3A_72 = tpu.memref_slice %arg2[%multiple_of3A_71] : memref<325632xi32, #tpu.memory_space<hbm>> -> memref<96xi32, #tpu.memory_space<hbm>>
        %dma_start3A_73 = tpu.memref_slice %arg2[%multiple_of3A_71] : memref<325632xi32, #tpu.memory_space<hbm>> -> memref<96xi32, #tpu.memory_space<hbm>>
        tpu.enqueue_dma source(%dma_start3A_73 : memref<96xi32, #tpu.memory_space<hbm>>) target(%arg8 : memref<96xi32, #tpu.memory_space<vmem>>) target_semaphore(%run_scoped3A : memref<!tpu.dma_semaphore, #tpu.memory_space<semaphore_mem>>)
        %dma_wait3A_74 = tpu.memref_slice %arg2[%multiple_of3A_71] : memref<325632xi32, #tpu.memory_space<hbm>> -> memref<96xi32, #tpu.memory_space<hbm>>
        %dma_wait3A_75 = tpu.memref_slice %arg2[%multiple_of3A_71] : memref<325632xi32, #tpu.memory_space<hbm>> -> memref<96xi32, #tpu.memory_space<hbm>>
        tpu.wait_dma2 semaphore(%run_scoped3A : memref<!tpu.dma_semaphore, #tpu.memory_space<semaphore_mem>>) src(%dma_wait3A_75 : memref<96xi32, #tpu.memory_space<hbm>>) dst(%arg8 : memref<96xi32, #tpu.memory_space<vmem>>)
        tpu.yield
      }) : () -> ()
      "tpu.region"() ({
        %run_scoped3A = tpu.sem_alloc : memref<!tpu.dma_semaphore, #tpu.memory_space<semaphore_mem>>
        %dma_start3A_72 = tpu.memref_slice %arg3[%multiple_of3A_71] : memref<325632xi32, #tpu.memory_space<hbm>> -> memref<96xi32, #tpu.memory_space<hbm>>
        %dma_start3A_73 = tpu.memref_slice %arg3[%multiple_of3A_71] : memref<325632xi32, #tpu.memory_space<hbm>> -> memref<96xi32, #tpu.memory_space<hbm>>
        tpu.enqueue_dma source(%dma_start3A_73 : memref<96xi32, #tpu.memory_space<hbm>>) target(%arg10 : memref<96xi32, #tpu.memory_space<vmem>>) target_semaphore(%run_scoped3A : memref<!tpu.dma_semaphore, #tpu.memory_space<semaphore_mem>>)
        %dma_wait3A_74 = tpu.memref_slice %arg3[%multiple_of3A_71] : memref<325632xi32, #tpu.memory_space<hbm>> -> memref<96xi32, #tpu.memory_space<hbm>>
        %dma_wait3A_75 = tpu.memref_slice %arg3[%multiple_of3A_71] : memref<325632xi32, #tpu.memory_space<hbm>> -> memref<96xi32, #tpu.memory_space<hbm>>
        tpu.wait_dma2 semaphore(%run_scoped3A : memref<!tpu.dma_semaphore, #tpu.memory_space<semaphore_mem>>) src(%dma_wait3A_75 : memref<96xi32, #tpu.memory_space<hbm>>) dst(%arg10 : memref<96xi32, #tpu.memory_space<vmem>>)
        tpu.yield
      }) : () -> ()
    }
    %scan3A_19 = arith.constant 52 : i32
    %dma_wait3A = arith.constant 0 : i32
    %dma_wait3A_20 = arith.constant 0 : i32
    %dma_wait3A_21 = tpu.memref_slice %arg4[%dma_wait3A, %dma_wait3A_20] : memref<10000x128xf32, #tpu.memory_space<hbm>> -> memref<10000x128xf32, #tpu.memory_space<hbm>>
    tpu.wait_indirect_dma semaphore(%arg14 : memref<!tpu.dma_semaphore, #tpu.memory_space<semaphore_mem>>) src(%dma_wait3A_21 : memref<10000x128xf32, #tpu.memory_space<hbm>>) dst(%arg11 : memref<96x128xf32, #tpu.memory_space<vmem>>)
    %dma_start3A_22 = arith.constant 0 : i32
    %dma_start3A_23 = arith.constant 0 : i32
    %dma_start3A_24 = tpu.memref_slice %arg4[%dma_start3A_22, %dma_start3A_23] : memref<10000x128xf32, #tpu.memory_space<hbm>> -> memref<10000x128xf32, #tpu.memory_space<hbm>>
    tpu.enqueue_indirect_dma source(%dma_start3A_24 : memref<10000x128xf32, #tpu.memory_space<hbm>>) target(%arg12 : memref<96x128xf32, #tpu.memory_space<vmem>>) offsets(%arg8 : memref<96xi32, #tpu.memory_space<vmem>>) semaphore(%arg15 : memref<!tpu.dma_semaphore, #tpu.memory_space<semaphore_mem>>)
    "tpu.region"() ({
      %run_scoped3A = tpu.sem_alloc : memref<!tpu.dma_semaphore, #tpu.memory_space<semaphore_mem>>
      %dma_start3A_35 = arith.constant 0 : i32
      %dma_start3A_36 = arith.constant 0 : i32
      %dma_start3A_37 = tpu.memref_slice %arg13[%dma_start3A_35, %dma_start3A_36] : memref<10112x128xf32, #tpu.memory_space<vmem_shared>> -> memref<10112x128xf32, #tpu.memory_space<vmem_shared>>
      tpu.enqueue_indirect_dma source(%arg11 : memref<96x128xf32, #tpu.memory_space<vmem>>) target(%dma_start3A_37 : memref<10112x128xf32, #tpu.memory_space<vmem_shared>>) offsets(%arg9 : memref<96xi32, #tpu.memory_space<vmem>>) semaphore(%run_scoped3A : memref<!tpu.dma_semaphore, #tpu.memory_space<semaphore_mem>>) {add = true}
      %dma_wait3A_38 = arith.constant 0 : i32
      %dma_wait3A_39 = arith.constant 0 : i32
      %dma_wait3A_40 = tpu.memref_slice %arg13[%dma_wait3A_38, %dma_wait3A_39] : memref<10112x128xf32, #tpu.memory_space<vmem_shared>> -> memref<10112x128xf32, #tpu.memory_space<vmem_shared>>
      tpu.wait_indirect_dma semaphore(%run_scoped3A : memref<!tpu.dma_semaphore, #tpu.memory_space<semaphore_mem>>) src(%arg11 : memref<96x128xf32, #tpu.memory_space<vmem>>) dst(%dma_wait3A_40 : memref<10112x128xf32, #tpu.memory_space<vmem_shared>>)
      tpu.yield
    }) : () -> ()
    %dma_wait3A_25 = arith.constant 0 : i32
    %dma_wait3A_26 = arith.constant 0 : i32
    %dma_wait3A_27 = tpu.memref_slice %arg4[%dma_wait3A_25, %dma_wait3A_26] : memref<10000x128xf32, #tpu.memory_space<hbm>> -> memref<10000x128xf32, #tpu.memory_space<hbm>>
    tpu.wait_indirect_dma semaphore(%arg15 : memref<!tpu.dma_semaphore, #tpu.memory_space<semaphore_mem>>) src(%dma_wait3A_27 : memref<10000x128xf32, #tpu.memory_space<hbm>>) dst(%arg12 : memref<96x128xf32, #tpu.memory_space<vmem>>)
    "tpu.region"() ({
      %run_scoped3A = tpu.sem_alloc : memref<!tpu.dma_semaphore, #tpu.memory_space<semaphore_mem>>
      %dma_start3A_35 = arith.constant 0 : i32
      %dma_start3A_36 = arith.constant 0 : i32
      %dma_start3A_37 = tpu.memref_slice %arg13[%dma_start3A_35, %dma_start3A_36] : memref<10112x128xf32, #tpu.memory_space<vmem_shared>> -> memref<10112x128xf32, #tpu.memory_space<vmem_shared>>
      tpu.enqueue_indirect_dma source(%arg12 : memref<96x128xf32, #tpu.memory_space<vmem>>) target(%dma_start3A_37 : memref<10112x128xf32, #tpu.memory_space<vmem_shared>>) offsets(%arg10 : memref<96xi32, #tpu.memory_space<vmem>>) semaphore(%run_scoped3A : memref<!tpu.dma_semaphore, #tpu.memory_space<semaphore_mem>>) {add = true}
      %dma_wait3A_38 = arith.constant 0 : i32
      %dma_wait3A_39 = arith.constant 0 : i32
      %dma_wait3A_40 = tpu.memref_slice %arg13[%dma_wait3A_38, %dma_wait3A_39] : memref<10112x128xf32, #tpu.memory_space<vmem_shared>> -> memref<10112x128xf32, #tpu.memory_space<vmem_shared>>
      tpu.wait_indirect_dma semaphore(%run_scoped3A : memref<!tpu.dma_semaphore, #tpu.memory_space<semaphore_mem>>) src(%arg12 : memref<96x128xf32, #tpu.memory_space<vmem>>) dst(%dma_wait3A_40 : memref<10112x128xf32, #tpu.memory_space<vmem_shared>>)
      tpu.yield
    }) : () -> ()
    %barrier3A_28 = arith.constant 0 : index
    tpu.barrier barrier_id(%barrier3A_28)
    %lt3A = arith.constant 15 : i32
    %lt3A_29 = arith.cmpi slt, %arg1, %lt3A : i32
    %convert_element_type3A = arith.extui %lt3A_29 : i1 to i32
    %cond3A = arith.constant 0 : i32
    %cond3A_30 = arith.cmpi ne, %convert_element_type3A, %cond3A : i32
    scf.if %cond3A_30 {
      %mul3A_35 = arith.constant 624 : i32
      %mul3A_36 = arith.muli %arg1, %mul3A_35 : i32
      %multiple_of3A_37 = tpu.assume_multiple %mul3A_36, 8 : i32
      %mul3A_38 = arith.constant 10000 : i32
      %mul3A_39 = arith.muli %arg0, %mul3A_38 : i32
      %mul3A_40 = arith.constant 624 : i32
      %mul3A_41 = arith.muli %arg1, %mul3A_40 : i32
      %add3A_42 = arith.addi %mul3A_39, %mul3A_41 : i32
      %multiple_of3A_43 = tpu.assume_multiple %add3A_42, 8 : i32
      "tpu.region"() ({
        %run_scoped3A = tpu.sem_alloc : memref<!tpu.dma_semaphore, #tpu.memory_space<semaphore_mem>>
        %dma_start3A_44 = arith.constant 0 : i32
        %dma_start3A_45 = tpu.memref_slice %arg6[%multiple_of3A_43, %dma_start3A_44] : memref<20000x128xf32, #tpu.memory_space<hbm>> -> memref<624x128xf32, #tpu.memory_space<hbm>>
        %dma_start3A_46 = arith.constant 0 : i32
        %dma_start3A_47 = tpu.memref_slice %arg13[%multiple_of3A_37, %dma_start3A_46] : memref<10112x128xf32, #tpu.memory_space<vmem_shared>> -> memref<624x128xf32, #tpu.memory_space<vmem_shared>>
        tpu.enqueue_dma source(%dma_start3A_47 : memref<624x128xf32, #tpu.memory_space<vmem_shared>>) target(%dma_start3A_45 : memref<624x128xf32, #tpu.memory_space<hbm>>) target_semaphore(%run_scoped3A : memref<!tpu.dma_semaphore, #tpu.memory_space<semaphore_mem>>)
        %dma_wait3A_48 = arith.constant 0 : i32
        %dma_wait3A_49 = tpu.memref_slice %arg6[%multiple_of3A_43, %dma_wait3A_48] : memref<20000x128xf32, #tpu.memory_space<hbm>> -> memref<624x128xf32, #tpu.memory_space<hbm>>
        %dma_wait3A_50 = arith.constant 0 : i32
        %dma_wait3A_51 = tpu.memref_slice %arg13[%multiple_of3A_37, %dma_wait3A_50] : memref<10112x128xf32, #tpu.memory_space<vmem_shared>> -> memref<624x128xf32, #tpu.memory_space<vmem_shared>>
        tpu.wait_dma2 semaphore(%run_scoped3A : memref<!tpu.dma_semaphore, #tpu.memory_space<semaphore_mem>>) src(%dma_wait3A_51 : memref<624x128xf32, #tpu.memory_space<vmem_shared>>) dst(%dma_wait3A_49 : memref<624x128xf32, #tpu.memory_space<hbm>>)
        tpu.yield
      }) : () -> ()
    } else {
    }
    %eq3A = arith.constant 15 : i32
    %eq3A_31 = arith.cmpi eq, %arg1, %eq3A : i32
    %convert_element_type3A_32 = arith.extui %eq3A_31 : i1 to i32
    %cond3A_33 = arith.constant 0 : i32
    %cond3A_34 = arith.cmpi ne, %convert_element_type3A_32, %cond3A_33 : i32
    scf.if %cond3A_34 {
      %mul3A_35 = arith.constant 10000 : i32
      %mul3A_36 = arith.muli %arg0, %mul3A_35 : i32
      %add3A_37 = arith.constant 9360 : i32
      %add3A_38 = arith.addi %mul3A_36, %add3A_37 : i32
      %multiple_of3A_39 = tpu.assume_multiple %add3A_38, 8 : i32
      "tpu.region"() ({
        %run_scoped3A = tpu.sem_alloc : memref<!tpu.dma_semaphore, #tpu.memory_space<semaphore_mem>>
        %dma_start3A_40 = arith.constant 0 : i32
        %dma_start3A_41 = tpu.memref_slice %arg6[%multiple_of3A_39, %dma_start3A_40] : memref<20000x128xf32, #tpu.memory_space<hbm>> -> memref<640x128xf32, #tpu.memory_space<hbm>>
        %dma_start3A_42 = arith.constant 9360 : i32
        %dma_start3A_43 = arith.constant 0 : i32
        %dma_start3A_44 = tpu.memref_slice %arg13[%dma_start3A_42, %dma_start3A_43] : memref<10112x128xf32, #tpu.memory_space<vmem_shared>> -> memref<640x128xf32, #tpu.memory_space<vmem_shared>>
        tpu.enqueue_dma source(%dma_start3A_44 : memref<640x128xf32, #tpu.memory_space<vmem_shared>>) target(%dma_start3A_41 : memref<640x128xf32, #tpu.memory_space<hbm>>) target_semaphore(%run_scoped3A : memref<!tpu.dma_semaphore, #tpu.memory_space<semaphore_mem>>)
        %dma_wait3A_45 = arith.constant 0 : i32
        %dma_wait3A_46 = tpu.memref_slice %arg6[%multiple_of3A_39, %dma_wait3A_45] : memref<20000x128xf32, #tpu.memory_space<hbm>> -> memref<640x128xf32, #tpu.memory_space<hbm>>
        %dma_wait3A_47 = arith.constant 9360 : i32
        %dma_wait3A_48 = arith.constant 0 : i32
        %dma_wait3A_49 = tpu.memref_slice %arg13[%dma_wait3A_47, %dma_wait3A_48] : memref<10112x128xf32, #tpu.memory_space<vmem_shared>> -> memref<640x128xf32, #tpu.memory_space<vmem_shared>>
        tpu.wait_dma2 semaphore(%run_scoped3A : memref<!tpu.dma_semaphore, #tpu.memory_space<semaphore_mem>>) src(%dma_wait3A_49 : memref<640x128xf32, #tpu.memory_space<vmem_shared>>) dst(%dma_wait3A_46 : memref<640x128xf32, #tpu.memory_space<hbm>>)
        tpu.yield
      }) : () -> ()
    } else {
    }
    return
  }
}

module attributes {stable_mosaic.version = 14 : i64} {
  func.func @_tc1_body(%arg0: memref<2x10000x128xf32, #tpu.memory_space<vmem>>, %arg1: memref<10000x128xf32, #tpu.memory_space<vmem>>, %arg2: memref<128x128xf32, #tpu.memory_space<vmem>>, %arg3: memref<2x128xf32, #tpu.memory_space<vmem>>, %arg4: memref<10000x128xf32, #tpu.memory_space<vmem>>, %arg5: memref<10000x1xf32, #tpu.memory_space<vmem>>, %arg6: memref<10000x1xf32, #tpu.memory_space<vmem>>) attributes {dimension_semantics = [], scalar_prefetch = 0 : i64, scratch_operands = 0 : i64, tpu.core_type = #tpu.core_type<tc>} {
    %get3A = arith.constant 0 : index
    %get3A_0 = arith.constant 0 : index
    %get3A_1 = arith.constant 0 : index
    %get3A_2 = vector.load %arg0[%get3A, %get3A_0, %get3A_1] : memref<2x10000x128xf32, #tpu.memory_space<vmem>>, vector<1x10000x128xf32>
    %get3A_3 = vector.shape_cast %get3A_2 : vector<1x10000x128xf32> to vector<10000x128xf32>
    %get3A_4 = arith.constant 1 : index
    %get3A_5 = arith.constant 0 : index
    %get3A_6 = arith.constant 0 : index
    %get3A_7 = vector.load %arg0[%get3A_4, %get3A_5, %get3A_6] : memref<2x10000x128xf32, #tpu.memory_space<vmem>>, vector<1x10000x128xf32>
    %get3A_8 = vector.shape_cast %get3A_7 : vector<1x10000x128xf32> to vector<10000x128xf32>
    %add3A = arith.addf %get3A_3, %get3A_8 : vector<10000x128xf32>
    %get3A_9 = arith.constant 0 : index
    %get3A_10 = arith.constant 0 : index
    %get3A_11 = vector.load %arg2[%get3A_9, %get3A_10] : memref<128x128xf32, #tpu.memory_space<vmem>>, vector<128x128xf32>
    %dot_general3A = arith.constant dense<0.000000e+00> : vector<10000x128xf32>
    %dot_general3A_12 = tpu.matmul %add3A, %get3A_11, %dot_general3A {dimension_numbers = #tpu.dot_dimension_numbers<[1], [0], [0], [1], [0, 0, 1, 1], [], []>, transpose_lhs_hint = false} : vector<10000x128xf32>, vector<128x128xf32>, vector<10000x128xf32> -> vector<10000x128xf32>
    %swap3A = arith.constant 0 : index
    %swap3A_13 = arith.constant 0 : index
    %swap3A_14 = vector.load %arg4[%swap3A, %swap3A_13] : memref<10000x128xf32, #tpu.memory_space<vmem>>, vector<10000x128xf32>
    tpu.vector_store %arg4[%swap3A, %swap3A_13], %dot_general3A_12 {strides = array<i32>} : memref<10000x128xf32, #tpu.memory_space<vmem>>, vector<10000x128xf32>,
    %get3A_15 = arith.constant 0 : index
    %get3A_16 = arith.constant 0 : index
    %get3A_17 = vector.load %arg3[%get3A_15, %get3A_16] : memref<2x128xf32, #tpu.memory_space<vmem>>, vector<1x128xf32>
    %get3A_18 = vector.shape_cast %get3A_17 : vector<1x128xf32> to vector<128xf32>
    %broadcast_in_dim3A = vector.shape_cast %get3A_18 : vector<128xf32> to vector<1x128xf32>
    %mul3A = vector.broadcast %broadcast_in_dim3A : vector<1x128xf32> to vector<10000x128xf32>
    %mul3A_19 = arith.mulf %dot_general3A_12, %mul3A : vector<10000x128xf32>
    %reduce_sum3A = arith.constant dense<0.000000e+00> : vector<10000xf32>
    %reduce_sum3A_20 = vector.multi_reduction <add>, %mul3A_19, %reduce_sum3A [1] : vector<10000x128xf32> to vector<10000xf32>
    %broadcast_in_dim3A_21 = vector.shape_cast %reduce_sum3A_20 : vector<10000xf32> to vector<10000x1xf32>
    %swap3A_22 = arith.constant 0 : index
    %swap3A_23 = arith.constant 0 : index
    %swap3A_24 = vector.load %arg5[%swap3A_22, %swap3A_23] : memref<10000x1xf32, #tpu.memory_space<vmem>>, vector<10000x1xf32>
    tpu.vector_store %arg5[%swap3A_22, %swap3A_23], %broadcast_in_dim3A_21 {strides = array<i32>} : memref<10000x1xf32, #tpu.memory_space<vmem>>, vector<10000x1xf32>,
    %get3A_25 = arith.constant 0 : index
    %get3A_26 = arith.constant 0 : index
    %get3A_27 = vector.load %arg1[%get3A_25, %get3A_26] : memref<10000x128xf32, #tpu.memory_space<vmem>>, vector<10000x128xf32>
    %get3A_28 = arith.constant 1 : index
    %get3A_29 = arith.constant 0 : index
    %get3A_30 = vector.load %arg3[%get3A_28, %get3A_29] : memref<2x128xf32, #tpu.memory_space<vmem>>, vector<1x128xf32>
    %get3A_31 = vector.shape_cast %get3A_30 : vector<1x128xf32> to vector<128xf32>
    %broadcast_in_dim3A_32 = vector.shape_cast %get3A_31 : vector<128xf32> to vector<1x128xf32>
    %mul3A_33 = vector.broadcast %broadcast_in_dim3A_32 : vector<1x128xf32> to vector<10000x128xf32>
    %mul3A_34 = arith.mulf %get3A_27, %mul3A_33 : vector<10000x128xf32>
    %reduce_sum3A_35 = arith.constant dense<0.000000e+00> : vector<10000xf32>
    %reduce_sum3A_36 = vector.multi_reduction <add>, %mul3A_34, %reduce_sum3A_35 [1] : vector<10000x128xf32> to vector<10000xf32>
    %broadcast_in_dim3A_37 = vector.shape_cast %reduce_sum3A_36 : vector<10000xf32> to vector<10000x1xf32>
    %swap3A_38 = arith.constant 0 : index
    %swap3A_39 = arith.constant 0 : index
    %swap3A_40 = vector.load %arg6[%swap3A_38, %swap3A_39] : memref<10000x1xf32, #tpu.memory_space<vmem>>, vector<10000x1xf32>
    tpu.vector_store %arg6[%swap3A_38, %swap3A_39], %broadcast_in_dim3A_37 {strides = array<i32>} : memref<10000x1xf32, #tpu.memory_space<vmem>>, vector<10000x1xf32>,
    return
  }
}

module attributes {stable_mosaic.version = 14 : i64} {
  func.func @_tc2_body(%arg0: memref<2x10000x128xf32, #tpu.memory_space<vmem>>, %arg1: memref<10000x128xf32, #tpu.memory_space<vmem>>) attributes {dimension_semantics = [], scalar_prefetch = 0 : i64, scratch_operands = 0 : i64, tpu.core_type = #tpu.core_type<tc>} {
    %get3A = arith.constant 0 : index
    %get3A_0 = arith.constant 0 : index
    %get3A_1 = arith.constant 0 : index
    %get3A_2 = vector.load %arg0[%get3A, %get3A_0, %get3A_1] : memref<2x10000x128xf32, #tpu.memory_space<vmem>>, vector<1x10000x128xf32>
    %get3A_3 = vector.shape_cast %get3A_2 : vector<1x10000x128xf32> to vector<10000x128xf32>
    %get3A_4 = arith.constant 1 : index
    %get3A_5 = arith.constant 0 : index
    %get3A_6 = arith.constant 0 : index
    %get3A_7 = vector.load %arg0[%get3A_4, %get3A_5, %get3A_6] : memref<2x10000x128xf32, #tpu.memory_space<vmem>>, vector<1x10000x128xf32>
    %get3A_8 = vector.shape_cast %get3A_7 : vector<1x10000x128xf32> to vector<10000x128xf32>
    %add3A = arith.addf %get3A_3, %get3A_8 : vector<10000x128xf32>
    %swap3A = arith.constant 0 : index
    %swap3A_9 = arith.constant 0 : index
    %swap3A_10 = vector.load %arg1[%swap3A, %swap3A_9] : memref<10000x128xf32, #tpu.memory_space<vmem>>, vector<10000x128xf32>
    tpu.vector_store %arg1[%swap3A, %swap3A_9], %add3A {strides = array<i32>} : memref<10000x128xf32, #tpu.memory_space<vmem>>, vector<10000x128xf32>,
    return
  }
}

</mosaic_0001>

<sc_bundles>
// kernel: kernel.6.cloned.1.call-start
scs
__scs_entry_jumppad:
0x0: {  	(pc) =	sbr.rel $0x88, $3  }
0x1: {  	(tag) =	ssettag $0x0;
	lr =	simm.s32 $0x1  }
0x2: {  	[smem:$0x3F9D] =	sst lr;
	_ =	strace $0xD0000000  }
0x3: {  	_ = 	snop  }
0x4: {  	_ = 	snop  }
0x5: {  	_ = 	snop  }
0x6: {  	_ = 	snop  }
0x7: {  	_ = 	snop  }
__scs_overlays_trampoline_lowered:
0x8: {  	[smem:$0x3FAC] =	sst s0  }
0x9: {  	[smem:$0x3FAD] =	sst s1  }
0xa: {  	[smem:$0x3FAE] =	sst s2  }
0xb: {  	[smem:$0x3FAF] =	sst s3  }
0xc: {  	[smem:$0x3FB0] =	sst s4  }
0xd: {  	[smem:$0x3FB1] =	sst s5  }
0xe: {  	[smem:$0x3FB2] =	sst s6  }
0xf: {  	[smem:$0x3FB3] =	sst s7  }
0x10: {  	[smem:$0x3FB4] =	sst s8  }
0x11: {  	[smem:$0x3FB5] =	sst s9;
	s0 =	simm.s32 @!p0 $0x0  }
0x12: {  	s1 =	sld [smem:$0x3F9B];
	s0 =	simm.s32 @p0 $0x1  }
0x13: {  	[smem:$0x3FB6] =	sst s0;
	s0 =	simm.s32 @!p1 $0x0  }
0x14: {  	s2 =	sld [smem:$0x3F9A];
	s0 =	simm.s32 @p1 $0x1  }
0x15: {  	[smem:$0x3FB7] =	sst s0;
	s0 =	simm.s32 @!p2 $0x0  }
0x16: {  	s3 =	sld [smem:$0x3FDB];
	s0 =	simm.s32 @p2 $0x1  }
0x17: {  	s4 =	simm.s32 $0x1BF5;
	[smem:$0x3FB9] =	sst s0  }
0x18: {  	s0 =	sld [smem:$0x3F9C];
	_ =	swait.ge [sflag:s4], $0x0  }
0x19: {  	s7 =	sld [smem:$0x3F9D]  }
0x1a: {  	s8 =	sadd.s32 $0xFFFFE003, lr  }
0x1b: {  	s9 =	sadd.s32 $0xFFFFFEF7, lr;
	s5 =	simm.s32 $0xFFFFFFFF;
	p2 =	slt.u32 s8, $0xFFFFF086  }
0x1c: {  	p1 =	slt.u32 s9, $0xF7A;
	s5 =	simm.s32 @!p2 $0x0  }
0x1d: {  	s5 =	simm.s32 @p1 $0x1;
	p0 =	seq.s32 s7, s2  }
0x1e: {  	s7 =	smul.u32 @!p0 $0xF7A, s2;
	p2 =	seq.s32 @!p0 s5, $0x0  }
0x1f: {  	s9 =	smul.u32 $0xF7A, s1;
	s8 =	simm.s32 @!p0 $0x1BF5;
	p2 =	por !p2, p0  }
0x20: {  	[sflag:s8] =	ssyncset.s32 @!p0 $0xFFFFF086;
	s6 =	sadd.s32 @!p0 s3, s7;
	s7 =	simm.s32 @!p0 $0x108  }
0x21: {  	s3 =	sadd.s32 s3, s9;
	s6 =	sadd.s32 @!p0 $0x88, s6;
	s7 =	simm.s32 @p2 $0x1082  }
0x22: {  	[simem:s7], [sflag:s8] =	dma.local @!p0 [hbm:s6], $0xF7A  }
0x23: {  	s9 =	sor.u32 $0xD0000000, s2;
	s6 =	simm.s32 $0x108;
	_ =	swait.ge @!p0 [sflag:s8], $0x0  }
0x24: {  	s3 =	sadd.s32 $0x88, s3;
	s6 =	simm.s32 @!p1 $0x1082;
	[sflag:s4] =	ssyncset.s32 $0xFFFFF086  }
0x25: {  	[simem:s6], [sflag:s4] =	dma.local [hbm:s3], $0xF7A  }
0x26: {  	[smem:$0x3F9D] =	sst s1;
	(tag) =	ssettag s2;
	_ =	strace s9  }
0x27: {  	s1 =	sld [smem:$0x3FAD]  }
0x28: {  	s2 =	sld [smem:$0x3FAE]  }
0x29: {  	s4 =	sld [smem:$0x3FB0]  }
0x2a: {  	p0 =	seq.s32 s5, $0x0;
	s5 =	sld [smem:$0x3FB1]  }
0x2b: {  	s6 =	sld [smem:$0x3FB2]  }
0x2c: {  	s7 =	sld [smem:$0x3FB3]  }
0x2d: {  	s3 =	simm.s32 $0x108;
	s8 =	sld [smem:$0x3FB4]  }
0x2e: {  	s3 =	simm.s32 @!p0 $0x1082;
	s9 =	sld [smem:$0x3FB5]  }
0x2f: {  	lr =	sadd.s32 s0, s3;
	s0 =	sld [smem:$0x3FAC]  }
0x30: {  	s3 =	sld [smem:$0x3FAF]  }
0x31: {  	[smem:$0x3FB8] =	sst s10  }
0x32: {  	s10 =	sld [smem:$0x3FB6];
	_ =	sdelay $0x3  }
0x33: {  	p0 =	seq.s32 s10, $0x1;
	s10 =	sld [smem:$0x3FB8];
	_ =	sdelay $0x3  }
0x34: {  	[smem:$0x3FB8] =	sst s10  }
0x35: {  	s10 =	sld [smem:$0x3FB7];
	_ =	sdelay $0x3  }
0x36: {  	p1 =	seq.s32 s10, $0x1;
	s10 =	sld [smem:$0x3FB8];
	_ =	sdelay $0x3  }
0x37: {  	[smem:$0x3FB8] =	sst s10  }
0x38: {  	s10 =	sld [smem:$0x3FB9]  }
0x39: {  	_ = 	snop;
	(pc) =	sbr.ind lr, $3  }
0x3a: {  	_ = 	snop  }
0x3b: {  	_ = 	snop  }
0x3c: {  	p2 =	seq.s32 s10, $0x1;
	s10 =	sld [smem:$0x3FB8]  }
0x3d: {  	_ =	shalt  }
0x3e: {  	_ =	shalt  }
0x3f: {  	_ =	shalt  }
0x40: {  	_ =	shalt  }
0x41: {  	_ =	shalt  }
0x42: {  	_ =	shalt  }
0x43: {  	_ =	shalt  }
0x44: {  	_ =	shalt  }
0x45: {  	_ =	shalt  }
0x46: {  	_ =	shalt  }
0x47: {  	_ =	shalt  }
0x48: {  	_ =	shalt  }
0x49: {  	_ =	shalt  }
0x4a: {  	_ =	shalt  }
0x4b: {  	_ =	shalt  }
0x4c: {  	_ =	shalt  }
0x4d: {  	_ =	shalt  }
0x4e: {  	_ =	shalt  }
0x4f: {  	_ =	shalt  }
0x50: {  	_ =	shalt  }
0x51: {  	_ =	shalt  }
0x52: {  	_ =	shalt  }
0x53: {  	_ =	shalt  }
0x54: {  	_ =	shalt  }
0x55: {  	_ =	shalt  }
0x56: {  	_ =	shalt  }
0x57: {  	_ =	shalt  }
0x58: {  	_ =	shalt  }
0x59: {  	_ =	shalt  }
0x5a: {  	_ =	shalt  }
0x5b: {  	_ =	shalt  }
0x5c: {  	_ =	shalt  }
0x5d: {  	_ =	shalt  }
0x5e: {  	_ =	shalt  }
0x5f: {  	_ =	shalt  }
0x60: {  	_ =	shalt  }
0x61: {  	_ =	shalt  }
0x62: {  	_ =	shalt  }
0x63: {  	_ =	shalt  }
0x64: {  	_ =	shalt  }
0x65: {  	_ =	shalt  }
0x66: {  	_ =	shalt  }
0x67: {  	_ =	shalt  }
0x68: {  	_ =	shalt  }
0x69: {  	_ =	shalt  }
0x6a: {  	_ =	shalt  }
0x6b: {  	_ =	shalt  }
0x6c: {  	_ =	shalt  }
0x6d: {  	_ =	shalt  }
0x6e: {  	_ =	shalt  }
0x6f: {  	_ =	shalt  }
0x70: {  	_ =	shalt  }
0x71: {  	_ =	shalt  }
0x72: {  	_ =	shalt  }
0x73: {  	_ =	shalt  }
0x74: {  	_ =	shalt  }
0x75: {  	_ =	shalt  }
0x76: {  	_ =	shalt  }
0x77: {  	_ =	shalt  }
0x78: {  	_ =	shalt  }
0x79: {  	_ =	shalt  }
0x7a: {  	_ =	shalt  }
0x7b: {  	_ =	shalt  }
0x7c: {  	_ =	shalt  }
0x7d: {  	_ =	shalt  }
0x7e: {  	_ =	shalt  }
0x7f: {  	_ =	shalt  }
0x80: {  	_ =	shalt  }
0x81: {  	_ =	shalt  }
0x82: {  	_ =	shalt  }
0x83: {  	_ =	shalt  }
0x84: {  	_ =	shalt  }
0x85: {  	_ =	shalt  }
0x86: {  	_ =	shalt  }
0x87: {  	_ =	shalt  }
.Lfunc_end0:
.L_simem_size_0:
called_computation_lowered:
.L_overlay_start_0:
0x88: {  	s2 =	sld [smem:$0x3FD9]  }
0x89: {  	s3 =	sld [smem:$0x3FFE];
	_ =	sdelay $0x1  }
0x8a: {  	s1 =	srdreg.scid  }
0x8b: {  	s0 =	sand.u32 $0x1, s1  }
0x8c: {  	s17 =	sshll.u32 s0, $0xA;
	s2 =	sadd.s32 s3, s2  }
0x8d: {  	s2 =	sadd.s32 s2, s17  }
0x8e: {  	[smem:$0x3FC4] =	sst s2  }
0x8f: {  	_ = 	snop  }
0x90: {  	s2 =	sld [smem:$0x3FC9]  }
0x91: {  	s18 =	sld [smem:$0x3FD0];
	(tm) =	ssettm $0x1  }
0x92: {  	s4 =	sld [smem:$0x3FFB];
	_ =	sdelay $0x3  }
0x93: {  	_ =	strace s4  }
0x94: {  	s4 =	sld [smem:$0x3FFC];
	_ =	sdelay $0x3  }
0x95: {  	_ =	strace s4  }
0x96: {  	s4 =	sld [smem:$0x3FFD];
	_ =	sdelay $0x3  }
0x97: {  	_ =	strace s4  }
0x98: {  	_ =	strace $0x8FFFFFFF  }
0x99: {  	s19 =	sld [smem:$0x3FDB];
	_ =	sdelay $0x1  }
0x9a: {  	s5 =	simm.s32 $_scs_section_size  }
0x9b: {  	s6 =	simm.s32 $_size__tile_overlayer_lowered;
	s7 =	simm.s32 $_tile_overlayer_lowered  }
0x9c: {  	s22 =	simm.s32 $0x1BFF;
	s21 =	sshll.u32 s7, $0x1;
	s4 =	sadd.s32 s5, s19  }
0x9d: {  	s8 =	simm.s32 $0x0;
	s20 =	sshll.u32 s6, $0x1;
	s6 =	sadd.s32 s21, s4  }
0x9e: {  	[timem:s8], [sflag:s22] =	dma.local [hbm:s6], s20  }
0x9f: {  	_ =	swait.ge [sflag:s22], s20  }
0xa0: {  	s5 =	ssub.s32 $0x0, s20;
	[sflag:s22] =	ssyncset.done $0x0  }
0xa1: {  	[sflag:s22] =	ssyncadd.s32 s5;
	_ =	sdelay $0x1  }
0xa2: {  	s23 =	simm.s32 $0x1B8B  }
0xa3: {  	_ =	swait.ge [sflag:s23], $0x1  }
0xa4: {  	[sflag:s23] =	ssyncset.done $0x0  }
0xa5: {  	s25 =	simm.s32 $0x1B8E;
	s24 =	sld [smem:$0x3FFE];
	[sflag:s23] =	ssyncadd.s32 $0xFFFFFFFF  }
0xa6: {  	s26 =	simm.s32 $execute0_lowered;
	[smem:$0x3FD2] =	sst s25  }
0xa7: {  	s6 =	sshll.u32 s26, $0x1;
	_ =	strace $0x80000046;
	[dreg:$0x1] =	wrdreg $0xFFFFFFFF  }
0xa8: {  	s28 =	simm.s32 $_size_execute0_lowered;
	s4 =	sadd.s32 s4, s6;
	[dreg:$0x0] =	wrdreg $0x0  }
0xa9: {  	s6 =	sshll.u32 s28, $0x1;
	[dreg:$0x2] =	wrdreg s4  }
0xaa: {  	[dreg:$0x3] =	wrdreg s6  }
0xab: {  	[dreg:$0x4] =	wrdreg $0xC0  }
0xac: {  	_ =	task [dreg:s8], $0x5FFFF  }
0xad: {  	[dreg:$0x1] =	wrdreg $0xFFFFFFFF  }
0xae: {  	[dreg:$0x0] =	wrdreg $0x60  }
0xaf: {  	[dreg:$0x2] =	wrdreg s24  }
0xb0: {  	[dreg:$0x3] =	wrdreg s18  }
0xb1: {  	[dreg:$0x4] =	wrdreg s2  }
0xb2: {  	[dreg:$0x5] =	wrdreg $0x62000  }
0xb3: {  	[dreg:$0x6] =	wrdreg $0x9  }
0xb4: {  	_ =	task.clear_ibuf [dreg:s8], $0x7FFFF;
	_ =	strace $0x90000046  }
0xb5: {  	s29 =	simm.s32 $0x9;
	_ =	strace $0x80000048  }
0xb6: {  	_ =	swait.ge [sflag:s29], $0x1  }
0xb7: {  	[sflag:s29] =	ssyncadd.s32 $0xFFFFFFFF  }
0xb8: {  	_ =	strace $0x90000048  }
0xb9: {  	_ =	sfence  }
0xba: {  	s30 =	sld [smem:$0x0];
	_ =	sdelay $0x2  }
0xbb: {  	s31 =	sshll.u32 s1, $0xD;
	s1 =	sshrl.u32 s1, $0x2  }
0xbc: {  	s3 =	sand.u32 $0x4000, s31;
	s1 =	sadd.s32 s1, s30  }
0xbd: {  	s0 =	sor.u32 s3, s0;
	s1 =	sshll.u32 s1, $0x11  }
0xbe: {  	s0 =	sor.u32 s1, s0  }
0xbf: {  	s0 =	sadd.s32 $0x8F2B, s0  }
0xc0: {  	[sflag:s0] =	ssyncadd.remote.s32 $0x1  }
0xc1: {  	_ =	sfence.sel $0xFFFF  }
0xc2: {  	[dreg:$0x0] =	wrdreg $0xFFFFFFFF;
	(pc) =	sbr.abs _section_cstart, $3  }
0xc3: {  	[dreg:$0x1] =	wrdreg $0xFFFFFFFF  }
0xc4: {  	_ =	task.clear_ibuf [dreg:s8], $0x2FFFF;
	_ =	strace $0x9FFFFFFF  }
0xc5: {  	(tm) =	ssettm $0x7FFFFFFF  }
tec
execute0_lowered:
.L_overlay_start_1:
0x0: {  	(tag) =	ssettag $0x1  }
0x1: {  	s6 =	rddreg [dreg:$0x0]  }
0x2: {  	s15 =	rddreg [dreg:$0x1]  }
0x3: {  	s1 =	rddreg [dreg:$0x2]  }
0x4: {  	s2 =	rddreg [dreg:$0x3]  }
0x5: {  	s3 =	simm.s32 $0x0;
	s7 =	srdreg.scid;
	s0 =	stileid.u32  }
0x6: {  	s28 =	simm.s32 $0x2;
	s29 =	simm.s32 $0x0;
	[smem:$0x7FF] =	sst s3  }
0x7: {  	s13 =	sadd.s32 $0x800, s6;
	s5 =	sadd.s32 $0x1E800, s6;
	s9 =	smul.u32 $0x4F000, s0  }
0x8: {  	s12 =	sand.u32 $0x1, s7;
	s17 =	sshll.u32 s0, $0x1;
	s11 =	smul.u32 $0x4E000, s0  }
0x9: {  	s14 =	sadd.s32 $0x21000, s6;
	s21 =	sshll.u32 s0, $0x6;
	s26 =	smul.u32 $0x18, s0  }
0xa: {  	p0 =	seq.s32 s0, $0xF;
	_ =	strace $0x80000047;
	s8 =	ssub.s32 $0x2, s12  }
0xb: {  	s7 =	sor.u32 s12, s17;
	s6 =	sor.u32 $0x1C03, s21;
	s30 =	smul.u32 $0xC, s12  }
0xc: {  	s21 =	simm.s32 $0x80;
	s18 =	sshrl.u32 s8, $0x1;
	s10 =	smul.u32 $0xC, s7  }
0xd: {  	s19 =	sshrl.u32 s9, $0x2;
	s20 =	smul.u32 $0x60, s7;
	s11 =	sshrl.u32 s11, $0x2  }
0xe: {  	s31 =	sadd.s32 s26, s13;
	s16 =	ssub.s32 s8, s18;
	s18 =	smul.u32 $0x27100, s12  }
0xf: {  	s17 =	sadd.s32 s19, s2;
	s19 =	smul.u32 $0x2700, s0;
	s25 =	sadd.s32 s11, s2  }
0x10: {  	s7 =	sadd.s32 s13, s10;
	s8 =	sadd.s32 s15, s10;
	s9 =	sshrl.u32 s20, $0x3  }
0x11: {  	s20 =	smul.u32 $0x138800, s12;
	s25 =	sshrl.u32 @!p0 s25, $0x3;
	s22 =	sadd.s32 $0x180, s9  }
0x12: {  	s23 =	sadd.s32 s19, s18;
	s18 =	simm.s32 $0x100;
	s19 =	simm.s32 $0x60  }
0x13: {  	s9 =	sadd.s32 s13, s22;
	s10 =	sadd.s32 s15, s22;
	s24 =	sshrl.u32 s20, $0x3  }
0x14: {  	s11 =	sadd.s32 s14, s23;
	s13 =	smax.u32 s16, $0x1;
	s15 =	sadd.s32 s26, s15  }
0x15: {  	s16 =	sshrl.u32 s17, $0x3;
	s17 =	simm.s32 $0x3;
	s20 =	simm.s32 $0x200  }
0x16: {  	s22 =	simm.s32 $0x180;
	s23 =	simm.s32 $0x1;
	s26 =	simm.s32 $0x3200  }
0x17: {  	s14 =	sadd.s32 s14, s24;
	s24 =	sadd.s32 $0x124800, s2;
	s15 =	sadd.s32 s30, s15  }
0x18: {  	s12 =	sadd.s32 $0x24900, s14;
	s14 =	sadd.s32 s30, s31;
	s24 =	sshrl.u32 @p0 s24, $0x3  }
.LBB2_1:
0x19: {  	[spmem:s16], [sflag:s6] =	dma.local [hbm:s5], $0x2780  }
0x1a: {  	_ =	swait.ge [sflag:s17], $0x2780  }
0x1b: {  	[sflag:s17] =	ssyncset.done $0x0  }
0x1c: {  	[sflag:s17] =	ssyncadd.s32 $0xFFFFD880  }
0x1d: {  	[bflag:$0x0] =	sbarrier.arrive $0xFFFF  }
0x1e: {  	[tilespmem:s3], [sflag:$0x3] =	stream.linear.gather [hbm4b:s7+s3], $0x60, $0x38;
	[tilespmem:$0x19E00] =	vst v63  }
0x1f: {  	_ =	swait.ge [sflag:s17], $0x60  }
0x20: {  	[sflag:s17] =	ssyncset.done $0x0  }
0x21: {  	[sflag:s17] =	ssyncadd.s32 $0xFFFFFFA0  }
0x22: {  	[tilespmem:s18], [sflag:$0x3] =	stream.linear.gather [hbm4b:s8+s3], $0x60, $0x38;
	[tilespmem:$0x19E00] =	vst v63  }
0x23: {  	_ =	swait.ge [sflag:s17], $0x60  }
0x24: {  	[sflag:s17] =	ssyncset.done $0x0  }
0x25: {  	[sflag:s17] =	ssyncadd.s32 $0xFFFFFFA0  }
0x26: {  	[tilespmem:s20], [sflag:$0x1] =	stream.indirect.gather [hbm4b:s1+s19], $0x80, s3, s19, $0xb8;
	[tilespmem:$0x19E00] =	vst v63  }
0x27: {  	_ = 	snop  }
0x28: {  	[tilespmem:s21], [sflag:$0x3] =	stream.linear.gather [hbm4b:s9+s3], $0x60, $0x38;
	[tilespmem:$0x19E00] =	vst v63  }
0x29: {  	_ =	swait.ge [sflag:s17], $0x60  }
0x2a: {  	[sflag:s17] =	ssyncset.done $0x0  }
0x2b: {  	[sflag:s17] =	ssyncadd.s32 $0xFFFFFFA0  }
0x2c: {  	[tilespmem:s22], [sflag:$0x3] =	stream.linear.gather [hbm4b:s10+s3], $0x60, $0x38;
	[tilespmem:$0x19E00] =	vst v63  }
0x2d: {  	_ =	swait.ge [sflag:s17], $0x60  }
0x2e: {  	[sflag:s17] =	ssyncset.done $0x0  }
0x2f: {  	[sflag:s17] =	ssyncadd.s32 $0xFFFFFFA0  }
0x30: {  	_ =	swait.ge [sflag:s23], $0x3000  }
0x31: {  	[sflag:s23] =	ssyncset.done $0x0  }
0x32: {  	[sflag:s23] =	ssyncadd.s32 $0xFFFFD000  }
0x33: {  	[tilespmem:s26], [sflag:$0x2] =	stream.indirect.gather [hbm4b:s1+s19], $0x80, s21, s19, $0xb8;
	[tilespmem:$0x19E00] =	vst v63  }
0x34: {  	_ = 	snop  }
0x35: {  	[spmem:s2] =	stream.indirect.scatter.add.f32 [tilespmem:s20], [sflag:$0x3], $0x80, s18, s19, $0xb8;
	[tilespmem:$0x19E00] =	vst v63  }
0x36: {  	_ =	swait.ge [sflag:s17], $0x3000  }
0x37: {  	s30 =	sadd.s32 $0x0, s14;
	[sflag:s17] =	ssyncset.done $0x0  }
0x38: {  	s31 =	sadd.s32 $0x300, s30;
	[sflag:s17] =	ssyncadd.s32 $0xFFFFD000  }
0x39: {  	[tilespmem:s3], [sflag:$0x3] =	stream.linear.gather [hbm4b:s31+s3], $0x60, $0x38;
	[tilespmem:$0x19E00] =	vst v63  }
0x3a: {  	_ =	swait.ge [sflag:s17], $0x60  }
0x3b: {  	s31 =	sadd.s32 $0x0, s15;
	[sflag:s17] =	ssyncset.done $0x0  }
0x3c: {  	s0 =	sadd.s32 $0x300, s31;
	[sflag:s17] =	ssyncadd.s32 $0xFFFFFFA0  }
0x3d: {  	[tilespmem:s18], [sflag:$0x3] =	stream.linear.gather [hbm4b:s0+s3], $0x60, $0x38;
	[tilespmem:$0x19E00] =	vst v63  }
0x3e: {  	_ =	swait.ge [sflag:s17], $0x60  }
0x3f: {  	[sflag:s17] =	ssyncset.done $0x0  }
0x40: {  	[sflag:s17] =	ssyncadd.s32 $0xFFFFFFA0  }
0x41: {  	_ =	swait.ge [sflag:s28], $0x3000  }
0x42: {  	[sflag:s28] =	ssyncset.done $0x0  }
0x43: {  	[sflag:s28] =	ssyncadd.s32 $0xFFFFD000  }
0x44: {  	[tilespmem:s20], [sflag:$0x1] =	stream.indirect.gather [hbm4b:s1+s19], $0x80, s3, s19, $0xb8;
	[tilespmem:$0x19E00] =	vst v63  }
0x45: {  	_ = 	snop  }
0x46: {  	[spmem:s2] =	stream.indirect.scatter.add.f32 [tilespmem:s26], [sflag:$0x3], $0x80, s22, s19, $0xb8;
	[tilespmem:$0x19E00] =	vst v63  }
0x47: {  	_ =	swait.ge [sflag:s17], $0x3000  }
0x48: {  	[sflag:s17] =	ssyncset.done $0x0  }
0x49: {  	s4 =	sadd.s32 $0x480, s30;
	[sflag:s17] =	ssyncadd.s32 $0xFFFFD000  }
0x4a: {  	[tilespmem:s21], [sflag:$0x3] =	stream.linear.gather [hbm4b:s4+s3], $0x60, $0x38;
	[tilespmem:$0x19E00] =	vst v63  }
0x4b: {  	_ =	swait.ge [sflag:s17], $0x60  }
0x4c: {  	[sflag:s17] =	ssyncset.done $0x0  }
0x4d: {  	s31 =	sadd.s32 $0x480, s31;
	[sflag:s17] =	ssyncadd.s32 $0xFFFFFFA0  }
0x4e: {  	[tilespmem:s22], [sflag:$0x3] =	stream.linear.gather [hbm4b:s31+s3], $0x60, $0x38;
	[tilespmem:$0x19E00] =	vst v63  }
0x4f: {  	_ =	swait.ge [sflag:s17], $0x60  }
0x50: {  	s30 =	simm.s32 $0x300;
	[sflag:s17] =	ssyncset.done $0x0  }
.LBB2_2:
0x51: {  	p1 =	sne.s32 s30, $0x9900  }
0x52: {  	[sflag:s17] =	ssyncadd.s32 $0xFFFFFFA0;
	s0 =	smov.u32 s30;
	s30 =	sadd.s32 $0x300, s30  }
0x53: {  	_ =	swait.ge [sflag:s23], $0x3000  }
0x54: {  	[sflag:s23] =	ssyncset.done $0x0  }
0x55: {  	[sflag:s23] =	ssyncadd.s32 $0xFFFFD000  }
0x56: {  	[tilespmem:s26], [sflag:$0x2] =	stream.indirect.gather [hbm4b:s1+s19], $0x80, s21, s19, $0xb8;
	[tilespmem:$0x19E00] =	vst v63  }
0x57: {  	_ = 	snop  }
0x58: {  	[spmem:s2] =	stream.indirect.scatter.add.f32 [tilespmem:s20], [sflag:$0x3], $0x80, s18, s19, $0xb8;
	[tilespmem:$0x19E00] =	vst v63  }
0x59: {  	_ =	swait.ge [sflag:s17], $0x3000  }
0x5a: {  	s31 =	sadd.s32 s0, s14;
	[sflag:s17] =	ssyncset.done $0x0  }
0x5b: {  	s4 =	sadd.s32 $0x300, s31;
	[sflag:s17] =	ssyncadd.s32 $0xFFFFD000  }
0x5c: {  	[tilespmem:s3], [sflag:$0x3] =	stream.linear.gather [hbm4b:s4+s3], $0x60, $0x38;
	[tilespmem:$0x19E00] =	vst v63  }
0x5d: {  	_ =	swait.ge [sflag:s17], $0x60  }
0x5e: {  	s0 =	sadd.s32 s0, s15;
	[sflag:s17] =	ssyncset.done $0x0  }
0x5f: {  	s4 =	sadd.s32 $0x300, s0;
	[sflag:s17] =	ssyncadd.s32 $0xFFFFFFA0  }
0x60: {  	[tilespmem:s18], [sflag:$0x3] =	stream.linear.gather [hbm4b:s4+s3], $0x60, $0x38;
	[tilespmem:$0x19E00] =	vst v63  }
0x61: {  	_ =	swait.ge [sflag:s17], $0x60  }
0x62: {  	[sflag:s17] =	ssyncset.done $0x0  }
0x63: {  	[sflag:s17] =	ssyncadd.s32 $0xFFFFFFA0  }
0x64: {  	_ =	swait.ge [sflag:s28], $0x3000  }
0x65: {  	[sflag:s28] =	ssyncset.done $0x0  }
0x66: {  	[sflag:s28] =	ssyncadd.s32 $0xFFFFD000  }
0x67: {  	[tilespmem:s20], [sflag:$0x1] =	stream.indirect.gather [hbm4b:s1+s19], $0x80, s3, s19, $0xb8;
	[tilespmem:$0x19E00] =	vst v63  }
0x68: {  	_ = 	snop  }
0x69: {  	[spmem:s2] =	stream.indirect.scatter.add.f32 [tilespmem:s26], [sflag:$0x3], $0x80, s22, s19, $0xb8;
	[tilespmem:$0x19E00] =	vst v63  }
0x6a: {  	_ =	swait.ge [sflag:s17], $0x3000  }
0x6b: {  	[sflag:s17] =	ssyncset.done $0x0  }
0x6c: {  	s4 =	sadd.s32 $0x480, s31;
	[sflag:s17] =	ssyncadd.s32 $0xFFFFD000  }
0x6d: {  	[tilespmem:s21], [sflag:$0x3] =	stream.linear.gather [hbm4b:s4+s3], $0x60, $0x38;
	[tilespmem:$0x19E00] =	vst v63  }
0x6e: {  	_ =	swait.ge [sflag:s17], $0x60  }
.Ltmp0:
0x6f: {  	[sflag:s17] =	ssyncset.done $0x0;
	(pc) =	sbr.rel @p1 .LBB2_2-.Ltmp0, $4  }
0x70: {  	s0 =	sadd.s32 $0x480, s0;
	[sflag:s17] =	ssyncadd.s32 $0xFFFFFFA0  }
0x71: {  	[tilespmem:s22], [sflag:$0x3] =	stream.linear.gather [hbm4b:s0+s3], $0x60, $0x38;
	[tilespmem:$0x19E00] =	vst v63  }
0x72: {  	_ =	swait.ge [sflag:s17], $0x60  }
0x73: {  	[sflag:s17] =	ssyncset.done $0x0  }
0x74: {  	[sflag:s17] =	ssyncadd.s32 $0xFFFFFFA0  }
0x75: {  	_ =	swait.ge [sflag:s23], $0x3000  }
0x76: {  	[sflag:s23] =	ssyncset.done $0x0  }
0x77: {  	[sflag:s23] =	ssyncadd.s32 $0xFFFFD000  }
0x78: {  	[tilespmem:s26], [sflag:$0x2] =	stream.indirect.gather [hbm4b:s1+s19], $0x80, s21, s19, $0xb8;
	[tilespmem:$0x19E00] =	vst v63  }
0x79: {  	_ = 	snop  }
0x7a: {  	[spmem:s2] =	stream.indirect.scatter.add.f32 [tilespmem:s20], [sflag:$0x3], $0x80, s18, s19, $0xb8;
	[tilespmem:$0x19E00] =	vst v63  }
0x7b: {  	_ =	swait.ge [sflag:s17], $0x3000  }
0x7c: {  	[sflag:s17] =	ssyncset.done $0x0  }
0x7d: {  	[sflag:s17] =	ssyncadd.s32 $0xFFFFD000  }
0x7e: {  	_ =	swait.ge [sflag:s28], $0x3000  }
0x7f: {  	[sflag:s28] =	ssyncset.done $0x0  }
0x80: {  	[sflag:s28] =	ssyncadd.s32 $0xFFFFD000  }
0x81: {  	[spmem:s2] =	stream.indirect.scatter.add.f32 [tilespmem:s26], [sflag:$0x3], $0x80, s22, s19, $0xb8;
	[tilespmem:$0x19E00] =	vst v63  }
0x82: {  	_ =	swait.ge [sflag:s17], $0x3000  }
0x83: {  	[sflag:s17] =	ssyncset.done $0x0  }
0x84: {  	[sflag:s17] =	ssyncadd.s32 $0xFFFFD000  }
0x85: {  	s0 =	simm.s32 @p0 $0x3;
	[bflag:$0x0] =	sbarrier.arrive $0xFFFF  }
0x86: {  	[hbm:s12], [sflag:s6] =	dma.local @p0 [spmem:s24], $0x2800  }
0x87: {  	s29 =	sadd.s32 $0x1, s29;
	_ =	swait.ge @p0 [sflag:s0], $0x2800  }
0x88: {  	p1 =	sne.s32 s29, s13;
	[sflag:s0] =	ssyncset.done @p0 $0x0  }
.Ltmp1:
0x89: {  	[sflag:s0] =	ssyncadd.s32 @p0 $0xFFFFD800;
	s0 =	simm.s32 @!p0 $0x3;
	(pc) =	sbr.rel @p1 .LBB2_1-.Ltmp1, $4  }
0x8a: {  	[hbm:s11], [sflag:s6] =	dma.local @!p0 [spmem:s25], $0x2700  }
0x8b: {  	_ =	swait.ge @!p0 [sflag:s0], $0x2700  }
0x8c: {  	[sflag:s0] =	ssyncset.done @!p0 $0x0  }
0x8d: {  	[sflag:s0] =	ssyncadd.s32 @!p0 $0xFFFFD900  }
0x8e: {  	_ =	sfence.sel $0x180000  }
0x8f: {  	[bflag:$0x0] =	sbarrier.arrive $0xFFFF  }
0x90: {  	_ =	strace $0x90000047  }
0x91: {  	s0 =	stileid.u32;
	[bflag:$0x2] =	sbarrier.arrive $0xFFFF  }
0x92: {  	p0 =	sne.s32 s0, $0x0;
	s0 =	rddreg [dreg:$0x4]  }
0x93: {  	s0 =	sadd.s32 @!p0 $0x100000, s0  }
0x94: {  	[sflag:s0] =	ssyncadd.tile.s32 @!p0 $0x1;
	_ =	shalt  }
.Lfunc_end2:
_tile_overlayer_lowered:
.L_overlay_start_2:
0x95: {  	(tag) =	ssettag $0x2  }
0x96: {  	s0 =	rddreg [dreg:$0x0];
	s2 =	stileid.u32  }
0x97: {  	s1 =	rddreg [dreg:$0x1];
	p0 =	sne.s32 s2, $0x0  }
0x98: {  	s3 =	rddreg [dreg:$0x2];
	[bflag:$0x3] =	sbarrier.arrive $0xFFFF;
	s2 =	simm.s32 @!p0 $0x1C03  }
0x99: {  	[timem:s3], [sflag:s2] =	dma.local @!p0 [hbm:s0], s1  }
0x9a: {  	s0 =	simm.s32 @!p0 $0x3  }
0x9b: {  	_ =	swait.ge @!p0 [sflag:s0], s1  }
0x9c: {  	s1 =	ssub.s32 @!p0 $0x0, s1;
	[sflag:s0] =	ssyncset.done @!p0 $0x0  }
0x9d: {  	[sflag:s0] =	ssyncadd.s32 @!p0 s1  }
0x9e: {  	[bflag:$0x3] =	sbarrier.arrive $0xFFFF  }
0x9f: {  	_ =	shalt  }

// kernel: kernel.9.cloned.1.call-start
scs
__scs_entry_jumppad:
0x0: {  	(pc) =	sbr.rel $0x88, $3  }
0x1: {  	(tag) =	ssettag $0x0;
	lr =	simm.s32 $0x1  }
0x2: {  	[smem:$0x3F9D] =	sst lr;
	_ =	strace $0xD0000000  }
0x3: {  	_ = 	snop  }
0x4: {  	_ = 	snop  }
0x5: {  	_ = 	snop  }
0x6: {  	_ = 	snop  }
0x7: {  	_ = 	snop  }
__scs_overlays_trampoline_lowered:
0x8: {  	[smem:$0x3FAC] =	sst s0  }
0x9: {  	[smem:$0x3FAD] =	sst s1  }
0xa: {  	[smem:$0x3FAE] =	sst s2  }
0xb: {  	[smem:$0x3FAF] =	sst s3  }
0xc: {  	[smem:$0x3FB0] =	sst s4  }
0xd: {  	[smem:$0x3FB1] =	sst s5  }
0xe: {  	[smem:$0x3FB2] =	sst s6  }
0xf: {  	[smem:$0x3FB3] =	sst s7  }
0x10: {  	[smem:$0x3FB4] =	sst s8  }
0x11: {  	[smem:$0x3FB5] =	sst s9;
	s0 =	simm.s32 @!p0 $0x0  }
0x12: {  	s1 =	sld [smem:$0x3F9B];
	s0 =	simm.s32 @p0 $0x1  }
0x13: {  	[smem:$0x3FB6] =	sst s0;
	s0 =	simm.s32 @!p1 $0x0  }
0x14: {  	s2 =	sld [smem:$0x3F9A];
	s0 =	simm.s32 @p1 $0x1  }
0x15: {  	[smem:$0x3FB7] =	sst s0;
	s0 =	simm.s32 @!p2 $0x0  }
0x16: {  	s3 =	sld [smem:$0x3FDB];
	s0 =	simm.s32 @p2 $0x1  }
0x17: {  	s4 =	simm.s32 $0x1BF5;
	[smem:$0x3FB9] =	sst s0  }
0x18: {  	s0 =	sld [smem:$0x3F9C];
	_ =	swait.ge [sflag:s4], $0x0  }
0x19: {  	s7 =	sld [smem:$0x3F9D]  }
0x1a: {  	s8 =	sadd.s32 $0xFFFFE003, lr  }
0x1b: {  	s9 =	sadd.s32 $0xFFFFFEF7, lr;
	s5 =	simm.s32 $0xFFFFFFFF;
	p2 =	slt.u32 s8, $0xFFFFF086  }
0x1c: {  	p1 =	slt.u32 s9, $0xF7A;
	s5 =	simm.s32 @!p2 $0x0  }
0x1d: {  	s5 =	simm.s32 @p1 $0x1;
	p0 =	seq.s32 s7, s2  }
0x1e: {  	s7 =	smul.u32 @!p0 $0xF7A, s2;
	p2 =	seq.s32 @!p0 s5, $0x0  }
0x1f: {  	s9 =	smul.u32 $0xF7A, s1;
	s8 =	simm.s32 @!p0 $0x1BF5;
	p2 =	por !p2, p0  }
0x20: {  	[sflag:s8] =	ssyncset.s32 @!p0 $0xFFFFF086;
	s6 =	sadd.s32 @!p0 s3, s7;
	s7 =	simm.s32 @!p0 $0x108  }
0x21: {  	s3 =	sadd.s32 s3, s9;
	s6 =	sadd.s32 @!p0 $0x88, s6;
	s7 =	simm.s32 @p2 $0x1082  }
0x22: {  	[simem:s7], [sflag:s8] =	dma.local @!p0 [hbm:s6], $0xF7A  }
0x23: {  	s9 =	sor.u32 $0xD0000000, s2;
	s6 =	simm.s32 $0x108;
	_ =	swait.ge @!p0 [sflag:s8], $0x0  }
0x24: {  	s3 =	sadd.s32 $0x88, s3;
	s6 =	simm.s32 @!p1 $0x1082;
	[sflag:s4] =	ssyncset.s32 $0xFFFFF086  }
0x25: {  	[simem:s6], [sflag:s4] =	dma.local [hbm:s3], $0xF7A  }
0x26: {  	[smem:$0x3F9D] =	sst s1;
	(tag) =	ssettag s2;
	_ =	strace s9  }
0x27: {  	s1 =	sld [smem:$0x3FAD]  }
0x28: {  	s2 =	sld [smem:$0x3FAE]  }
0x29: {  	s4 =	sld [smem:$0x3FB0]  }
0x2a: {  	p0 =	seq.s32 s5, $0x0;
	s5 =	sld [smem:$0x3FB1]  }
0x2b: {  	s6 =	sld [smem:$0x3FB2]  }
0x2c: {  	s7 =	sld [smem:$0x3FB3]  }
0x2d: {  	s3 =	simm.s32 $0x108;
	s8 =	sld [smem:$0x3FB4]  }
0x2e: {  	s3 =	simm.s32 @!p0 $0x1082;
	s9 =	sld [smem:$0x3FB5]  }
0x2f: {  	lr =	sadd.s32 s0, s3;
	s0 =	sld [smem:$0x3FAC]  }
0x30: {  	s3 =	sld [smem:$0x3FAF]  }
0x31: {  	[smem:$0x3FB8] =	sst s10  }
0x32: {  	s10 =	sld [smem:$0x3FB6];
	_ =	sdelay $0x3  }
0x33: {  	p0 =	seq.s32 s10, $0x1;
	s10 =	sld [smem:$0x3FB8];
	_ =	sdelay $0x3  }
0x34: {  	[smem:$0x3FB8] =	sst s10  }
0x35: {  	s10 =	sld [smem:$0x3FB7];
	_ =	sdelay $0x3  }
0x36: {  	p1 =	seq.s32 s10, $0x1;
	s10 =	sld [smem:$0x3FB8];
	_ =	sdelay $0x3  }
0x37: {  	[smem:$0x3FB8] =	sst s10  }
0x38: {  	s10 =	sld [smem:$0x3FB9]  }
0x39: {  	_ = 	snop;
	(pc) =	sbr.ind lr, $3  }
0x3a: {  	_ = 	snop  }
0x3b: {  	_ = 	snop  }
0x3c: {  	p2 =	seq.s32 s10, $0x1;
	s10 =	sld [smem:$0x3FB8]  }
0x3d: {  	_ =	shalt  }
0x3e: {  	_ =	shalt  }
0x3f: {  	_ =	shalt  }
0x40: {  	_ =	shalt  }
0x41: {  	_ =	shalt  }
0x42: {  	_ =	shalt  }
0x43: {  	_ =	shalt  }
0x44: {  	_ =	shalt  }
0x45: {  	_ =	shalt  }
0x46: {  	_ =	shalt  }
0x47: {  	_ =	shalt  }
0x48: {  	_ =	shalt  }
0x49: {  	_ =	shalt  }
0x4a: {  	_ =	shalt  }
0x4b: {  	_ =	shalt  }
0x4c: {  	_ =	shalt  }
0x4d: {  	_ =	shalt  }
0x4e: {  	_ =	shalt  }
0x4f: {  	_ =	shalt  }
0x50: {  	_ =	shalt  }
0x51: {  	_ =	shalt  }
0x52: {  	_ =	shalt  }
0x53: {  	_ =	shalt  }
0x54: {  	_ =	shalt  }
0x55: {  	_ =	shalt  }
0x56: {  	_ =	shalt  }
0x57: {  	_ =	shalt  }
0x58: {  	_ =	shalt  }
0x59: {  	_ =	shalt  }
0x5a: {  	_ =	shalt  }
0x5b: {  	_ =	shalt  }
0x5c: {  	_ =	shalt  }
0x5d: {  	_ =	shalt  }
0x5e: {  	_ =	shalt  }
0x5f: {  	_ =	shalt  }
0x60: {  	_ =	shalt  }
0x61: {  	_ =	shalt  }
0x62: {  	_ =	shalt  }
0x63: {  	_ =	shalt  }
0x64: {  	_ =	shalt  }
0x65: {  	_ =	shalt  }
0x66: {  	_ =	shalt  }
0x67: {  	_ =	shalt  }
0x68: {  	_ =	shalt  }
0x69: {  	_ =	shalt  }
0x6a: {  	_ =	shalt  }
0x6b: {  	_ =	shalt  }
0x6c: {  	_ =	shalt  }
0x6d: {  	_ =	shalt  }
0x6e: {  	_ =	shalt  }
0x6f: {  	_ =	shalt  }
0x70: {  	_ =	shalt  }
0x71: {  	_ =	shalt  }
0x72: {  	_ =	shalt  }
0x73: {  	_ =	shalt  }
0x74: {  	_ =	shalt  }
0x75: {  	_ =	shalt  }
0x76: {  	_ =	shalt  }
0x77: {  	_ =	shalt  }
0x78: {  	_ =	shalt  }
0x79: {  	_ =	shalt  }
0x7a: {  	_ =	shalt  }
0x7b: {  	_ =	shalt  }
0x7c: {  	_ =	shalt  }
0x7d: {  	_ =	shalt  }
0x7e: {  	_ =	shalt  }
0x7f: {  	_ =	shalt  }
0x80: {  	_ =	shalt  }
0x81: {  	_ =	shalt  }
0x82: {  	_ =	shalt  }
0x83: {  	_ =	shalt  }
0x84: {  	_ =	shalt  }
0x85: {  	_ =	shalt  }
0x86: {  	_ =	shalt  }
0x87: {  	_ =	shalt  }
.Lfunc_end0:
.L_simem_size_0:
called_computation.1_lowered:
.L_overlay_start_0:
0x88: {  	s2 =	sld [smem:$0x3FD9]  }
0x89: {  	s3 =	sld [smem:$0x3FFE];
	_ =	sdelay $0x1  }
0x8a: {  	s1 =	srdreg.scid  }
0x8b: {  	s0 =	sand.u32 $0x1, s1  }
0x8c: {  	s17 =	sshll.u32 s0, $0xA;
	s2 =	sadd.s32 s3, s2  }
0x8d: {  	s2 =	sadd.s32 s2, s17  }
0x8e: {  	[smem:$0x3FC4] =	sst s2  }
0x8f: {  	_ = 	snop  }
0x90: {  	s2 =	sld [smem:$0x3FD0];
	(tm) =	ssettm $0x1  }
0x91: {  	s18 =	sld [smem:$0x3FFB];
	_ =	sdelay $0x3  }
0x92: {  	_ =	strace s18  }
0x93: {  	s3 =	sld [smem:$0x3FFC];
	_ =	sdelay $0x3  }
0x94: {  	_ =	strace s3  }
0x95: {  	s3 =	sld [smem:$0x3FFD];
	_ =	sdelay $0x3  }
0x96: {  	_ =	strace s3  }
0x97: {  	_ =	strace $0x8FFFFFFF  }
0x98: {  	s19 =	sld [smem:$0x3FDB];
	_ =	sdelay $0x1  }
0x99: {  	s4 =	simm.s32 $_scs_section_size  }
0x9a: {  	s5 =	simm.s32 $_size__tile_overlayer_lowered;
	s6 =	simm.s32 $_tile_overlayer_lowered  }
0x9b: {  	s22 =	simm.s32 $0x1BFF;
	s21 =	sshll.u32 s6, $0x1;
	s3 =	sadd.s32 s4, s19  }
0x9c: {  	s7 =	simm.s32 $0x0;
	s20 =	sshll.u32 s5, $0x1;
	s5 =	sadd.s32 s21, s3  }
0x9d: {  	[timem:s7], [sflag:s22] =	dma.local [hbm:s5], s20  }
0x9e: {  	_ =	swait.ge [sflag:s22], s20  }
0x9f: {  	s4 =	ssub.s32 $0x0, s20;
	[sflag:s22] =	ssyncset.done $0x0  }
0xa0: {  	[sflag:s22] =	ssyncadd.s32 s4;
	_ =	sdelay $0x1  }
0xa1: {  	s23 =	simm.s32 $0x1B8B  }
0xa2: {  	_ =	swait.ge [sflag:s23], $0x1  }
0xa3: {  	[sflag:s23] =	ssyncset.done $0x0  }
0xa4: {  	s25 =	simm.s32 $0x1B8E;
	s24 =	sld [smem:$0x3FFE];
	[sflag:s23] =	ssyncadd.s32 $0xFFFFFFFF  }
0xa5: {  	s26 =	simm.s32 $execute0_lowered;
	[smem:$0x3FD2] =	sst s25  }
0xa6: {  	s5 =	sshll.u32 s26, $0x1;
	_ =	strace $0x80000049;
	[dreg:$0x1] =	wrdreg $0xFFFFFFFF  }
0xa7: {  	s28 =	simm.s32 $_size_execute0_lowered;
	s3 =	sadd.s32 s3, s5;
	[dreg:$0x0] =	wrdreg $0x0  }
0xa8: {  	s5 =	sshll.u32 s28, $0x1;
	[dreg:$0x2] =	wrdreg s3  }
0xa9: {  	[dreg:$0x3] =	wrdreg s5  }
0xaa: {  	[dreg:$0x4] =	wrdreg $0xC0  }
0xab: {  	_ =	task [dreg:s7], $0x5FFFF  }
0xac: {  	[dreg:$0x1] =	wrdreg $0xFFFFFFFF  }
0xad: {  	[dreg:$0x0] =	wrdreg $0x60  }
0xae: {  	[dreg:$0x2] =	wrdreg s24  }
0xaf: {  	[dreg:$0x3] =	wrdreg s2  }
0xb0: {  	[dreg:$0x4] =	wrdreg $0x62000  }
0xb1: {  	[dreg:$0x5] =	wrdreg $0x9  }
0xb2: {  	_ =	task.clear_ibuf [dreg:s7], $0x6FFFF;
	_ =	strace $0x90000049  }
0xb3: {  	s29 =	simm.s32 $0x9;
	_ =	strace $0x8000004B  }
0xb4: {  	_ =	swait.ge [sflag:s29], $0x1  }
0xb5: {  	[sflag:s29] =	ssyncadd.s32 $0xFFFFFFFF  }
0xb6: {  	_ =	strace $0x9000004B  }
0xb7: {  	_ =	sfence  }
0xb8: {  	s30 =	sld [smem:$0x0];
	_ =	sdelay $0x2  }
0xb9: {  	s31 =	sshll.u32 s1, $0xD;
	s1 =	sshrl.u32 s1, $0x2  }
0xba: {  	s3 =	sand.u32 $0x4000, s31;
	s1 =	sadd.s32 s1, s30  }
0xbb: {  	s0 =	sor.u32 s3, s0;
	s1 =	sshll.u32 s1, $0x11  }
0xbc: {  	s0 =	sor.u32 s1, s0  }
0xbd: {  	s0 =	sadd.s32 $0x8F2B, s0  }
0xbe: {  	[sflag:s0] =	ssyncadd.remote.s32 $0x1  }
0xbf: {  	_ =	sfence.sel $0xFFFF  }
0xc0: {  	[dreg:$0x0] =	wrdreg $0xFFFFFFFF;
	(pc) =	sbr.abs _section_cstart, $3  }
0xc1: {  	[dreg:$0x1] =	wrdreg $0xFFFFFFFF  }
0xc2: {  	_ =	task.clear_ibuf [dreg:s7], $0x2FFFF;
	_ =	strace $0x9FFFFFFF  }
0xc3: {  	(tm) =	ssettm $0x7FFFFFFF  }
tec
execute0_lowered:
.L_overlay_start_1:
0x0: {  	(tag) =	ssettag $0x1  }
0x1: {  	s0 =	rddreg [dreg:$0x0]  }
0x2: {  	s1 =	rddreg [dreg:$0x1]  }
0x3: {  	s2 =	rddreg [dreg:$0x2]  }
0x4: {  	s3 =	simm.s32 $0x0;
	s19 =	srdreg.scid;
	s16 =	stileid.u32  }
0x5: {  	s28 =	simm.s32 $0x200;
	s29 =	simm.s32 $0x80;
	s30 =	simm.s32 $0x180  }
0x6: {  	s31 =	simm.s32 $0x1;
	[smem:$0x7FF] =	sst s3;
	s4 =	sadd.s32 $0xA800, s0  }
0x7: {  	s6 =	sadd.s32 $0x14800, s0;
	s5 =	sadd.s32 $0x1E800, s0;
	s18 =	sadd.s32 $0x800, s0  }
0x8: {  	s7 =	sadd.s32 $0xE00, s0;
	s20 =	sshll.u32 s16, $0x1;
	s9 =	smul.u32 $0x4F000, s16  }
0x9: {  	s12 =	smul.u32 $0x4E000, s16;
	_ =	strace $0x8000004A;
	[dreg:$0x4] =	wrdreg s5  }
0xa: {  	s0 =	sadd.s32 $0x21000, s0;
	s25 =	smul.u32 $0x2700, s16;
	[dreg:$0x5] =	wrdreg s18  }
0xb: {  	p0 =	seq.s32 s16, $0xF;
	[dreg:$0x6] =	wrdreg s7;
	s5 =	sand.u32 $0x1, s19  }
0xc: {  	s19 =	simm.s32 $0x19E00;
	s8 =	ssub.s32 $0x2, s5;
	s22 =	smul.u32 $0x27100, s5  }
0xd: {  	s7 =	sor.u32 s5, s20;
	s9 =	sshrl.u32 s9, $0x2;
	s5 =	smul.u32 $0x138800, s5  }
0xe: {  	s26 =	sshrl.u32 s12, $0x2;
	s20 =	simm.s32 $0x3;
	s11 =	smul.u32 $0x60, s7  }
0xf: {  	s10 =	sshrl.u32 s8, $0x1;
	s21 =	smul.u32 $0xC, s7;
	s9 =	sadd.s32 s9, s2  }
0x10: {  	s14 =	sor.u32 $0x40, s7;
	s15 =	sor.u32 $0x60, s7;
	s7 =	sadd.s32 s26, s2  }
0x11: {  	s26 =	simm.s32 $0x60;
	s8 =	ssub.s32 s8, s10;
	s5 =	sshrl.u32 s5, $0x3  }
0x12: {  	s11 =	sshrl.u32 s11, $0x3;
	s13 =	sadd.s32 s4, s21;
	s10 =	sadd.s32 s6, s21  }
0x13: {  	s5 =	sadd.s32 s0, s5;
	s18 =	smax.u32 s8, $0x1;
	s21 =	simm.s32 $0x1C580  }
0x14: {  	s8 =	simm.s32 $0x0;
	[dreg:$0x7] =	wrdreg s13;
	s11 =	sadd.s32 $0x180, s11  }
0x15: {  	[dreg:$0x8] =	wrdreg s10;
	s10 =	sadd.s32 s25, s22;
	s5 =	sadd.s32 $0x24900, s5  }
0x16: {  	s22 =	sshrl.u32 s9, $0x3;
	s23 =	sadd.s32 s4, s11;
	[dreg:$0xc] =	wrdreg s5  }
0x17: {  	s25 =	sshrl.u32 @!p0 s7, $0x3;
	s24 =	sadd.s32 s6, s11;
	[dreg:$0x9] =	wrdreg s23  }
0x18: {  	s7 =	simm.s32 $0x2;
	s0 =	sadd.s32 s0, s10;
	[dreg:$0xa] =	wrdreg s24  }
0x19: {  	s5 =	simm.s32 $0x1ED00;
	[dreg:$0xb] =	wrdreg s0;
	s0 =	sadd.s32 $0x124800, s2  }
0x1a: {  	s23 =	simm.s32 $0x100;
	s24 =	sshrl.u32 @p0 s0, $0x3;
	s0 =	simm.s32 $0x3200  }
.LBB2_1:
0x1b: {  	s9 =	rddreg [dreg:$0x5]  }
0x1c: {  	[tilespmem:s19], [sflag:$0x3] =	stream.linear.gather [hbm4b:s9+s3], $0x2780, $0x38;
	[tilespmem:$0x1ED80] =	vst v63  }
0x1d: {  	_ =	swait.ge [sflag:s20], $0x2780  }
0x1e: {  	[sflag:s20] =	ssyncset.done $0x0  }
0x1f: {  	s10 =	rddreg [dreg:$0x6];
	[sflag:s20] =	ssyncadd.s32 $0xFFFFD880  }
0x20: {  	[tilespmem:s21], [sflag:$0x3] =	stream.linear.gather [hbm4b:s10+s3], $0x2780, $0x38;
	[tilespmem:$0x1ED80] =	vst v63  }
0x21: {  	s11 =	stileid.u32;
	_ =	swait.ge [sflag:s20], $0x2780  }
0x22: {  	s9 =	sshll.u32 s11, $0x6;
	[sflag:s20] =	ssyncset.done $0x0  }
0x23: {  	s9 =	sor.u32 $0x1C03, s9;
	s10 =	rddreg [dreg:$0x4];
	[sflag:s20] =	ssyncadd.s32 $0xFFFFD880  }
0x24: {  	[spmem:s22], [sflag:s9] =	dma.local [hbm:s10], $0x2780  }
0x25: {  	_ =	swait.ge [sflag:s20], $0x2780  }
0x26: {  	[sflag:s20] =	ssyncset.done $0x0  }
0x27: {  	[sflag:s20] =	ssyncadd.s32 $0xFFFFD880  }
0x28: {  	[bflag:$0x0] =	sbarrier.arrive $0xFFFF  }
0x29: {  	s12 =	rddreg [dreg:$0x7]  }
0x2a: {  	[tilespmem:s3], [sflag:$0x3] =	stream.linear.gather [hbm4b:s12+s3], $0x60, $0x38;
	[tilespmem:$0x1ED80] =	vst v63  }
0x2b: {  	_ =	swait.ge [sflag:s20], $0x60  }
0x2c: {  	[sflag:s20] =	ssyncset.done $0x0  }
0x2d: {  	s13 =	rddreg [dreg:$0x8];
	[sflag:s20] =	ssyncadd.s32 $0xFFFFFFA0  }
0x2e: {  	[tilespmem:s23], [sflag:$0x3] =	stream.linear.gather [hbm4b:s13+s3], $0x60, $0x38;
	[tilespmem:$0x1ED80] =	vst v63  }
0x2f: {  	_ =	swait.ge [sflag:s20], $0x60  }
0x30: {  	[sflag:s20] =	ssyncset.done $0x0  }
0x31: {  	[sflag:s20] =	ssyncadd.s32 $0xFFFFFFA0  }
0x32: {  	[tilespmem:s28], [sflag:$0x1] =	stream.indirect.gather [hbm4b:s1+s26], $0x80, s3, s26, $0xb8;
	[tilespmem:$0x1ED80] =	vst v63  }
0x33: {  	s16 =	rddreg [dreg:$0x9]  }
0x34: {  	[tilespmem:s29], [sflag:$0x3] =	stream.linear.gather [hbm4b:s16+s3], $0x60, $0x38;
	[tilespmem:$0x1ED80] =	vst v63  }
0x35: {  	_ =	swait.ge [sflag:s20], $0x60  }
0x36: {  	[sflag:s20] =	ssyncset.done $0x0  }
0x37: {  	s17 =	rddreg [dreg:$0xa];
	[sflag:s20] =	ssyncadd.s32 $0xFFFFFFA0  }
0x38: {  	[tilespmem:s30], [sflag:$0x3] =	stream.linear.gather [hbm4b:s17+s3], $0x60, $0x38;
	[tilespmem:$0x1ED80] =	vst v63  }
0x39: {  	_ =	swait.ge [sflag:s20], $0x60  }
0x3a: {  	[sflag:s20] =	ssyncset.done $0x0  }
0x3b: {  	s10 =	simm.s32 $0x0;
	[sflag:s20] =	ssyncadd.s32 $0xFFFFFFA0  }
.LBB2_2:
0x3c: {  	_ =	swait.ge [sflag:s31], $0x3000  }
0x3d: {  	[sflag:s31] =	ssyncset.done $0x0  }
0x3e: {  	[sflag:s31] =	ssyncadd.s32 $0xFFFFD000  }
0x3f: {  	[tilespmem:s0], [sflag:$0x2] =	stream.indirect.gather [hbm4b:s1+s26], $0x80, s29, s26, $0xb8;
	[tilespmem:$0x1ED80] =	vst v63  }
0x40: {  	v0 =	vld [tilespmem:$0x0]  }
0x41: {  	v1 =	vld [tilespmem:$0x100];
	_ =	sdelay $0x6  }
0x42: {  	v0 =	vld.idx.msk [tilespmem:v0+s19+$0x0], $0xffff  }
0x43: {  	v1 =	vld.idx.msk [tilespmem:v1+s21+$0x0], $0xffff;
	_ =	sdelay $0x4  }
0x44: {  	v0 =	vadd.f32 v1, v0;
	_ =	sdelay $0x1  }
0x45: {  	v1 =	vmul.f32 $1.442695020e+00, v0;
	_ =	sdelay $0x1  }
0x46: {  	(erf) = vpow2.f32 v1;
	_ =	sdelay $0x5  }
0x47: {  	v1 =	vld [tilespmem:$0x10]  }
0x48: {  	v2 =	vld [tilespmem:$0x110];
	_ =	sdelay $0x1  }
0x49: {  	v3 =	vpop (erf)  }
0x4a: {  	v3 =	vadd.f32 $-1.000000000e+00, v3  }
0x4b: {  	vm0 =	vgt.f32 v0, $0.0e+00  }
0x4c: {  	v0 =	vsel vm0, v0, v3  }
0x4d: {  	[tilespmem:$0x1ED00] =	vst v0  }
0x4e: {  	v0 =	vld.idx.msk [tilespmem:v1+s19+$0x0], $0xffff  }
0x4f: {  	v1 =	vld.idx.msk [tilespmem:v2+s21+$0x0], $0xffff;
	_ =	sdelay $0x4  }
0x50: {  	v0 =	vadd.f32 v1, v0;
	_ =	sdelay $0x1  }
0x51: {  	v1 =	vmul.f32 $1.442695020e+00, v0;
	_ =	sdelay $0x1  }
0x52: {  	(erf) = vpow2.f32 v1;
	_ =	sdelay $0x5  }
0x53: {  	v1 =	vld [tilespmem:$0x20]  }
0x54: {  	v2 =	vld [tilespmem:$0x120];
	_ =	sdelay $0x1  }
0x55: {  	v3 =	vpop (erf)  }
0x56: {  	v3 =	vadd.f32 $-1.000000000e+00, v3  }
0x57: {  	vm11 =	vgt.f32 v0, $0.0e+00  }
0x58: {  	v0 =	vsel vm11, v0, v3  }
0x59: {  	[tilespmem:$0x1ED10] =	vst v0  }
0x5a: {  	v0 =	vld.idx.msk [tilespmem:v1+s19+$0x0], $0xffff  }
0x5b: {  	v1 =	vld.idx.msk [tilespmem:v2+s21+$0x0], $0xffff;
	_ =	sdelay $0x4  }
0x5c: {  	v0 =	vadd.f32 v1, v0;
	_ =	sdelay $0x1  }
0x5d: {  	v1 =	vmul.f32 $1.442695020e+00, v0;
	_ =	sdelay $0x1  }
0x5e: {  	(erf) = vpow2.f32 v1;
	_ =	sdelay $0x5  }
0x5f: {  	v1 =	vld [tilespmem:$0x30]  }
0x60: {  	v2 =	vld [tilespmem:$0x130];
	_ =	sdelay $0x1  }
0x61: {  	v3 =	vpop (erf)  }
0x62: {  	v3 =	vadd.f32 $-1.000000000e+00, v3  }
0x63: {  	vm12 =	vgt.f32 v0, $0.0e+00  }
0x64: {  	v0 =	vsel vm12, v0, v3  }
0x65: {  	[tilespmem:$0x1ED20] =	vst v0  }
0x66: {  	v0 =	vld.idx.msk [tilespmem:v1+s19+$0x0], $0xffff  }
0x67: {  	v1 =	vld.idx.msk [tilespmem:v2+s21+$0x0], $0xffff;
	_ =	sdelay $0x4  }
0x68: {  	v0 =	vadd.f32 v1, v0;
	_ =	sdelay $0x1  }
0x69: {  	v1 =	vmul.f32 $1.442695020e+00, v0;
	_ =	sdelay $0x1  }
0x6a: {  	(erf) = vpow2.f32 v1;
	_ =	sdelay $0x5  }
0x6b: {  	v1 =	vld [tilespmem:$0x40]  }
0x6c: {  	v2 =	vld [tilespmem:$0x140];
	_ =	sdelay $0x1  }
0x6d: {  	v3 =	vpop (erf)  }
0x6e: {  	v3 =	vadd.f32 $-1.000000000e+00, v3  }
0x6f: {  	vm13 =	vgt.f32 v0, $0.0e+00  }
0x70: {  	v0 =	vsel vm13, v0, v3  }
0x71: {  	[tilespmem:$0x1ED30] =	vst v0  }
0x72: {  	v0 =	vld.idx.msk [tilespmem:v1+s19+$0x0], $0xffff  }
0x73: {  	v1 =	vld.idx.msk [tilespmem:v2+s21+$0x0], $0xffff;
	_ =	sdelay $0x4  }
0x74: {  	v0 =	vadd.f32 v1, v0;
	_ =	sdelay $0x1  }
0x75: {  	v1 =	vmul.f32 $1.442695020e+00, v0;
	_ =	sdelay $0x1  }
0x76: {  	(erf) = vpow2.f32 v1;
	_ =	sdelay $0x5  }
0x77: {  	v1 =	vld [tilespmem:$0x50]  }
0x78: {  	v2 =	vld [tilespmem:$0x150];
	_ =	sdelay $0x1  }
0x79: {  	v3 =	vpop (erf)  }
0x7a: {  	v3 =	vadd.f32 $-1.000000000e+00, v3  }
0x7b: {  	vm14 =	vgt.f32 v0, $0.0e+00  }
0x7c: {  	v0 =	vsel vm14, v0, v3  }
0x7d: {  	[tilespmem:$0x1ED40] =	vst v0  }
0x7e: {  	v0 =	vld.idx.msk [tilespmem:v1+s19+$0x0], $0xffff  }
0x7f: {  	v1 =	vld.idx.msk [tilespmem:v2+s21+$0x0], $0xffff;
	_ =	sdelay $0x4  }
0x80: {  	v0 =	vadd.f32 v1, v0;
	_ =	sdelay $0x1  }
0x81: {  	v1 =	vmul.f32 $1.442695020e+00, v0;
	_ =	sdelay $0x1  }
0x82: {  	(erf) = vpow2.f32 v1;
	_ =	sdelay $0x8  }
0x83: {  	s11 =	simm.s32 $0x0;
	v1 =	vpop (erf)  }
0x84: {  	v2 =	vmov s11;
	v1 =	vadd.f32 $-1.000000000e+00, v1  }
0x85: {  	v2 =	vand.u32 $0xFFFFFFFE, v2;
	vm15 =	vgt.f32 v0, $0.0e+00  }
0x86: {  	v0 =	vsel vm15, v0, v1;
	v1 =	vbroadcast v2, $0x0;
	_ =	sdelay $0x3  }
0x87: {  	s11 =	simm.s32 $0x280;
	[tilespmem:$0x1ED50] =	vst v0  }
0x88: {  	v4 =	vld [tilespmem:s11+$0xFFFFFFF0]  }
0x89: {  	v5 =	vld.idx.msk [tilespmem:v1+s5+$0x0], $0xffff  }
0x8a: {  	v6 =	vld [tilespmem:s11+$0xFFFFFF80]  }
0x8b: {  	v7 =	vld [tilespmem:s11+$0xFFFFFFA0]  }
0x8c: {  	v3 =	vld [tilespmem:s11+$0xFFFFFFB0]  }
0x8d: {  	v2 =	vld [tilespmem:s11+$0xFFFFFFD0]  }
0x8e: {  	v9 =	vld [tilespmem:s11+$0xFFFFFF90];
	v4 =	vmul.f32 v4, v5  }
0x8f: {  	v8 =	vld [tilespmem:s11+$0xFFFFFFE0];
	v6 =	vmul.f32 v6, v5  }
0x90: {  	v10 =	vld [tilespmem:s11+$0xFFFFFFC0];
	v7 =	vmul.f32 v7, v5;
	[tilespmem:s11+$0xFFFFFFF0] =	vst v4  }
0x91: {  	v3 =	vmul.f32 v3, v5;
	[tilespmem:s11+$0xFFFFFF80] =	vst v6  }
0x92: {  	s12 =	simm.s32 $0x1;
	v2 =	vmul.f32 v2, v5;
	[tilespmem:s11+$0xFFFFFFA0] =	vst v7  }
0x93: {  	v4 =	vmul.f32 v9, v5;
	[tilespmem:s11+$0xFFFFFFB0] =	vst v3;
	v6 =	vmov s12  }
0x94: {  	v0 =	vld [tilespmem:s11+$0x0];
	v3 =	vmul.f32 v8, v5;
	[tilespmem:s11+$0xFFFFFFD0] =	vst v2  }
0x95: {  	v1 =	vld [tilespmem:s11+$0x10];
	v2 =	vmul.f32 v10, v5;
	[tilespmem:s11+$0xFFFFFF90] =	vst v4  }
0x96: {  	[tilespmem:s11+$0xFFFFFFE0] =	vst v3;
	v4 =	vld [tilespmem:s11+$0x30]  }
0x97: {  	[tilespmem:s11+$0xFFFFFFC0] =	vst v2;
	v3 =	vld [tilespmem:s11+$0x70]  }
0x98: {  	s13 =	simm.s32 $0x280;
	s12 =	simm.s32 $0x2;
	v2 =	vld.idx.msk [tilespmem:v6+s5+$0x0], $0xffff  }
.LBB2_3:
0x99: {  	p1 =	slt.u32 s12, $0x5E  }
0x9a: {  	v5 =	vld [tilespmem:s11+$0x20];
	s13 =	sadd.s32 $0x100, s13;
	s16 =	smov.u32 s12;
	s12 =	sadd.s32 $0x2, s12  }
0x9b: {  	v6 =	vld [tilespmem:s11+$0x40]  }
0x9c: {  	v7 =	vld [tilespmem:s11+$0x50]  }
0x9d: {  	v8 =	vld [tilespmem:s11+$0x60];
	_ =	sdelay $0x1  }
0x9e: {  	v0 =	vmul.f32 v0, v2;
	v1 =	vmul.f32 v1, v2  }
0x9f: {  	v4 =	vmul.f32 v4, v2;
	v5 =	vmul.f32 v5, v2  }
0xa0: {  	v9 =	vmov s16;
	v6 =	vmul.f32 v6, v2;
	[tilespmem:s11+$0x0] =	vst v0;
	v7 =	vmul.f32 v7, v2  }
0xa1: {  	v9 =	vand.u32 $0xFFFFFFFE, v9;
	v0 =	vld [tilespmem:s13+$0x0];
	[tilespmem:s11+$0x30] =	vst v4;
	v4 =	vmul.f32 v8, v2;
	v2 =	vmul.f32 v3, v2  }
0xa2: {  	v3 =	vbroadcast v9, $0x0;
	[tilespmem:s11+$0x10] =	vst v1  }
0xa3: {  	[tilespmem:s11+$0x70] =	vst v2  }
0xa4: {  	v2 =	vld [tilespmem:s13+$0xFFFFFFD0];
	[tilespmem:s11+$0x20] =	vst v5  }
0xa5: {  	v5 =	vld [tilespmem:s13+$0xFFFFFFB0];
	[tilespmem:s11+$0x60] =	vst v4  }
0xa6: {  	v4 =	vld [tilespmem:s13+$0xFFFFFFE0];
	[tilespmem:s11+$0x40] =	vst v6  }
0xa7: {  	v6 =	vld [tilespmem:s13+$0xFFFFFFF0];
	[tilespmem:s11+$0x50] =	vst v7;
	s11 =	smov.u32 s13  }
0xa8: {  	v3 =	vld.idx.msk [tilespmem:v3+s5+$0x0], $0xffff  }
0xa9: {  	v7 =	vld [tilespmem:s13+$0xFFFFFF80]  }
0xaa: {  	v8 =	vld [tilespmem:s13+$0xFFFFFFA0]  }
0xab: {  	v9 =	vld [tilespmem:s13+$0xFFFFFF90]  }
0xac: {  	v10 =	vld [tilespmem:s13+$0xFFFFFFC0]  }
0xad: {  	v1 =	vld [tilespmem:s13+$0x10]  }
0xae: {  	v6 =	vmul.f32 v6, v3;
	v7 =	vmul.f32 v7, v3  }
0xaf: {  	v4 =	vmul.f32 v4, v3;
	v8 =	vmul.f32 v8, v3  }
0xb0: {  	v5 =	vmul.f32 v5, v3;
	v9 =	vmul.f32 v9, v3;
	[tilespmem:s13+$0xFFFFFFF0] =	vst v6  }
0xb1: {  	v2 =	vmul.f32 v2, v3;
	[tilespmem:s13+$0xFFFFFF80] =	vst v7;
	v6 =	vmul.f32 v10, v3  }
0xb2: {  	s16 =	sadd.s32 $0x1, s16;
	[tilespmem:s13+$0xFFFFFFA0] =	vst v8  }
0xb3: {  	[tilespmem:s13+$0xFFFFFFB0] =	vst v5;
	v5 =	vmov s16  }
.Ltmp0:
0xb4: {  	[tilespmem:s13+$0xFFFFFFD0] =	vst v2;
	(pc) =	sbr.rel @p1 .LBB2_3-.Ltmp0, $4  }
0xb5: {  	[tilespmem:s13+$0xFFFFFF90] =	vst v9  }
0xb6: {  	[tilespmem:s13+$0xFFFFFFE0] =	vst v4;
	v4 =	vld [tilespmem:s13+$0x30]  }
0xb7: {  	[tilespmem:s13+$0xFFFFFFC0] =	vst v6;
	v3 =	vld [tilespmem:s13+$0x70]  }
0xb8: {  	v2 =	vld.idx.msk [tilespmem:v5+s5+$0x0], $0xffff  }
0xb9: {  	_ =	sdelay $0x2  }
0xba: {  	v5 =	vld [tilespmem:s11+$0x20]  }
0xbb: {  	v6 =	vld [tilespmem:s11+$0x60];
	v0 =	vmul.f32 v0, v2  }
0xbc: {  	v7 =	vld [tilespmem:s11+$0x40];
	v4 =	vmul.f32 v4, v2  }
0xbd: {  	v8 =	vld [tilespmem:s11+$0x50];
	v1 =	vmul.f32 v1, v2;
	[tilespmem:s11+$0x0] =	vst v0  }
0xbe: {  	[tilespmem:s11+$0x30] =	vst v4;
	v0 =	vmul.f32 v3, v2  }
0xbf: {  	v3 =	vmul.f32 v5, v2;
	[tilespmem:s11+$0x10] =	vst v1  }
0xc0: {  	v1 =	vmul.f32 v6, v2;
	[tilespmem:s11+$0x70] =	vst v0  }
0xc1: {  	v0 =	vmul.f32 v7, v2;
	[tilespmem:s11+$0x20] =	vst v3  }
0xc2: {  	v2 =	vmul.f32 v8, v2;
	[tilespmem:s11+$0x60] =	vst v1  }
0xc3: {  	[tilespmem:s11+$0x40] =	vst v0  }
0xc4: {  	[tilespmem:s11+$0x50] =	vst v2;
	s11 =	sshll.u32 s10, $0x6  }
0xc5: {  	[spmem:s2] =	stream.indirect.scatter.add.f32 [tilespmem:s28], [sflag:$0x3], $0x80, s23, s26, $0xb8;
	[tilespmem:$0x1ED80] =	vst v63  }
0xc6: {  	s12 =	sadd.s32 s14, s11  }
0xc7: {  	_ =	swait.ge [sflag:s20], $0x3000;
	s13 =	smul.u32 $0xC, s12  }
0xc8: {  	[sflag:s20] =	ssyncset.done $0x0  }
0xc9: {  	s17 =	simm.s32 $0x0;
	[sflag:s20] =	ssyncadd.s32 $0xFFFFD000;
	s16 =	sadd.s32 s4, s13  }
0xca: {  	[tilespmem:s17], [sflag:$0x3] =	stream.linear.gather [hbm4b:s16+s17], $0x60, $0x38;
	[tilespmem:$0x1ED80] =	vst v63  }
0xcb: {  	_ =	swait.ge [sflag:s20], $0x60  }
0xcc: {  	[sflag:s20] =	ssyncset.done $0x0  }
0xcd: {  	s13 =	sadd.s32 s6, s13;
	[sflag:s20] =	ssyncadd.s32 $0xFFFFFFA0  }
0xce: {  	[tilespmem:s23], [sflag:$0x3] =	stream.linear.gather [hbm4b:s13+s17], $0x60, $0x38;
	[tilespmem:$0x1ED80] =	vst v63  }
0xcf: {  	_ =	swait.ge [sflag:s20], $0x60  }
0xd0: {  	[sflag:s20] =	ssyncset.done $0x0  }
0xd1: {  	[sflag:s20] =	ssyncadd.s32 $0xFFFFFFA0  }
0xd2: {  	_ =	swait.ge [sflag:s7], $0x3000  }
0xd3: {  	[sflag:s7] =	ssyncset.done $0x0  }
0xd4: {  	[sflag:s7] =	ssyncadd.s32 $0xFFFFD000  }
0xd5: {  	[tilespmem:s28], [sflag:$0x1] =	stream.indirect.gather [hbm4b:s1+s26], $0x80, s17, s26, $0xb8;
	[tilespmem:$0x1ED80] =	vst v63  }
0xd6: {  	v0 =	vld [tilespmem:$0x80]  }
0xd7: {  	v1 =	vld [tilespmem:$0x180];
	_ =	sdelay $0x6  }
0xd8: {  	v0 =	vld.idx.msk [tilespmem:v0+s19+$0x0], $0xffff  }
0xd9: {  	v1 =	vld.idx.msk [tilespmem:v1+s21+$0x0], $0xffff;
	_ =	sdelay $0x4  }
0xda: {  	v0 =	vadd.f32 v1, v0;
	_ =	sdelay $0x1  }
0xdb: {  	v1 =	vmul.f32 $1.442695020e+00, v0;
	_ =	sdelay $0x1  }
0xdc: {  	(erf) = vpow2.f32 v1;
	_ =	sdelay $0x5  }
0xdd: {  	v1 =	vld [tilespmem:$0x90]  }
0xde: {  	v2 =	vld [tilespmem:$0x190];
	_ =	sdelay $0x1  }
0xdf: {  	v3 =	vpop (erf)  }
0xe0: {  	v3 =	vadd.f32 $-1.000000000e+00, v3  }
0xe1: {  	vm0 =	vgt.f32 v0, $0.0e+00  }
0xe2: {  	v0 =	vsel vm0, v0, v3  }
0xe3: {  	[tilespmem:$0x1ED00] =	vst v0  }
0xe4: {  	v0 =	vld.idx.msk [tilespmem:v1+s19+$0x0], $0xffff  }
0xe5: {  	v1 =	vld.idx.msk [tilespmem:v2+s21+$0x0], $0xffff;
	_ =	sdelay $0x4  }
0xe6: {  	v0 =	vadd.f32 v1, v0;
	_ =	sdelay $0x1  }
0xe7: {  	v1 =	vmul.f32 $1.442695020e+00, v0;
	_ =	sdelay $0x1  }
0xe8: {  	(erf) = vpow2.f32 v1;
	_ =	sdelay $0x5  }
0xe9: {  	v1 =	vld [tilespmem:$0xA0]  }
0xea: {  	v2 =	vld [tilespmem:$0x1A0];
	_ =	sdelay $0x1  }
0xeb: {  	v3 =	vpop (erf)  }
0xec: {  	v3 =	vadd.f32 $-1.000000000e+00, v3  }
0xed: {  	vm11 =	vgt.f32 v0, $0.0e+00  }
0xee: {  	v0 =	vsel vm11, v0, v3  }
0xef: {  	[tilespmem:$0x1ED10] =	vst v0  }
0xf0: {  	v0 =	vld.idx.msk [tilespmem:v1+s19+$0x0], $0xffff  }
0xf1: {  	v1 =	vld.idx.msk [tilespmem:v2+s21+$0x0], $0xffff;
	_ =	sdelay $0x4  }
0xf2: {  	v0 =	vadd.f32 v1, v0;
	_ =	sdelay $0x1  }
0xf3: {  	v1 =	vmul.f32 $1.442695020e+00, v0;
	_ =	sdelay $0x1  }
0xf4: {  	(erf) = vpow2.f32 v1;
	_ =	sdelay $0x5  }
0xf5: {  	v1 =	vld [tilespmem:$0xB0]  }
0xf6: {  	v2 =	vld [tilespmem:$0x1B0];
	_ =	sdelay $0x1  }
0xf7: {  	v3 =	vpop (erf)  }
0xf8: {  	v3 =	vadd.f32 $-1.000000000e+00, v3  }
0xf9: {  	vm12 =	vgt.f32 v0, $0.0e+00  }
0xfa: {  	v0 =	vsel vm12, v0, v3  }
0xfb: {  	[tilespmem:$0x1ED20] =	vst v0  }
0xfc: {  	v0 =	vld.idx.msk [tilespmem:v1+s19+$0x0], $0xffff  }
0xfd: {  	v1 =	vld.idx.msk [tilespmem:v2+s21+$0x0], $0xffff;
	_ =	sdelay $0x4  }
0xfe: {  	v0 =	vadd.f32 v1, v0;
	_ =	sdelay $0x1  }
0xff: {  	v1 =	vmul.f32 $1.442695020e+00, v0;
	_ =	sdelay $0x1  }
0x100: {  	(erf) = vpow2.f32 v1;
	_ =	sdelay $0x5  }
0x101: {  	v1 =	vld [tilespmem:$0xC0]  }
0x102: {  	v2 =	vld [tilespmem:$0x1C0];
	_ =	sdelay $0x1  }
0x103: {  	v3 =	vpop (erf)  }
0x104: {  	v3 =	vadd.f32 $-1.000000000e+00, v3  }
0x105: {  	vm13 =	vgt.f32 v0, $0.0e+00  }
0x106: {  	v0 =	vsel vm13, v0, v3  }
0x107: {  	[tilespmem:$0x1ED30] =	vst v0  }
0x108: {  	v0 =	vld.idx.msk [tilespmem:v1+s19+$0x0], $0xffff  }
0x109: {  	v1 =	vld.idx.msk [tilespmem:v2+s21+$0x0], $0xffff;
	_ =	sdelay $0x4  }
0x10a: {  	v0 =	vadd.f32 v1, v0;
	_ =	sdelay $0x1  }
0x10b: {  	v1 =	vmul.f32 $1.442695020e+00, v0;
	_ =	sdelay $0x1  }
0x10c: {  	(erf) = vpow2.f32 v1;
	_ =	sdelay $0x5  }
0x10d: {  	v1 =	vld [tilespmem:$0xD0]  }
0x10e: {  	v2 =	vld [tilespmem:$0x1D0];
	_ =	sdelay $0x1  }
0x10f: {  	v3 =	vpop (erf)  }
0x110: {  	v3 =	vadd.f32 $-1.000000000e+00, v3  }
0x111: {  	vm14 =	vgt.f32 v0, $0.0e+00  }
0x112: {  	v0 =	vsel vm14, v0, v3  }
0x113: {  	[tilespmem:$0x1ED40] =	vst v0  }
0x114: {  	v0 =	vld.idx.msk [tilespmem:v1+s19+$0x0], $0xffff  }
0x115: {  	v1 =	vld.idx.msk [tilespmem:v2+s21+$0x0], $0xffff;
	_ =	sdelay $0x4  }
0x116: {  	v0 =	vadd.f32 v1, v0;
	_ =	sdelay $0x1  }
0x117: {  	v1 =	vmul.f32 $1.442695020e+00, v0;
	_ =	sdelay $0x1  }
0x118: {  	(erf) = vpow2.f32 v1;
	_ =	sdelay $0x8  }
0x119: {  	v1 =	vpop (erf)  }
0x11a: {  	v2 =	vmov s17;
	v1 =	vadd.f32 $-1.000000000e+00, v1  }
0x11b: {  	v2 =	vand.u32 $0xFFFFFFFE, v2;
	vm15 =	vgt.f32 v0, $0.0e+00  }
0x11c: {  	v0 =	vsel vm15, v0, v1;
	v1 =	vbroadcast v2, $0x0;
	_ =	sdelay $0x3  }
0x11d: {  	s12 =	simm.s32 $0x3280;
	[tilespmem:$0x1ED50] =	vst v0  }
0x11e: {  	v4 =	vld [tilespmem:s12+$0xFFFFFFF0]  }
0x11f: {  	v5 =	vld.idx.msk [tilespmem:v1+s5+$0x0], $0xffff  }
0x120: {  	v6 =	vld [tilespmem:s12+$0xFFFFFF80]  }
0x121: {  	v7 =	vld [tilespmem:s12+$0xFFFFFFA0]  }
0x122: {  	v3 =	vld [tilespmem:s12+$0xFFFFFFB0]  }
0x123: {  	v2 =	vld [tilespmem:s12+$0xFFFFFFD0]  }
0x124: {  	v9 =	vld [tilespmem:s12+$0xFFFFFF90];
	v4 =	vmul.f32 v4, v5  }
0x125: {  	v63 =	vld [tilespmem:s12+$0xFFFFFFE0];
	v6 =	vmul.f32 v6, v5  }
0x126: {  	v10 =	vld [tilespmem:s12+$0xFFFFFFC0];
	v7 =	vmul.f32 v7, v5;
	[tilespmem:s12+$0xFFFFFFF0] =	vst v4  }
0x127: {  	v3 =	vmul.f32 v3, v5;
	[tilespmem:s12+$0xFFFFFF80] =	vst v6  }
0x128: {  	s17 =	simm.s32 $0x1;
	v2 =	vmul.f32 v2, v5;
	[tilespmem:s12+$0xFFFFFFA0] =	vst v7  }
0x129: {  	v4 =	vmul.f32 v9, v5;
	[tilespmem:s12+$0xFFFFFFB0] =	vst v3;
	v6 =	vmov s17  }
0x12a: {  	v0 =	vld [tilespmem:s12+$0x0];
	v3 =	vmul.f32 v63, v5;
	[tilespmem:s12+$0xFFFFFFD0] =	vst v2  }
0x12b: {  	v1 =	vld [tilespmem:s12+$0x10];
	v2 =	vmul.f32 v10, v5;
	[tilespmem:s12+$0xFFFFFF90] =	vst v4  }
0x12c: {  	[tilespmem:s12+$0xFFFFFFE0] =	vst v3;
	v4 =	vld [tilespmem:s12+$0x30]  }
0x12d: {  	[tilespmem:s12+$0xFFFFFFC0] =	vst v2;
	v3 =	vld [tilespmem:s12+$0x70]  }
0x12e: {  	s16 =	simm.s32 $0x3280;
	s13 =	simm.s32 $0x2;
	v2 =	vld.idx.msk [tilespmem:v6+s5+$0x0], $0xffff  }
.LBB2_5:
0x12f: {  	p1 =	slt.u32 s13, $0x5E  }
0x130: {  	v5 =	vld [tilespmem:s12+$0x20];
	s16 =	sadd.s32 $0x100, s16;
	s17 =	smov.u32 s13;
	s13 =	sadd.s32 $0x2, s13  }
0x131: {  	v6 =	vld [tilespmem:s12+$0x40]  }
0x132: {  	v7 =	vld [tilespmem:s12+$0x50]  }
0x133: {  	v8 =	vld [tilespmem:s12+$0x60];
	_ =	sdelay $0x1  }
0x134: {  	v0 =	vmul.f32 v0, v2;
	v1 =	vmul.f32 v1, v2  }
0x135: {  	v4 =	vmul.f32 v4, v2;
	v5 =	vmul.f32 v5, v2  }
0x136: {  	v9 =	vmov s17;
	v6 =	vmul.f32 v6, v2;
	[tilespmem:s12+$0x0] =	vst v0;
	v7 =	vmul.f32 v7, v2  }
0x137: {  	v9 =	vand.u32 $0xFFFFFFFE, v9;
	v0 =	vld [tilespmem:s16+$0x0];
	[tilespmem:s12+$0x30] =	vst v4;
	v4 =	vmul.f32 v8, v2;
	v2 =	vmul.f32 v3, v2  }
0x138: {  	v3 =	vbroadcast v9, $0x0;
	[tilespmem:s12+$0x10] =	vst v1  }
0x139: {  	[tilespmem:s12+$0x70] =	vst v2  }
0x13a: {  	v2 =	vld [tilespmem:s16+$0xFFFFFFD0];
	[tilespmem:s12+$0x20] =	vst v5  }
0x13b: {  	v5 =	vld [tilespmem:s16+$0xFFFFFFB0];
	[tilespmem:s12+$0x60] =	vst v4  }
0x13c: {  	v4 =	vld [tilespmem:s16+$0xFFFFFFE0];
	[tilespmem:s12+$0x40] =	vst v6  }
0x13d: {  	v6 =	vld [tilespmem:s16+$0xFFFFFFF0];
	[tilespmem:s12+$0x50] =	vst v7;
	s12 =	smov.u32 s16  }
0x13e: {  	v3 =	vld.idx.msk [tilespmem:v3+s5+$0x0], $0xffff  }
0x13f: {  	v7 =	vld [tilespmem:s16+$0xFFFFFF80]  }
0x140: {  	v8 =	vld [tilespmem:s16+$0xFFFFFFA0]  }
0x141: {  	v9 =	vld [tilespmem:s16+$0xFFFFFF90]  }
0x142: {  	v10 =	vld [tilespmem:s16+$0xFFFFFFC0]  }
0x143: {  	v1 =	vld [tilespmem:s16+$0x10]  }
0x144: {  	v6 =	vmul.f32 v6, v3;
	v7 =	vmul.f32 v7, v3  }
0x145: {  	v4 =	vmul.f32 v4, v3;
	v8 =	vmul.f32 v8, v3  }
0x146: {  	v5 =	vmul.f32 v5, v3;
	v9 =	vmul.f32 v9, v3;
	[tilespmem:s16+$0xFFFFFFF0] =	vst v6  }
0x147: {  	v2 =	vmul.f32 v2, v3;
	[tilespmem:s16+$0xFFFFFF80] =	vst v7;
	v6 =	vmul.f32 v10, v3  }
0x148: {  	s17 =	sadd.s32 $0x1, s17;
	[tilespmem:s16+$0xFFFFFFA0] =	vst v8  }
0x149: {  	[tilespmem:s16+$0xFFFFFFB0] =	vst v5;
	v5 =	vmov s17  }
.Ltmp1:
0x14a: {  	[tilespmem:s16+$0xFFFFFFD0] =	vst v2;
	(pc) =	sbr.rel @p1 .LBB2_5-.Ltmp1, $4  }
0x14b: {  	[tilespmem:s16+$0xFFFFFF90] =	vst v9  }
0x14c: {  	[tilespmem:s16+$0xFFFFFFE0] =	vst v4;
	v4 =	vld [tilespmem:s16+$0x30]  }
0x14d: {  	[tilespmem:s16+$0xFFFFFFC0] =	vst v6;
	v3 =	vld [tilespmem:s16+$0x70]  }
0x14e: {  	v2 =	vld.idx.msk [tilespmem:v5+s5+$0x0], $0xffff  }
0x14f: {  	_ =	sdelay $0x2  }
0x150: {  	v5 =	vld [tilespmem:s12+$0x20]  }
0x151: {  	v6 =	vld [tilespmem:s12+$0x60];
	v0 =	vmul.f32 v0, v2  }
0x152: {  	v7 =	vld [tilespmem:s12+$0x40];
	v4 =	vmul.f32 v4, v2  }
0x153: {  	v8 =	vld [tilespmem:s12+$0x50];
	v1 =	vmul.f32 v1, v2;
	[tilespmem:s12+$0x0] =	vst v0  }
0x154: {  	v59 =	vmul.f32 v3, v2;
	[tilespmem:s12+$0x30] =	vst v4  }
0x155: {  	v60 =	vmul.f32 v5, v2;
	[tilespmem:s12+$0x10] =	vst v1  }
0x156: {  	v61 =	vmul.f32 v6, v2;
	[tilespmem:s12+$0x70] =	vst v59  }
0x157: {  	v62 =	vmul.f32 v7, v2;
	[tilespmem:s12+$0x20] =	vst v60  }
0x158: {  	v63 =	vmul.f32 v8, v2;
	[tilespmem:s12+$0x60] =	vst v61  }
0x159: {  	[tilespmem:s12+$0x40] =	vst v62  }
0x15a: {  	s11 =	sadd.s32 s15, s11;
	[tilespmem:s12+$0x50] =	vst v63  }
0x15b: {  	[spmem:s2] =	stream.indirect.scatter.add.f32 [tilespmem:s0], [sflag:$0x3], $0x80, s30, s26, $0xb8;
	[tilespmem:$0x1ED80] =	vst v63  }
0x15c: {  	s11 =	smul.u32 $0xC, s11;
	_ =	swait.ge [sflag:s20], $0x3000  }
0x15d: {  	[sflag:s20] =	ssyncset.done $0x0  }
0x15e: {  	s17 =	sadd.s32 s4, s11;
	[sflag:s20] =	ssyncadd.s32 $0xFFFFD000  }
0x15f: {  	[tilespmem:s29], [sflag:$0x3] =	stream.linear.gather [hbm4b:s17+s3], $0x60, $0x38;
	[tilespmem:$0x1ED80] =	vst v63  }
0x160: {  	s10 =	sadd.s32 $0x1, s10;
	_ =	swait.ge [sflag:s20], $0x60  }
0x161: {  	p1 =	sne.s32 s10, $0x34;
	[sflag:s20] =	ssyncset.done $0x0  }
.Ltmp2:
0x162: {  	s11 =	sadd.s32 s6, s11;
	[sflag:s20] =	ssyncadd.s32 $0xFFFFFFA0;
	(pc) =	sbr.rel @p1 .LBB2_2-.Ltmp2, $4  }
0x163: {  	[tilespmem:s30], [sflag:$0x3] =	stream.linear.gather [hbm4b:s11+s3], $0x60, $0x38;
	[tilespmem:$0x1ED80] =	vst v63  }
0x164: {  	_ =	swait.ge [sflag:s20], $0x60  }
0x165: {  	[sflag:s20] =	ssyncset.done $0x0  }
0x166: {  	[sflag:s20] =	ssyncadd.s32 $0xFFFFFFA0  }
0x167: {  	_ =	swait.ge [sflag:s31], $0x3000  }
0x168: {  	[sflag:s31] =	ssyncset.done $0x0  }
0x169: {  	[sflag:s31] =	ssyncadd.s32 $0xFFFFD000  }
0x16a: {  	[tilespmem:s0], [sflag:$0x2] =	stream.indirect.gather [hbm4b:s1+s26], $0x80, s29, s26, $0xb8;
	[tilespmem:$0x1ED80] =	vst v63  }
0x16b: {  	v0 =	vld [tilespmem:$0x0]  }
0x16c: {  	v1 =	vld [tilespmem:$0x100];
	_ =	sdelay $0x6  }
0x16d: {  	v0 =	vld.idx.msk [tilespmem:v0+s19+$0x0], $0xffff  }
0x16e: {  	v1 =	vld.idx.msk [tilespmem:v1+s21+$0x0], $0xffff;
	_ =	sdelay $0x4  }
0x16f: {  	v0 =	vadd.f32 v1, v0;
	_ =	sdelay $0x1  }
0x170: {  	v1 =	vmul.f32 $1.442695020e+00, v0;
	_ =	sdelay $0x1  }
0x171: {  	(erf) = vpow2.f32 v1;
	_ =	sdelay $0x5  }
0x172: {  	v1 =	vld [tilespmem:$0x10]  }
0x173: {  	v2 =	vld [tilespmem:$0x110];
	_ =	sdelay $0x1  }
0x174: {  	v3 =	vpop (erf)  }
0x175: {  	v3 =	vadd.f32 $-1.000000000e+00, v3  }
0x176: {  	vm0 =	vgt.f32 v0, $0.0e+00  }
0x177: {  	v0 =	vsel vm0, v0, v3  }
0x178: {  	[tilespmem:$0x1ED00] =	vst v0  }
0x179: {  	v0 =	vld.idx.msk [tilespmem:v1+s19+$0x0], $0xffff  }
0x17a: {  	v1 =	vld.idx.msk [tilespmem:v2+s21+$0x0], $0xffff;
	_ =	sdelay $0x4  }
0x17b: {  	v0 =	vadd.f32 v1, v0;
	_ =	sdelay $0x1  }
0x17c: {  	v1 =	vmul.f32 $1.442695020e+00, v0;
	_ =	sdelay $0x1  }
0x17d: {  	(erf) = vpow2.f32 v1;
	_ =	sdelay $0x5  }
0x17e: {  	v1 =	vld [tilespmem:$0x20]  }
0x17f: {  	v2 =	vld [tilespmem:$0x120];
	_ =	sdelay $0x1  }
0x180: {  	v3 =	vpop (erf)  }
0x181: {  	v3 =	vadd.f32 $-1.000000000e+00, v3  }
0x182: {  	vm11 =	vgt.f32 v0, $0.0e+00  }
0x183: {  	v0 =	vsel vm11, v0, v3  }
0x184: {  	[tilespmem:$0x1ED10] =	vst v0  }
0x185: {  	v0 =	vld.idx.msk [tilespmem:v1+s19+$0x0], $0xffff  }
0x186: {  	v1 =	vld.idx.msk [tilespmem:v2+s21+$0x0], $0xffff;
	_ =	sdelay $0x4  }
0x187: {  	v0 =	vadd.f32 v1, v0;
	_ =	sdelay $0x1  }
0x188: {  	v1 =	vmul.f32 $1.442695020e+00, v0;
	_ =	sdelay $0x1  }
0x189: {  	(erf) = vpow2.f32 v1;
	_ =	sdelay $0x5  }
0x18a: {  	v1 =	vld [tilespmem:$0x30]  }
0x18b: {  	v2 =	vld [tilespmem:$0x130];
	_ =	sdelay $0x1  }
0x18c: {  	v3 =	vpop (erf)  }
0x18d: {  	v3 =	vadd.f32 $-1.000000000e+00, v3  }
0x18e: {  	vm12 =	vgt.f32 v0, $0.0e+00  }
0x18f: {  	v0 =	vsel vm12, v0, v3  }
0x190: {  	[tilespmem:$0x1ED20] =	vst v0  }
0x191: {  	v0 =	vld.idx.msk [tilespmem:v1+s19+$0x0], $0xffff  }
0x192: {  	v1 =	vld.idx.msk [tilespmem:v2+s21+$0x0], $0xffff;
	_ =	sdelay $0x4  }
0x193: {  	v0 =	vadd.f32 v1, v0;
	_ =	sdelay $0x1  }
0x194: {  	v1 =	vmul.f32 $1.442695020e+00, v0;
	_ =	sdelay $0x1  }
0x195: {  	(erf) = vpow2.f32 v1;
	_ =	sdelay $0x5  }
0x196: {  	v1 =	vld [tilespmem:$0x40]  }
0x197: {  	v2 =	vld [tilespmem:$0x140];
	_ =	sdelay $0x1  }
0x198: {  	v3 =	vpop (erf)  }
0x199: {  	v3 =	vadd.f32 $-1.000000000e+00, v3  }
0x19a: {  	vm13 =	vgt.f32 v0, $0.0e+00  }
0x19b: {  	v0 =	vsel vm13, v0, v3  }
0x19c: {  	[tilespmem:$0x1ED30] =	vst v0  }
0x19d: {  	v0 =	vld.idx.msk [tilespmem:v1+s19+$0x0], $0xffff  }
0x19e: {  	v1 =	vld.idx.msk [tilespmem:v2+s21+$0x0], $0xffff;
	_ =	sdelay $0x4  }
0x19f: {  	v0 =	vadd.f32 v1, v0;
	_ =	sdelay $0x1  }
0x1a0: {  	v1 =	vmul.f32 $1.442695020e+00, v0;
	_ =	sdelay $0x1  }
0x1a1: {  	(erf) = vpow2.f32 v1;
	_ =	sdelay $0x5  }
0x1a2: {  	v1 =	vld [tilespmem:$0x50]  }
0x1a3: {  	v2 =	vld [tilespmem:$0x150];
	_ =	sdelay $0x1  }
0x1a4: {  	v3 =	vpop (erf)  }
0x1a5: {  	v3 =	vadd.f32 $-1.000000000e+00, v3  }
0x1a6: {  	vm14 =	vgt.f32 v0, $0.0e+00  }
0x1a7: {  	v0 =	vsel vm14, v0, v3  }
0x1a8: {  	[tilespmem:$0x1ED40] =	vst v0  }
0x1a9: {  	v0 =	vld.idx.msk [tilespmem:v1+s19+$0x0], $0xffff  }
0x1aa: {  	v1 =	vld.idx.msk [tilespmem:v2+s21+$0x0], $0xffff;
	_ =	sdelay $0x4  }
0x1ab: {  	v0 =	vadd.f32 v1, v0;
	_ =	sdelay $0x1  }
0x1ac: {  	v1 =	vmul.f32 $1.442695020e+00, v0;
	_ =	sdelay $0x1  }
0x1ad: {  	(erf) = vpow2.f32 v1;
	_ =	sdelay $0x8  }
0x1ae: {  	s10 =	simm.s32 $0x0;
	v1 =	vpop (erf)  }
0x1af: {  	v2 =	vmov s10;
	v1 =	vadd.f32 $-1.000000000e+00, v1  }
0x1b0: {  	v2 =	vand.u32 $0xFFFFFFFE, v2;
	vm15 =	vgt.f32 v0, $0.0e+00  }
0x1b1: {  	v0 =	vsel vm15, v0, v1;
	v1 =	vbroadcast v2, $0x0;
	_ =	sdelay $0x3  }
0x1b2: {  	s10 =	simm.s32 $0x280;
	[tilespmem:$0x1ED50] =	vst v0  }
0x1b3: {  	v4 =	vld [tilespmem:s10+$0xFFFFFFF0]  }
0x1b4: {  	v5 =	vld.idx.msk [tilespmem:v1+s5+$0x0], $0xffff  }
0x1b5: {  	v6 =	vld [tilespmem:s10+$0xFFFFFF80]  }
0x1b6: {  	v7 =	vld [tilespmem:s10+$0xFFFFFFA0]  }
0x1b7: {  	v3 =	vld [tilespmem:s10+$0xFFFFFFB0]  }
0x1b8: {  	v2 =	vld [tilespmem:s10+$0xFFFFFFD0]  }
0x1b9: {  	v9 =	vld [tilespmem:s10+$0xFFFFFF90];
	v4 =	vmul.f32 v4, v5  }
0x1ba: {  	v8 =	vld [tilespmem:s10+$0xFFFFFFE0];
	v6 =	vmul.f32 v6, v5  }
0x1bb: {  	v10 =	vld [tilespmem:s10+$0xFFFFFFC0];
	v7 =	vmul.f32 v7, v5;
	[tilespmem:s10+$0xFFFFFFF0] =	vst v4  }
0x1bc: {  	v3 =	vmul.f32 v3, v5;
	[tilespmem:s10+$0xFFFFFF80] =	vst v6  }
0x1bd: {  	s11 =	simm.s32 $0x1;
	v2 =	vmul.f32 v2, v5;
	[tilespmem:s10+$0xFFFFFFA0] =	vst v7  }
0x1be: {  	v4 =	vmul.f32 v9, v5;
	[tilespmem:s10+$0xFFFFFFB0] =	vst v3;
	v6 =	vmov s11  }
0x1bf: {  	v0 =	vld [tilespmem:s10+$0x0];
	v3 =	vmul.f32 v8, v5;
	[tilespmem:s10+$0xFFFFFFD0] =	vst v2  }
0x1c0: {  	v1 =	vld [tilespmem:s10+$0x10];
	v2 =	vmul.f32 v10, v5;
	[tilespmem:s10+$0xFFFFFF90] =	vst v4  }
0x1c1: {  	[tilespmem:s10+$0xFFFFFFE0] =	vst v3;
	v4 =	vld [tilespmem:s10+$0x30]  }
0x1c2: {  	[tilespmem:s10+$0xFFFFFFC0] =	vst v2;
	v3 =	vld [tilespmem:s10+$0x70]  }
0x1c3: {  	s12 =	simm.s32 $0x280;
	s11 =	simm.s32 $0x2;
	v2 =	vld.idx.msk [tilespmem:v6+s5+$0x0], $0xffff  }
.LBB2_8:
0x1c4: {  	p1 =	slt.u32 s11, $0x5E  }
0x1c5: {  	v5 =	vld [tilespmem:s10+$0x20];
	s12 =	sadd.s32 $0x100, s12;
	s13 =	smov.u32 s11;
	s11 =	sadd.s32 $0x2, s11  }
0x1c6: {  	v6 =	vld [tilespmem:s10+$0x40]  }
0x1c7: {  	v7 =	vld [tilespmem:s10+$0x50]  }
0x1c8: {  	v8 =	vld [tilespmem:s10+$0x60];
	_ =	sdelay $0x1  }
0x1c9: {  	v0 =	vmul.f32 v0, v2;
	v1 =	vmul.f32 v1, v2  }
0x1ca: {  	v4 =	vmul.f32 v4, v2;
	v5 =	vmul.f32 v5, v2  }
0x1cb: {  	v9 =	vmov s13;
	v6 =	vmul.f32 v6, v2;
	[tilespmem:s10+$0x0] =	vst v0;
	v7 =	vmul.f32 v7, v2  }
0x1cc: {  	v9 =	vand.u32 $0xFFFFFFFE, v9;
	v0 =	vld [tilespmem:s12+$0x0];
	[tilespmem:s10+$0x30] =	vst v4;
	v4 =	vmul.f32 v8, v2;
	v2 =	vmul.f32 v3, v2  }
0x1cd: {  	v3 =	vbroadcast v9, $0x0;
	[tilespmem:s10+$0x10] =	vst v1  }
0x1ce: {  	[tilespmem:s10+$0x70] =	vst v2  }
0x1cf: {  	v2 =	vld [tilespmem:s12+$0xFFFFFFD0];
	[tilespmem:s10+$0x20] =	vst v5  }
0x1d0: {  	v5 =	vld [tilespmem:s12+$0xFFFFFFB0];
	[tilespmem:s10+$0x60] =	vst v4  }
0x1d1: {  	v4 =	vld [tilespmem:s12+$0xFFFFFFE0];
	[tilespmem:s10+$0x40] =	vst v6  }
0x1d2: {  	v6 =	vld [tilespmem:s12+$0xFFFFFFF0];
	[tilespmem:s10+$0x50] =	vst v7;
	s10 =	smov.u32 s12  }
0x1d3: {  	v3 =	vld.idx.msk [tilespmem:v3+s5+$0x0], $0xffff  }
0x1d4: {  	v7 =	vld [tilespmem:s12+$0xFFFFFF80]  }
0x1d5: {  	v8 =	vld [tilespmem:s12+$0xFFFFFFA0]  }
0x1d6: {  	v9 =	vld [tilespmem:s12+$0xFFFFFF90]  }
0x1d7: {  	v10 =	vld [tilespmem:s12+$0xFFFFFFC0]  }
0x1d8: {  	v1 =	vld [tilespmem:s12+$0x10]  }
0x1d9: {  	v6 =	vmul.f32 v6, v3;
	v7 =	vmul.f32 v7, v3  }
0x1da: {  	v4 =	vmul.f32 v4, v3;
	v8 =	vmul.f32 v8, v3  }
0x1db: {  	v5 =	vmul.f32 v5, v3;
	v9 =	vmul.f32 v9, v3;
	[tilespmem:s12+$0xFFFFFFF0] =	vst v6  }
0x1dc: {  	v2 =	vmul.f32 v2, v3;
	[tilespmem:s12+$0xFFFFFF80] =	vst v7;
	v6 =	vmul.f32 v10, v3  }
0x1dd: {  	s13 =	sadd.s32 $0x1, s13;
	[tilespmem:s12+$0xFFFFFFA0] =	vst v8  }
0x1de: {  	[tilespmem:s12+$0xFFFFFFB0] =	vst v5;
	v5 =	vmov s13  }
.Ltmp3:
0x1df: {  	[tilespmem:s12+$0xFFFFFFD0] =	vst v2;
	(pc) =	sbr.rel @p1 .LBB2_8-.Ltmp3, $4  }
0x1e0: {  	[tilespmem:s12+$0xFFFFFF90] =	vst v9  }
0x1e1: {  	[tilespmem:s12+$0xFFFFFFE0] =	vst v4;
	v4 =	vld [tilespmem:s12+$0x30]  }
0x1e2: {  	[tilespmem:s12+$0xFFFFFFC0] =	vst v6;
	v3 =	vld [tilespmem:s12+$0x70]  }
0x1e3: {  	v2 =	vld.idx.msk [tilespmem:v5+s5+$0x0], $0xffff  }
0x1e4: {  	_ =	sdelay $0x2  }
0x1e5: {  	v5 =	vld [tilespmem:s10+$0x20]  }
0x1e6: {  	v6 =	vld [tilespmem:s10+$0x60];
	v0 =	vmul.f32 v0, v2  }
0x1e7: {  	v7 =	vld [tilespmem:s10+$0x40];
	v4 =	vmul.f32 v4, v2  }
0x1e8: {  	v8 =	vld [tilespmem:s10+$0x50];
	v1 =	vmul.f32 v1, v2;
	[tilespmem:s10+$0x0] =	vst v0  }
0x1e9: {  	[tilespmem:s10+$0x30] =	vst v4;
	v0 =	vmul.f32 v3, v2  }
0x1ea: {  	v3 =	vmul.f32 v5, v2;
	[tilespmem:s10+$0x10] =	vst v1  }
0x1eb: {  	v1 =	vmul.f32 v6, v2;
	[tilespmem:s10+$0x70] =	vst v0  }
0x1ec: {  	v0 =	vmul.f32 v7, v2;
	[tilespmem:s10+$0x20] =	vst v3  }
0x1ed: {  	v2 =	vmul.f32 v8, v2;
	[tilespmem:s10+$0x60] =	vst v1  }
0x1ee: {  	[tilespmem:s10+$0x40] =	vst v0  }
0x1ef: {  	[tilespmem:s10+$0x50] =	vst v2  }
0x1f0: {  	[spmem:s2] =	stream.indirect.scatter.add.f32 [tilespmem:s28], [sflag:$0x3], $0x80, s23, s26, $0xb8;
	[tilespmem:$0x1ED80] =	vst v63  }
0x1f1: {  	_ =	swait.ge [sflag:s20], $0x3000  }
0x1f2: {  	[sflag:s20] =	ssyncset.done $0x0  }
0x1f3: {  	[sflag:s20] =	ssyncadd.s32 $0xFFFFD000  }
0x1f4: {  	_ =	swait.ge [sflag:s7], $0x3000  }
0x1f5: {  	[sflag:s7] =	ssyncset.done $0x0  }
0x1f6: {  	[sflag:s7] =	ssyncadd.s32 $0xFFFFD000  }
0x1f7: {  	v0 =	vld [tilespmem:$0x80]  }
0x1f8: {  	v1 =	vld [tilespmem:$0x180];
	_ =	sdelay $0x6  }
0x1f9: {  	v0 =	vld.idx.msk [tilespmem:v0+s19+$0x0], $0xffff  }
0x1fa: {  	v1 =	vld.idx.msk [tilespmem:v1+s21+$0x0], $0xffff;
	_ =	sdelay $0x4  }
0x1fb: {  	v0 =	vadd.f32 v1, v0;
	_ =	sdelay $0x1  }
0x1fc: {  	v1 =	vmul.f32 $1.442695020e+00, v0;
	_ =	sdelay $0x1  }
0x1fd: {  	(erf) = vpow2.f32 v1;
	_ =	sdelay $0x5  }
0x1fe: {  	v1 =	vld [tilespmem:$0x90]  }
0x1ff: {  	v2 =	vld [tilespmem:$0x190];
	_ =	sdelay $0x1  }
0x200: {  	v3 =	vpop (erf)  }
0x201: {  	v3 =	vadd.f32 $-1.000000000e+00, v3  }
0x202: {  	vm0 =	vgt.f32 v0, $0.0e+00  }
0x203: {  	v0 =	vsel vm0, v0, v3  }
0x204: {  	[tilespmem:$0x1ED00] =	vst v0  }
0x205: {  	v0 =	vld.idx.msk [tilespmem:v1+s19+$0x0], $0xffff  }
0x206: {  	v1 =	vld.idx.msk [tilespmem:v2+s21+$0x0], $0xffff;
	_ =	sdelay $0x4  }
0x207: {  	v0 =	vadd.f32 v1, v0;
	_ =	sdelay $0x1  }
0x208: {  	v1 =	vmul.f32 $1.442695020e+00, v0;
	_ =	sdelay $0x1  }
0x209: {  	(erf) = vpow2.f32 v1;
	_ =	sdelay $0x5  }
0x20a: {  	v1 =	vld [tilespmem:$0xA0]  }
0x20b: {  	v2 =	vld [tilespmem:$0x1A0];
	_ =	sdelay $0x1  }
0x20c: {  	v3 =	vpop (erf)  }
0x20d: {  	v3 =	vadd.f32 $-1.000000000e+00, v3  }
0x20e: {  	vm11 =	vgt.f32 v0, $0.0e+00  }
0x20f: {  	v0 =	vsel vm11, v0, v3  }
0x210: {  	[tilespmem:$0x1ED10] =	vst v0  }
0x211: {  	v0 =	vld.idx.msk [tilespmem:v1+s19+$0x0], $0xffff  }
0x212: {  	v1 =	vld.idx.msk [tilespmem:v2+s21+$0x0], $0xffff;
	_ =	sdelay $0x4  }
0x213: {  	v0 =	vadd.f32 v1, v0;
	_ =	sdelay $0x1  }
0x214: {  	v1 =	vmul.f32 $1.442695020e+00, v0;
	_ =	sdelay $0x1  }
0x215: {  	(erf) = vpow2.f32 v1;
	_ =	sdelay $0x5  }
0x216: {  	v1 =	vld [tilespmem:$0xB0]  }
0x217: {  	v2 =	vld [tilespmem:$0x1B0];
	_ =	sdelay $0x1  }
0x218: {  	v3 =	vpop (erf)  }
0x219: {  	v3 =	vadd.f32 $-1.000000000e+00, v3  }
0x21a: {  	vm12 =	vgt.f32 v0, $0.0e+00  }
0x21b: {  	v0 =	vsel vm12, v0, v3  }
0x21c: {  	[tilespmem:$0x1ED20] =	vst v0  }
0x21d: {  	v0 =	vld.idx.msk [tilespmem:v1+s19+$0x0], $0xffff  }
0x21e: {  	v1 =	vld.idx.msk [tilespmem:v2+s21+$0x0], $0xffff;
	_ =	sdelay $0x4  }
0x21f: {  	v0 =	vadd.f32 v1, v0;
	_ =	sdelay $0x1  }
0x220: {  	v1 =	vmul.f32 $1.442695020e+00, v0;
	_ =	sdelay $0x1  }
0x221: {  	(erf) = vpow2.f32 v1;
	_ =	sdelay $0x5  }
0x222: {  	v1 =	vld [tilespmem:$0xC0]  }
0x223: {  	v2 =	vld [tilespmem:$0x1C0];
	_ =	sdelay $0x1  }
0x224: {  	v3 =	vpop (erf)  }
0x225: {  	v3 =	vadd.f32 $-1.000000000e+00, v3  }
0x226: {  	vm13 =	vgt.f32 v0, $0.0e+00  }
0x227: {  	v0 =	vsel vm13, v0, v3  }
0x228: {  	[tilespmem:$0x1ED30] =	vst v0  }
0x229: {  	v0 =	vld.idx.msk [tilespmem:v1+s19+$0x0], $0xffff  }
0x22a: {  	v1 =	vld.idx.msk [tilespmem:v2+s21+$0x0], $0xffff;
	_ =	sdelay $0x4  }
0x22b: {  	v0 =	vadd.f32 v1, v0;
	_ =	sdelay $0x1  }
0x22c: {  	v1 =	vmul.f32 $1.442695020e+00, v0;
	_ =	sdelay $0x1  }
0x22d: {  	(erf) = vpow2.f32 v1;
	_ =	sdelay $0x5  }
0x22e: {  	v1 =	vld [tilespmem:$0xD0]  }
0x22f: {  	v2 =	vld [tilespmem:$0x1D0];
	_ =	sdelay $0x1  }
0x230: {  	v3 =	vpop (erf)  }
0x231: {  	v3 =	vadd.f32 $-1.000000000e+00, v3  }
0x232: {  	vm14 =	vgt.f32 v0, $0.0e+00  }
0x233: {  	v0 =	vsel vm14, v0, v3  }
0x234: {  	[tilespmem:$0x1ED40] =	vst v0  }
0x235: {  	v0 =	vld.idx.msk [tilespmem:v1+s19+$0x0], $0xffff  }
0x236: {  	v1 =	vld.idx.msk [tilespmem:v2+s21+$0x0], $0xffff;
	_ =	sdelay $0x4  }
0x237: {  	v0 =	vadd.f32 v1, v0;
	_ =	sdelay $0x1  }
0x238: {  	v1 =	vmul.f32 $1.442695020e+00, v0;
	_ =	sdelay $0x1  }
0x239: {  	(erf) = vpow2.f32 v1;
	_ =	sdelay $0x8  }
0x23a: {  	s17 =	simm.s32 $0x0;
	v1 =	vpop (erf)  }
0x23b: {  	v2 =	vmov s17;
	v1 =	vadd.f32 $-1.000000000e+00, v1  }
0x23c: {  	v2 =	vand.u32 $0xFFFFFFFE, v2;
	vm15 =	vgt.f32 v0, $0.0e+00  }
0x23d: {  	v0 =	vsel vm15, v0, v1;
	v1 =	vbroadcast v2, $0x0;
	_ =	sdelay $0x3  }
0x23e: {  	s10 =	simm.s32 $0x3280;
	[tilespmem:$0x1ED50] =	vst v0  }
0x23f: {  	v4 =	vld [tilespmem:s10+$0xFFFFFFF0]  }
0x240: {  	v5 =	vld.idx.msk [tilespmem:v1+s5+$0x0], $0xffff  }
0x241: {  	v6 =	vld [tilespmem:s10+$0xFFFFFF80]  }
0x242: {  	v7 =	vld [tilespmem:s10+$0xFFFFFFA0]  }
0x243: {  	v3 =	vld [tilespmem:s10+$0xFFFFFFB0]  }
0x244: {  	v2 =	vld [tilespmem:s10+$0xFFFFFFD0]  }
0x245: {  	v9 =	vld [tilespmem:s10+$0xFFFFFF90];
	v4 =	vmul.f32 v4, v5  }
0x246: {  	v63 =	vld [tilespmem:s10+$0xFFFFFFE0];
	v6 =	vmul.f32 v6, v5  }
0x247: {  	v10 =	vld [tilespmem:s10+$0xFFFFFFC0];
	v7 =	vmul.f32 v7, v5;
	[tilespmem:s10+$0xFFFFFFF0] =	vst v4  }
0x248: {  	v3 =	vmul.f32 v3, v5;
	[tilespmem:s10+$0xFFFFFF80] =	vst v6  }
0x249: {  	s11 =	simm.s32 $0x1;
	v2 =	vmul.f32 v2, v5;
	[tilespmem:s10+$0xFFFFFFA0] =	vst v7  }
0x24a: {  	v4 =	vmul.f32 v9, v5;
	[tilespmem:s10+$0xFFFFFFB0] =	vst v3;
	v6 =	vmov s11  }
0x24b: {  	v0 =	vld [tilespmem:s10+$0x0];
	v3 =	vmul.f32 v63, v5;
	[tilespmem:s10+$0xFFFFFFD0] =	vst v2  }
0x24c: {  	v1 =	vld [tilespmem:s10+$0x10];
	v2 =	vmul.f32 v10, v5;
	[tilespmem:s10+$0xFFFFFF90] =	vst v4  }
0x24d: {  	[tilespmem:s10+$0xFFFFFFE0] =	vst v3;
	v4 =	vld [tilespmem:s10+$0x30]  }
0x24e: {  	[tilespmem:s10+$0xFFFFFFC0] =	vst v2;
	v3 =	vld [tilespmem:s10+$0x70]  }
0x24f: {  	s12 =	simm.s32 $0x3280;
	s11 =	simm.s32 $0x2;
	v2 =	vld.idx.msk [tilespmem:v6+s5+$0x0], $0xffff  }
.LBB2_10:
0x250: {  	p1 =	slt.u32 s11, $0x5E  }
0x251: {  	v5 =	vld [tilespmem:s10+$0x20];
	s12 =	sadd.s32 $0x100, s12;
	s13 =	smov.u32 s11;
	s11 =	sadd.s32 $0x2, s11  }
0x252: {  	v6 =	vld [tilespmem:s10+$0x40]  }
0x253: {  	v7 =	vld [tilespmem:s10+$0x50]  }
0x254: {  	v8 =	vld [tilespmem:s10+$0x60];
	_ =	sdelay $0x1  }
0x255: {  	v0 =	vmul.f32 v0, v2;
	v1 =	vmul.f32 v1, v2  }
0x256: {  	v4 =	vmul.f32 v4, v2;
	v5 =	vmul.f32 v5, v2  }
0x257: {  	v9 =	vmov s13;
	v6 =	vmul.f32 v6, v2;
	[tilespmem:s10+$0x0] =	vst v0;
	v7 =	vmul.f32 v7, v2  }
0x258: {  	v9 =	vand.u32 $0xFFFFFFFE, v9;
	v0 =	vld [tilespmem:s12+$0x0];
	[tilespmem:s10+$0x30] =	vst v4;
	v4 =	vmul.f32 v8, v2;
	v2 =	vmul.f32 v3, v2  }
0x259: {  	v3 =	vbroadcast v9, $0x0;
	[tilespmem:s10+$0x10] =	vst v1  }
0x25a: {  	[tilespmem:s10+$0x70] =	vst v2  }
0x25b: {  	v2 =	vld [tilespmem:s12+$0xFFFFFFD0];
	[tilespmem:s10+$0x20] =	vst v5  }
0x25c: {  	v5 =	vld [tilespmem:s12+$0xFFFFFFB0];
	[tilespmem:s10+$0x60] =	vst v4  }
0x25d: {  	v4 =	vld [tilespmem:s12+$0xFFFFFFE0];
	[tilespmem:s10+$0x40] =	vst v6  }
0x25e: {  	v6 =	vld [tilespmem:s12+$0xFFFFFFF0];
	[tilespmem:s10+$0x50] =	vst v7;
	s10 =	smov.u32 s12  }
0x25f: {  	v3 =	vld.idx.msk [tilespmem:v3+s5+$0x0], $0xffff  }
0x260: {  	v7 =	vld [tilespmem:s12+$0xFFFFFF80]  }
0x261: {  	v8 =	vld [tilespmem:s12+$0xFFFFFFA0]  }
0x262: {  	v9 =	vld [tilespmem:s12+$0xFFFFFF90]  }
0x263: {  	v10 =	vld [tilespmem:s12+$0xFFFFFFC0]  }
0x264: {  	v1 =	vld [tilespmem:s12+$0x10]  }
0x265: {  	v6 =	vmul.f32 v6, v3;
	v7 =	vmul.f32 v7, v3  }
0x266: {  	v4 =	vmul.f32 v4, v3;
	v8 =	vmul.f32 v8, v3  }
0x267: {  	v5 =	vmul.f32 v5, v3;
	v9 =	vmul.f32 v9, v3;
	[tilespmem:s12+$0xFFFFFFF0] =	vst v6  }
0x268: {  	v2 =	vmul.f32 v2, v3;
	[tilespmem:s12+$0xFFFFFF80] =	vst v7;
	v6 =	vmul.f32 v10, v3  }
0x269: {  	s13 =	sadd.s32 $0x1, s13;
	[tilespmem:s12+$0xFFFFFFA0] =	vst v8  }
0x26a: {  	[tilespmem:s12+$0xFFFFFFB0] =	vst v5;
	v5 =	vmov s13  }
.Ltmp4:
0x26b: {  	[tilespmem:s12+$0xFFFFFFD0] =	vst v2;
	(pc) =	sbr.rel @p1 .LBB2_10-.Ltmp4, $4  }
0x26c: {  	[tilespmem:s12+$0xFFFFFF90] =	vst v9  }
0x26d: {  	[tilespmem:s12+$0xFFFFFFE0] =	vst v4;
	v4 =	vld [tilespmem:s12+$0x30]  }
0x26e: {  	[tilespmem:s12+$0xFFFFFFC0] =	vst v6;
	v3 =	vld [tilespmem:s12+$0x70]  }
0x26f: {  	v2 =	vld.idx.msk [tilespmem:v5+s5+$0x0], $0xffff  }
0x270: {  	_ =	sdelay $0x2  }
0x271: {  	v5 =	vld [tilespmem:s10+$0x20]  }
0x272: {  	v6 =	vld [tilespmem:s10+$0x60];
	v0 =	vmul.f32 v0, v2  }
0x273: {  	v7 =	vld [tilespmem:s10+$0x40];
	v4 =	vmul.f32 v4, v2  }
0x274: {  	v8 =	vld [tilespmem:s10+$0x50];
	v1 =	vmul.f32 v1, v2;
	[tilespmem:s10+$0x0] =	vst v0  }
0x275: {  	v59 =	vmul.f32 v3, v2;
	[tilespmem:s10+$0x30] =	vst v4  }
0x276: {  	v60 =	vmul.f32 v5, v2;
	[tilespmem:s10+$0x10] =	vst v1  }
0x277: {  	v61 =	vmul.f32 v6, v2;
	[tilespmem:s10+$0x70] =	vst v59  }
0x278: {  	v62 =	vmul.f32 v7, v2;
	[tilespmem:s10+$0x20] =	vst v60  }
0x279: {  	v63 =	vmul.f32 v8, v2;
	[tilespmem:s10+$0x60] =	vst v61  }
0x27a: {  	[tilespmem:s10+$0x40] =	vst v62  }
0x27b: {  	[tilespmem:s10+$0x50] =	vst v63  }
0x27c: {  	[spmem:s2] =	stream.indirect.scatter.add.f32 [tilespmem:s0], [sflag:$0x3], $0x80, s30, s26, $0xb8;
	[tilespmem:$0x1ED80] =	vst v63  }
0x27d: {  	_ =	swait.ge [sflag:s20], $0x3000  }
0x27e: {  	[sflag:s20] =	ssyncset.done $0x0  }
0x27f: {  	[sflag:s20] =	ssyncadd.s32 $0xFFFFD000  }
0x280: {  	[bflag:$0x0] =	sbarrier.arrive $0xFFFF  }
0x281: {  	s10 =	rddreg [dreg:$0xc]  }
0x282: {  	[hbm:s10], [sflag:s9] =	dma.local @p0 [spmem:s24], $0x2800  }
0x283: {  	s10 =	simm.s32 @p0 $0x3  }
0x284: {  	_ =	swait.ge @p0 [sflag:s10], $0x2800  }
0x285: {  	s8 =	sadd.s32 $0x1, s8;
	[sflag:s10] =	ssyncset.done @p0 $0x0  }
0x286: {  	p1 =	sne.s32 s8, s18;
	[sflag:s10] =	ssyncadd.s32 @p0 $0xFFFFD800;
	s10 =	rddreg [dreg:$0xb]  }
0x287: {  	[hbm:s10], [sflag:s9] =	dma.local @!p0 [spmem:s25], $0x2700  }
.Ltmp5:
0x288: {  	_ = 	snop;
	(pc) =	sbr.rel @p1 .LBB2_1-.Ltmp5, $4  }
0x289: {  	s9 =	simm.s32 @!p0 $0x3  }
0x28a: {  	_ =	swait.ge @!p0 [sflag:s9], $0x2700  }
0x28b: {  	[sflag:s9] =	ssyncset.done @!p0 $0x0  }
0x28c: {  	[sflag:s9] =	ssyncadd.s32 @!p0 $0xFFFFD900  }
0x28d: {  	_ =	sfence.sel $0x180000  }
0x28e: {  	[bflag:$0x0] =	sbarrier.arrive $0xFFFF  }
0x28f: {  	_ =	strace $0x9000004A  }
0x290: {  	s0 =	stileid.u32;
	[bflag:$0x2] =	sbarrier.arrive $0xFFFF  }
0x291: {  	p0 =	sne.s32 s0, $0x0;
	s0 =	rddreg [dreg:$0x3]  }
0x292: {  	s0 =	sadd.s32 @!p0 $0x100000, s0  }
0x293: {  	[sflag:s0] =	ssyncadd.tile.s32 @!p0 $0x1;
	_ =	shalt  }
.Lfunc_end2:
_tile_overlayer_lowered:
.L_overlay_start_2:
0x294: {  	(tag) =	ssettag $0x2  }
0x295: {  	s0 =	rddreg [dreg:$0x0];
	s2 =	stileid.u32  }
0x296: {  	s1 =	rddreg [dreg:$0x1];
	p0 =	sne.s32 s2, $0x0  }
0x297: {  	s3 =	rddreg [dreg:$0x2];
	[bflag:$0x3] =	sbarrier.arrive $0xFFFF;
	s2 =	simm.s32 @!p0 $0x1C03  }
0x298: {  	[timem:s3], [sflag:s2] =	dma.local @!p0 [hbm:s0], s1  }
0x299: {  	s0 =	simm.s32 @!p0 $0x3  }
0x29a: {  	_ =	swait.ge @!p0 [sflag:s0], s1  }
0x29b: {  	s1 =	ssub.s32 @!p0 $0x0, s1;
	[sflag:s0] =	ssyncset.done @!p0 $0x0  }
0x29c: {  	[sflag:s0] =	ssyncadd.s32 @!p0 s1  }
0x29d: {  	[bflag:$0x3] =	sbarrier.arrive $0xFFFF  }
0x29e: {  	_ =	shalt  }

</sc_bundles>
